<compile_context>
chip_gen: v7x
topology: tpu7x:2x2x1
jax: 0.10.2.dev20260603
libtpu: 0.0.44.dev20260713+nightly
codegen_flags: <defaults>
</compile_context>

<pallas_src>
import jax
import jax.numpy as jnp
from jax import lax
from jax.experimental import pallas as pl
from jax.experimental.pallas import tpu as pltpu
from jax.experimental.pallas import tpu_sc as plsc

_NC = 2
_NS = 16
_NW = _NC * _NS
_B = 16384
_H = 50
_D = 64
_BW = _B // _NW
_CH = 128
_NCHUNK = _H * (_BW // _CH)


def _iota16():
    return lax.iota(jnp.int32, 16)


def _gather_body(tableP, idx_t, out_t, idxblk, pidx, parb, rows, outv,
                 gsem, wsem):
    w = lax.axis_index("s") * _NC + lax.axis_index("c")
    b0 = w * _BW
    pltpu.sync_copy(idx_t.at[:, pl.ds(b0, _BW)], idxblk)

    def prep_and_fire(t, s):
        h = t // 4
        cc = t & 3
        hvec = jnp.full((16,), 0, jnp.int32) + h
        for jg in range(8):
            cvec = _CH * cc + 16 * jg + _iota16()
            v = plsc.load_gather(idxblk, [hvec, cvec])
            pidx[s, pl.ds(jg * 16, 16)] = jnp.right_shift(v, 1)
            parb[s, jg, :] = jnp.left_shift(jnp.bitwise_and(v, 1), 6)
        pltpu.async_copy(tableP.at[pidx.at[s]], rows.at[s], gsem.at[s])

    def drain_gathers(s):
        pltpu.make_async_copy(
            tableP.at[pidx.at[s]], rows.at[s], gsem.at[s]).wait()

    def drain_wb():
        pltpu.make_async_copy(
            outv.at[0], out_t.at[0].at[:, pl.ds(0, _CH)], wsem
        ).wait()

    def assemble_and_wb(u, s):
        h = u // 4
        cc = u & 3
        iot = _iota16()
        for jg in range(8):
            parv = parb[s, jg, :]
            jvec = 16 * jg + iot

            @plsc.parallel_loop(0, _D, unroll=16)
            def dloop(i):
                dv = (i & ~15) + ((iot + i) & 15)
                vals = plsc.load_gather(rows.at[s], [jvec, parv + dv])
                plsc.store_scatter(outv.at[s], [dv, jvec], vals)

        pltpu.async_copy(
            outv.at[s],
            out_t.at[h].at[:, pl.ds(b0 + _CH * cc, _CH)],
            wsem,
        )

    def group(g, carry):
        for b in range(2):
            t = 2 * g + b

            @pl.when(t < _NCHUNK)
            def _():
                prep_and_fire(t, b)

            @pl.when((t >= 1) & (t <= _NCHUNK))
            def _():
                drain_gathers(1 - b)

                @pl.when(t >= 3)
                def _():
                    drain_wb()

                assemble_and_wb(t - 1, 1 - b)

        return carry

    lax.fori_loop(0, _NCHUNK // 2 + 1, group, 0)
    drain_wb()
    drain_wb()


_VB2 = 3906


def _transpose_body(table_t, tail_in, tableP, inb, outb, tailb, gsem, wsem):
    w = lax.axis_index("s") * _NC + lax.axis_index("c")
    iot = _iota16()

    def fetch(c, s):
        pltpu.async_copy(
            table_t.at[:, pl.ds(c * 256, 256)], inb.at[s], gsem.at[s]
        )

    def drain_fetch(s):
        pltpu.make_async_copy(
            table_t.at[:, pl.ds(0, 256)], inb.at[s], gsem.at[s]
        ).wait()

    def drain_wb():
        pltpu.make_async_copy(
            outb.at[0], tableP.at[pl.ds(0, 128)], wsem
        ).wait()

    def assemble(c, s):
        for lg in range(8):
            rowv = (16 * lg + iot) & 63
            par = lg // 4
            lvec = 16 * lg + iot

            @plsc.parallel_loop(0, 128, unroll=16)
            def ploop(i):
                pv = (i & ~15) + ((iot + i) & 15)
                vals = plsc.load_gather(inb.at[s], [rowv, 2 * pv + par])
                plsc.store_scatter(outb.at[s], [pv, lvec], vals)

        pltpu.async_copy(outb.at[s], tableP.at[pl.ds(128 * c, 128)], wsem)

    def group(g, carry):
        for b in range(2):
            t = 2 * g + b
            c = w + _NW * t

            @pl.when(c < _VB2)
            def _():
                fetch(c, b)

            u = t - 1
            cu = w + _NW * u

            @pl.when((u >= 0) & (cu < _VB2))
            def _():
                drain_fetch(1 - b)

                @pl.when(u >= 2)
                def _():
                    drain_wb()

                assemble(cu, 1 - b)

        return carry

    lax.fori_loop(0, (_VB2 // _NW + 2) // 2 + 1, group, 0)
    drain_wb()
    drain_wb()

    @pl.when(w == _NW - 1)
    def _():
        pltpu.sync_copy(tail_in, tailb)
        pltpu.sync_copy(tailb, tableP.at[pl.ds(_VB2 * 128, 32)])


@jax.jit
def _transpose(table_t, tail_in):
    mesh = plsc.VectorSubcoreMesh(core_axis_name="c", subcore_axis_name="s")
    f = pl.kernel(
        _transpose_body,
        mesh=mesh,
        out_type=jax.ShapeDtypeStruct((_VB2 * 128 + 32, 128), jnp.float32),
        scratch_types=[
            pltpu.VMEM((2, 64, 256), jnp.float32),
            pltpu.VMEM((2, 128, 128), jnp.float32),
            pltpu.VMEM((32, 128), jnp.float32),
            pltpu.SemaphoreType.DMA((2,)),
            pltpu.SemaphoreType.DMA,
        ],
        compiler_params=pltpu.CompilerParams(
            use_tc_tiling_on_sc=True, needs_layout_passes=False),
    )
    return f(table_t, tail_in)


@jax.jit
def _gather(tableP, idx_t):
    mesh = plsc.VectorSubcoreMesh(core_axis_name="c", subcore_axis_name="s")
    f = pl.kernel(
        _gather_body,
        mesh=mesh,
        out_type=jax.ShapeDtypeStruct((_H, _D, _B), jnp.float32),
        scratch_types=[
            pltpu.VMEM((_H, _BW), jnp.int32),
            pltpu.VMEM((2, 128), jnp.int32),
            pltpu.VMEM((2, 8, 16), jnp.int32),
            pltpu.VMEM((2, _CH, 128), jnp.float32),
            pltpu.VMEM((2, _D, _CH), jnp.float32),
            pltpu.SemaphoreType.DMA((2,)),
            pltpu.SemaphoreType.DMA,
        ],
        compiler_params=pltpu.CompilerParams(use_tc_tiling_on_sc=True, needs_layout_passes=False),
    )
    return f(tableP, idx_t)


def kernel(input_ids, embedding_table):
    idx_t = input_ids.T
    table_t = embedding_table.T
    tail_in = embedding_table[_VB2 * 256:].reshape(32, 128)
    tableP = _transpose(table_t, tail_in)
    out_t = _gather(tableP, idx_t)
    return jnp.transpose(out_t, (2, 0, 1))

# --- scband reference (transcript-rebuilt; emitter-appended) ---
"""Pipeline reference for scband-embedding-only-model-4114578670414 (READ-ONLY COPY).

The authoritative reference and input builder live on the scoring server;
editing this copy changes nothing except your own understanding.
"""

import jax, jax.numpy as jnp
import numpy as np

VOCAB = 1000000
EMBED_DIM = 64
BATCH = 16384
HIST_LEN = 50


def setup_inputs(seed: int = 0) -> dict:
    key = jax.random.key(seed)
    k_idx, k_tab = jax.random.split(key)
    input_ids = jax.random.randint(k_idx, (BATCH, HIST_LEN), 0, VOCAB, dtype=jnp.int32)
    # Learned parameter: embedding table (nn.Embedding weight), N(0, 1) init like torch default
    embedding_table = jax.random.normal(k_tab, (VOCAB, EMBED_DIM), dtype=jnp.float32)
    return {"input_ids": input_ids, "embedding_table": embedding_table}


def reference(input_ids, embedding_table):
    # EmbeddingOnlyModel.forward: self.embeddings(input_ids) -> gather rows from the table
    return jnp.take(embedding_table, input_ids, axis=0)

if __name__ == "__main__":
    import jax
    _d = setup_inputs()
    print(jax.jit(kernel)(*tuple(_d.values())))

</pallas_src>

<mosaic_0001>
#map = affine_map<(d0, d1) -> (0, 0)>
module attributes {stable_mosaic.version = 14 : i64} {
  func.func @_transpose_body(%arg0: i32, %arg1: i32, %arg2: memref<64x1000000xf32, #tpu.memory_space<hbm>>, %arg3: memref<32x128xf32, #tpu.memory_space<hbm>>, %arg4: memref<500000x128xf32, #tpu.memory_space<hbm>>, %arg5: memref<2x64x256xf32, #tpu.memory_space<vmem>>, %arg6: memref<2x128x128xf32, #tpu.memory_space<vmem>>, %arg7: memref<32x128xf32, #tpu.memory_space<vmem>>, %arg8: memref<2x!tpu.dma_semaphore, #tpu.memory_space<semaphore_mem>>, %arg9: memref<!tpu.dma_semaphore, #tpu.memory_space<semaphore_mem>>) attributes {dimension_semantics = [#tpu.dimension_semantics<core_parallel>, #tpu.dimension_semantics<subcore_parallel>], iteration_bounds = array<i64: 2, 16>, scalar_prefetch = 0 : i64, scratch_operands = 5 : i64, tpu.core_type = #tpu.core_type<sc_vector_subcore>, window_params = [{transform_indices = #map}, {transform_indices = #map}, {transform_indices = #map}]} {
    %mul3A = arith.constant 2 : i32
    %mul3A_0 = arith.muli %arg1, %mul3A : i32
    %add3A = arith.addi %mul3A_0, %arg0 : i32
    %iota3A = tpu.iota {dimensions = array<i32: 0>} : vector<16xi32>
    %scan3A = arith.constant 0 : i32
    %scan3A_1 = arith.constant 0 : i32
    %scan3A_2 = arith.constant 63 : i32
    %scan3A_3 = arith.addi %scan3A_1, %scan3A_2 : i32
    %scan3A_4 = arith.constant 1 : i32
    scf.for %scan3A_37 = %scan3A_1 to %scan3A_3 step %scan3A_4  : i32 {
      %mul3A_38 = arith.constant 2 : i32
      %mul3A_39 = arith.muli %mul3A_38, %scan3A_37 : i32
      %add3A_40 = arith.constant 0 : i32
      %add3A_41 = arith.addi %mul3A_39, %add3A_40 : i32
      %mul3A_42 = arith.constant 32 : i32
      %mul3A_43 = arith.muli %mul3A_42, %add3A_41 : i32
      %add3A_44 = arith.addi %add3A, %mul3A_43 : i32
      %lt3A = arith.constant 3906 : i32
      %lt3A_45 = arith.cmpi slt, %add3A_44, %lt3A : i32
      %convert_element_type3A_46 = arith.extui %lt3A_45 : i1 to i32
      %cond3A_47 = arith.constant 0 : i32
      %cond3A_48 = arith.cmpi ne, %convert_element_type3A_46, %cond3A_47 : i32
      scf.if %cond3A_48 {
        %mul3A_84 = arith.constant 256 : i32
        %mul3A_85 = arith.muli %add3A_44, %mul3A_84 : i32
        %dma_start3A = arith.constant 0 : i32
        %dma_start3A_86 = arith.constant 0 : i32
        %dma_start3A_87 = arith.constant 0 : i32
        %dma_start3A_88 = arith.constant 0 : i32
        %dma_start3A_89 = tpu.memref_slice %arg5[%dma_start3A, %dma_start3A_87, %dma_start3A_88] : memref<2x64x256xf32, #tpu.memory_space<vmem>> -> memref<1x64x256xf32, #tpu.memory_space<vmem>>
        %dma_start3A_90 = tpu.memref_squeeze %dma_start3A_89 : memref<1x64x256xf32, #tpu.memory_space<vmem>> -> memref<64x256xf32, #tpu.memory_space<vmem>>
        %dma_start3A_91 = arith.constant 0 : i32
        %dma_start3A_92 = tpu.memref_slice %arg2[%dma_start3A_91, %mul3A_85] : memref<64x1000000xf32, #tpu.memory_space<hbm>> -> memref<64x256xf32, #tpu.memory_space<hbm>>
        %dma_start3A_93 = tpu.memref_slice %arg8[%dma_start3A_86] : memref<2x!tpu.dma_semaphore, #tpu.memory_space<semaphore_mem>> -> memref<1x!tpu.dma_semaphore, #tpu.memory_space<semaphore_mem>>
        %dma_start3A_94 = tpu.memref_squeeze %dma_start3A_93 : memref<1x!tpu.dma_semaphore, #tpu.memory_space<semaphore_mem>> -> memref<!tpu.dma_semaphore, #tpu.memory_space<semaphore_mem>>
        %dma_start3A_95 = arith.constant 0 : i32
        %dma_start3A_96 = arith.constant 0 : i32
        %dma_start3A_97 = tpu.memref_slice %arg5[%dma_start3A, %dma_start3A_95, %dma_start3A_96] : memref<2x64x256xf32, #tpu.memory_space<vmem>> -> memref<1x64x256xf32, #tpu.memory_space<vmem>>
        %dma_start3A_98 = tpu.memref_squeeze %dma_start3A_97 : memref<1x64x256xf32, #tpu.memory_space<vmem>> -> memref<64x256xf32, #tpu.memory_space<vmem>>
        %dma_start3A_99 = arith.constant 0 : i32
        %dma_start3A_100 = tpu.memref_slice %arg2[%dma_start3A_99, %mul3A_85] : memref<64x1000000xf32, #tpu.memory_space<hbm>> -> memref<64x256xf32, #tpu.memory_space<hbm>>
        tpu.enqueue_dma source(%dma_start3A_100 : memref<64x256xf32, #tpu.memory_space<hbm>>) target(%dma_start3A_98 : memref<64x256xf32, #tpu.memory_space<vmem>>) target_semaphore(%dma_start3A_94 : memref<!tpu.dma_semaphore, #tpu.memory_space<semaphore_mem>>)
      } else {
      }
      %sub3A = arith.constant 1 : i32
      %sub3A_49 = arith.subi %add3A_41, %sub3A : i32
      %mul3A_50 = arith.constant 32 : i32
      %mul3A_51 = arith.muli %mul3A_50, %sub3A_49 : i32
      %add3A_52 = arith.addi %add3A, %mul3A_51 : i32
      %ge3A = arith.constant 0 : i32
      %ge3A_53 = arith.cmpi sge, %sub3A_49, %ge3A : i32
      %lt3A_54 = arith.constant 3906 : i32
      %lt3A_55 = arith.cmpi slt, %add3A_52, %lt3A_54 : i32
      %and3A = arith.andi %ge3A_53, %lt3A_55 : i1
      %convert_element_type3A_56 = arith.extui %and3A : i1 to i32
      %cond3A_57 = arith.constant 0 : i32
      %cond3A_58 = arith.cmpi ne, %convert_element_type3A_56, %cond3A_57 : i32
      scf.if %cond3A_58 {
        %dma_wait3A_84 = arith.constant 1 : i32
        %dma_wait3A_85 = arith.constant 1 : i32
        %dma_wait3A_86 = arith.constant 0 : i32
        %dma_wait3A_87 = arith.constant 0 : i32
        %dma_wait3A_88 = tpu.memref_slice %arg5[%dma_wait3A_84, %dma_wait3A_86, %dma_wait3A_87] : memref<2x64x256xf32, #tpu.memory_space<vmem>> -> memref<1x64x256xf32, #tpu.memory_space<vmem>>
        %dma_wait3A_89 = tpu.memref_squeeze %dma_wait3A_88 : memref<1x64x256xf32, #tpu.memory_space<vmem>> -> memref<64x256xf32, #tpu.memory_space<vmem>>
        %dma_wait3A_90 = arith.constant 0 : i32
        %dma_wait3A_91 = arith.constant 0 : i32
        %dma_wait3A_92 = tpu.memref_slice %arg2[%dma_wait3A_90, %dma_wait3A_91] : memref<64x1000000xf32, #tpu.memory_space<hbm>> -> memref<64x256xf32, #tpu.memory_space<hbm>>
        %dma_wait3A_93 = tpu.memref_slice %arg8[%dma_wait3A_85] : memref<2x!tpu.dma_semaphore, #tpu.memory_space<semaphore_mem>> -> memref<1x!tpu.dma_semaphore, #tpu.memory_space<semaphore_mem>>
        %dma_wait3A_94 = tpu.memref_squeeze %dma_wait3A_93 : memref<1x!tpu.dma_semaphore, #tpu.memory_space<semaphore_mem>> -> memref<!tpu.dma_semaphore, #tpu.memory_space<semaphore_mem>>
        %dma_wait3A_95 = arith.constant 0 : i32
        %dma_wait3A_96 = arith.constant 0 : i32
        %dma_wait3A_97 = tpu.memref_slice %arg5[%dma_wait3A_84, %dma_wait3A_95, %dma_wait3A_96] : memref<2x64x256xf32, #tpu.memory_space<vmem>> -> memref<1x64x256xf32, #tpu.memory_space<vmem>>
        %dma_wait3A_98 = tpu.memref_squeeze %dma_wait3A_97 : memref<1x64x256xf32, #tpu.memory_space<vmem>> -> memref<64x256xf32, #tpu.memory_space<vmem>>
        %dma_wait3A_99 = arith.constant 0 : i32
        %dma_wait3A_100 = arith.constant 0 : i32
        %dma_wait3A_101 = tpu.memref_slice %arg2[%dma_wait3A_99, %dma_wait3A_100] : memref<64x1000000xf32, #tpu.memory_space<hbm>> -> memref<64x256xf32, #tpu.memory_space<hbm>>
        tpu.wait_dma2 semaphore(%dma_wait3A_94 : memref<!tpu.dma_semaphore, #tpu.memory_space<semaphore_mem>>) src(%dma_wait3A_101 : memref<64x256xf32, #tpu.memory_space<hbm>>) dst(%dma_wait3A_98 : memref<64x256xf32, #tpu.memory_space<vmem>>)
        %ge3A_102 = arith.constant 2 : i32
        %ge3A_103 = arith.cmpi sge, %sub3A_49, %ge3A_102 : i32
        %convert_element_type3A_104 = arith.extui %ge3A_103 : i1 to i32
        %cond3A_105 = arith.constant 0 : i32
        %cond3A_106 = arith.cmpi ne, %convert_element_type3A_104, %cond3A_105 : i32
        scf.if %cond3A_106 {
          %dma_wait3A_216 = arith.constant 0 : i32
          %dma_wait3A_217 = arith.constant 0 : i32
          %dma_wait3A_218 = arith.constant 0 : i32
          %dma_wait3A_219 = tpu.memref_slice %arg6[%dma_wait3A_216, %dma_wait3A_217, %dma_wait3A_218] : memref<2x128x128xf32, #tpu.memory_space<vmem>> -> memref<1x128x128xf32, #tpu.memory_space<vmem>>
          %dma_wait3A_220 = tpu.memref_squeeze %dma_wait3A_219 : memref<1x128x128xf32, #tpu.memory_space<vmem>> -> memref<128x128xf32, #tpu.memory_space<vmem>>
          %dma_wait3A_221 = arith.constant 0 : i32
          %dma_wait3A_222 = arith.constant 0 : i32
          %dma_wait3A_223 = tpu.memref_slice %arg4[%dma_wait3A_221, %dma_wait3A_222] : memref<500000x128xf32, #tpu.memory_space<hbm>> -> memref<128x128xf32, #tpu.memory_space<hbm>>
          %dma_wait3A_224 = arith.constant 0 : i32
          %dma_wait3A_225 = arith.constant 0 : i32
          %dma_wait3A_226 = tpu.memref_slice %arg4[%dma_wait3A_224, %dma_wait3A_225] : memref<500000x128xf32, #tpu.memory_space<hbm>> -> memref<128x128xf32, #tpu.memory_space<hbm>>
          %dma_wait3A_227 = arith.constant 0 : i32
          %dma_wait3A_228 = arith.constant 0 : i32
          %dma_wait3A_229 = tpu.memref_slice %arg6[%dma_wait3A_216, %dma_wait3A_227, %dma_wait3A_228] : memref<2x128x128xf32, #tpu.memory_space<vmem>> -> memref<1x128x128xf32, #tpu.memory_space<vmem>>
          %dma_wait3A_230 = tpu.memref_squeeze %dma_wait3A_229 : memref<1x128x128xf32, #tpu.memory_space<vmem>> -> memref<128x128xf32, #tpu.memory_space<vmem>>
          tpu.wait_dma2 semaphore(%arg9 : memref<!tpu.dma_semaphore, #tpu.memory_space<semaphore_mem>>) src(%dma_wait3A_230 : memref<128x128xf32, #tpu.memory_space<vmem>>) dst(%dma_wait3A_226 : memref<128x128xf32, #tpu.memory_space<hbm>>)
        } else {
        }
        %add3A_107 = arith.constant 0 : i32
        %add3A_108 = vector.broadcast %add3A_107 : i32 to vector<16xi32>
        %add3A_109 = arith.addi %add3A_108, %iota3A : vector<16xi32>
        %and3A_110 = arith.constant 63 : i32
        %and3A_111 = vector.broadcast %and3A_110 : i32 to vector<16xi32>
        %and3A_112 = arith.andi %add3A_109, %and3A_111 : vector<16xi32>
        %add3A_113 = arith.constant 0 : i32
        %add3A_114 = vector.broadcast %add3A_113 : i32 to vector<16xi32>
        %add3A_115 = arith.addi %add3A_114, %iota3A : vector<16xi32>
        %parallel_loop3A = arith.constant 0 : i32
        %parallel_loop3A_116 = arith.constant 128 : i32
        %parallel_loop3A_117 = arith.constant 1 : i32
        scf.for %parallel_loop3A_216 = %parallel_loop3A to %parallel_loop3A_116 step %parallel_loop3A_117  : i32 {
          %parallel_loop3A_217 = arith.constant -16 : i32
          %parallel_loop3A_218 = arith.andi %parallel_loop3A_216, %parallel_loop3A_217 : i32
          %parallel_loop3A_219 = vector.broadcast %parallel_loop3A_216 : i32 to vector<16xi32>
          %parallel_loop3A_220 = arith.addi %iota3A, %parallel_loop3A_219 : vector<16xi32>
          %parallel_loop3A_221 = arith.constant 15 : i32
          %parallel_loop3A_222 = vector.broadcast %parallel_loop3A_221 : i32 to vector<16xi32>
          %parallel_loop3A_223 = arith.andi %parallel_loop3A_220, %parallel_loop3A_222 : vector<16xi32>
          %parallel_loop3A_224 = vector.broadcast %parallel_loop3A_218 : i32 to vector<16xi32>
          %parallel_loop3A_225 = arith.addi %parallel_loop3A_224, %parallel_loop3A_223 : vector<16xi32>
          %parallel_loop3A_226 = arith.constant 2 : i32
          %parallel_loop3A_227 = vector.broadcast %parallel_loop3A_226 : i32 to vector<16xi32>
          %parallel_loop3A_228 = arith.muli %parallel_loop3A_227, %parallel_loop3A_225 : vector<16xi32>
          %parallel_loop3A_229 = arith.constant 0 : i32
          %parallel_loop3A_230 = vector.broadcast %parallel_loop3A_229 : i32 to vector<16xi32>
          %parallel_loop3A_231 = arith.addi %parallel_loop3A_228, %parallel_loop3A_230 : vector<16xi32>
          %parallel_loop3A_232 = arith.constant 1 : i32
          %parallel_loop3A_233 = arith.constant 0 : i32
          %parallel_loop3A_234 = arith.constant 0 : i32
          %parallel_loop3A_235 = tpu.memref_slice %arg5[%parallel_loop3A_232, %parallel_loop3A_233, %parallel_loop3A_234] : memref<2x64x256xf32, #tpu.memory_space<vmem>> -> memref<1x64x256xf32, #tpu.memory_space<vmem>>
          %parallel_loop3A_236 = tpu.memref_squeeze %parallel_loop3A_235 : memref<1x64x256xf32, #tpu.memory_space<vmem>> -> memref<64x256xf32, #tpu.memory_space<vmem>>
          %parallel_loop3A_237 = tpu.vector_load_idx %parallel_loop3A_236[%and3A_112, %parallel_loop3A_231] : memref<64x256xf32, #tpu.memory_space<vmem>>[vector<16xi32>, vector<16xi32>], vector<16xf32>,
          %parallel_loop3A_238 = arith.constant 1 : i32
          %parallel_loop3A_239 = arith.constant 0 : i32
          %parallel_loop3A_240 = arith.constant 0 : i32
          %parallel_loop3A_241 = tpu.memref_slice %arg6[%parallel_loop3A_238, %parallel_loop3A_239, %parallel_loop3A_240] : memref<2x128x128xf32, #tpu.memory_space<vmem>> -> memref<1x128x128xf32, #tpu.memory_space<vmem>>
          %parallel_loop3A_242 = tpu.memref_squeeze %parallel_loop3A_241 : memref<1x128x128xf32, #tpu.memory_space<vmem>> -> memref<128x128xf32, #tpu.memory_space<vmem>>
          tpu.vector_store_idx %parallel_loop3A_242[%parallel_loop3A_225, %add3A_115], %parallel_loop3A_237 : memref<128x128xf32, #tpu.memory_space<vmem>>[vector<16xi32>, vector<16xi32>], vector<16xf32>,
        } {sc.loop_unroll_factor = 16 : i64, sc.parallel_access}
        %add3A_118 = arith.constant 16 : i32
        %add3A_119 = vector.broadcast %add3A_118 : i32 to vector<16xi32>
        %add3A_120 = arith.addi %add3A_119, %iota3A : vector<16xi32>
        %and3A_121 = arith.constant 63 : i32
        %and3A_122 = vector.broadcast %and3A_121 : i32 to vector<16xi32>
        %and3A_123 = arith.andi %add3A_120, %and3A_122 : vector<16xi32>
        %add3A_124 = arith.constant 16 : i32
        %add3A_125 = vector.broadcast %add3A_124 : i32 to vector<16xi32>
        %add3A_126 = arith.addi %add3A_125, %iota3A : vector<16xi32>
        %parallel_loop3A_127 = arith.constant 0 : i32
        %parallel_loop3A_128 = arith.constant 128 : i32
        %parallel_loop3A_129 = arith.constant 1 : i32
        scf.for %parallel_loop3A_216 = %parallel_loop3A_127 to %parallel_loop3A_128 step %parallel_loop3A_129  : i32 {
          %parallel_loop3A_217 = arith.constant -16 : i32
          %parallel_loop3A_218 = arith.andi %parallel_loop3A_216, %parallel_loop3A_217 : i32
          %parallel_loop3A_219 = vector.broadcast %parallel_loop3A_216 : i32 to vector<16xi32>
          %parallel_loop3A_220 = arith.addi %iota3A, %parallel_loop3A_219 : vector<16xi32>
          %parallel_loop3A_221 = arith.constant 15 : i32
          %parallel_loop3A_222 = vector.broadcast %parallel_loop3A_221 : i32 to vector<16xi32>
          %parallel_loop3A_223 = arith.andi %parallel_loop3A_220, %parallel_loop3A_222 : vector<16xi32>
          %parallel_loop3A_224 = vector.broadcast %parallel_loop3A_218 : i32 to vector<16xi32>
          %parallel_loop3A_225 = arith.addi %parallel_loop3A_224, %parallel_loop3A_223 : vector<16xi32>
          %parallel_loop3A_226 = arith.constant 2 : i32
          %parallel_loop3A_227 = vector.broadcast %parallel_loop3A_226 : i32 to vector<16xi32>
          %parallel_loop3A_228 = arith.muli %parallel_loop3A_227, %parallel_loop3A_225 : vector<16xi32>
          %parallel_loop3A_229 = arith.constant 0 : i32
          %parallel_loop3A_230 = vector.broadcast %parallel_loop3A_229 : i32 to vector<16xi32>
          %parallel_loop3A_231 = arith.addi %parallel_loop3A_228, %parallel_loop3A_230 : vector<16xi32>
          %parallel_loop3A_232 = arith.constant 1 : i32
          %parallel_loop3A_233 = arith.constant 0 : i32
          %parallel_loop3A_234 = arith.constant 0 : i32
          %parallel_loop3A_235 = tpu.memref_slice %arg5[%parallel_loop3A_232, %parallel_loop3A_233, %parallel_loop3A_234] : memref<2x64x256xf32, #tpu.memory_space<vmem>> -> memref<1x64x256xf32, #tpu.memory_space<vmem>>
          %parallel_loop3A_236 = tpu.memref_squeeze %parallel_loop3A_235 : memref<1x64x256xf32, #tpu.memory_space<vmem>> -> memref<64x256xf32, #tpu.memory_space<vmem>>
          %parallel_loop3A_237 = tpu.vector_load_idx %parallel_loop3A_236[%and3A_123, %parallel_loop3A_231] : memref<64x256xf32, #tpu.memory_space<vmem>>[vector<16xi32>, vector<16xi32>], vector<16xf32>,
          %parallel_loop3A_238 = arith.constant 1 : i32
          %parallel_loop3A_239 = arith.constant 0 : i32
          %parallel_loop3A_240 = arith.constant 0 : i32
          %parallel_loop3A_241 = tpu.memref_slice %arg6[%parallel_loop3A_238, %parallel_loop3A_239, %parallel_loop3A_240] : memref<2x128x128xf32, #tpu.memory_space<vmem>> -> memref<1x128x128xf32, #tpu.memory_space<vmem>>
          %parallel_loop3A_242 = tpu.memref_squeeze %parallel_loop3A_241 : memref<1x128x128xf32, #tpu.memory_space<vmem>> -> memref<128x128xf32, #tpu.memory_space<vmem>>
          tpu.vector_store_idx %parallel_loop3A_242[%parallel_loop3A_225, %add3A_126], %parallel_loop3A_237 : memref<128x128xf32, #tpu.memory_space<vmem>>[vector<16xi32>, vector<16xi32>], vector<16xf32>,
        } {sc.loop_unroll_factor = 16 : i64, sc.parallel_access}
        %add3A_130 = arith.constant 32 : i32
        %add3A_131 = vector.broadcast %add3A_130 : i32 to vector<16xi32>
        %add3A_132 = arith.addi %add3A_131, %iota3A : vector<16xi32>
        %and3A_133 = arith.constant 63 : i32
        %and3A_134 = vector.broadcast %and3A_133 : i32 to vector<16xi32>
        %and3A_135 = arith.andi %add3A_132, %and3A_134 : vector<16xi32>
        %add3A_136 = arith.constant 32 : i32
        %add3A_137 = vector.broadcast %add3A_136 : i32 to vector<16xi32>
        %add3A_138 = arith.addi %add3A_137, %iota3A : vector<16xi32>
        %parallel_loop3A_139 = arith.constant 0 : i32
        %parallel_loop3A_140 = arith.constant 128 : i32
        %parallel_loop3A_141 = arith.constant 1 : i32
        scf.for %parallel_loop3A_216 = %parallel_loop3A_139 to %parallel_loop3A_140 step %parallel_loop3A_141  : i32 {
          %parallel_loop3A_217 = arith.constant -16 : i32
          %parallel_loop3A_218 = arith.andi %parallel_loop3A_216, %parallel_loop3A_217 : i32
          %parallel_loop3A_219 = vector.broadcast %parallel_loop3A_216 : i32 to vector<16xi32>
          %parallel_loop3A_220 = arith.addi %iota3A, %parallel_loop3A_219 : vector<16xi32>
          %parallel_loop3A_221 = arith.constant 15 : i32
          %parallel_loop3A_222 = vector.broadcast %parallel_loop3A_221 : i32 to vector<16xi32>
          %parallel_loop3A_223 = arith.andi %parallel_loop3A_220, %parallel_loop3A_222 : vector<16xi32>
          %parallel_loop3A_224 = vector.broadcast %parallel_loop3A_218 : i32 to vector<16xi32>
          %parallel_loop3A_225 = arith.addi %parallel_loop3A_224, %parallel_loop3A_223 : vector<16xi32>
          %parallel_loop3A_226 = arith.constant 2 : i32
          %parallel_loop3A_227 = vector.broadcast %parallel_loop3A_226 : i32 to vector<16xi32>
          %parallel_loop3A_228 = arith.muli %parallel_loop3A_227, %parallel_loop3A_225 : vector<16xi32>
          %parallel_loop3A_229 = arith.constant 0 : i32
          %parallel_loop3A_230 = vector.broadcast %parallel_loop3A_229 : i32 to vector<16xi32>
          %parallel_loop3A_231 = arith.addi %parallel_loop3A_228, %parallel_loop3A_230 : vector<16xi32>
          %parallel_loop3A_232 = arith.constant 1 : i32
          %parallel_loop3A_233 = arith.constant 0 : i32
          %parallel_loop3A_234 = arith.constant 0 : i32
          %parallel_loop3A_235 = tpu.memref_slice %arg5[%parallel_loop3A_232, %parallel_loop3A_233, %parallel_loop3A_234] : memref<2x64x256xf32, #tpu.memory_space<vmem>> -> memref<1x64x256xf32, #tpu.memory_space<vmem>>
          %parallel_loop3A_236 = tpu.memref_squeeze %parallel_loop3A_235 : memref<1x64x256xf32, #tpu.memory_space<vmem>> -> memref<64x256xf32, #tpu.memory_space<vmem>>
          %parallel_loop3A_237 = tpu.vector_load_idx %parallel_loop3A_236[%and3A_135, %parallel_loop3A_231] : memref<64x256xf32, #tpu.memory_space<vmem>>[vector<16xi32>, vector<16xi32>], vector<16xf32>,
          %parallel_loop3A_238 = arith.constant 1 : i32
          %parallel_loop3A_239 = arith.constant 0 : i32
          %parallel_loop3A_240 = arith.constant 0 : i32
          %parallel_loop3A_241 = tpu.memref_slice %arg6[%parallel_loop3A_238, %parallel_loop3A_239, %parallel_loop3A_240] : memref<2x128x128xf32, #tpu.memory_space<vmem>> -> memref<1x128x128xf32, #tpu.memory_space<vmem>>
          %parallel_loop3A_242 = tpu.memref_squeeze %parallel_loop3A_241 : memref<1x128x128xf32, #tpu.memory_space<vmem>> -> memref<128x128xf32, #tpu.memory_space<vmem>>
          tpu.vector_store_idx %parallel_loop3A_242[%parallel_loop3A_225, %add3A_138], %parallel_loop3A_237 : memref<128x128xf32, #tpu.memory_space<vmem>>[vector<16xi32>, vector<16xi32>], vector<16xf32>,
        } {sc.loop_unroll_factor = 16 : i64, sc.parallel_access}
        %add3A_142 = arith.constant 48 : i32
        %add3A_143 = vector.broadcast %add3A_142 : i32 to vector<16xi32>
        %add3A_144 = arith.addi %add3A_143, %iota3A : vector<16xi32>
        %and3A_145 = arith.constant 63 : i32
        %and3A_146 = vector.broadcast %and3A_145 : i32 to vector<16xi32>
        %and3A_147 = arith.andi %add3A_144, %and3A_146 : vector<16xi32>
        %add3A_148 = arith.constant 48 : i32
        %add3A_149 = vector.broadcast %add3A_148 : i32 to vector<16xi32>
        %add3A_150 = arith.addi %add3A_149, %iota3A : vector<16xi32>
        %parallel_loop3A_151 = arith.constant 0 : i32
        %parallel_loop3A_152 = arith.constant 128 : i32
        %parallel_loop3A_153 = arith.constant 1 : i32
        scf.for %parallel_loop3A_216 = %parallel_loop3A_151 to %parallel_loop3A_152 step %parallel_loop3A_153  : i32 {
          %parallel_loop3A_217 = arith.constant -16 : i32
          %parallel_loop3A_218 = arith.andi %parallel_loop3A_216, %parallel_loop3A_217 : i32
          %parallel_loop3A_219 = vector.broadcast %parallel_loop3A_216 : i32 to vector<16xi32>
          %parallel_loop3A_220 = arith.addi %iota3A, %parallel_loop3A_219 : vector<16xi32>
          %parallel_loop3A_221 = arith.constant 15 : i32
          %parallel_loop3A_222 = vector.broadcast %parallel_loop3A_221 : i32 to vector<16xi32>
          %parallel_loop3A_223 = arith.andi %parallel_loop3A_220, %parallel_loop3A_222 : vector<16xi32>
          %parallel_loop3A_224 = vector.broadcast %parallel_loop3A_218 : i32 to vector<16xi32>
          %parallel_loop3A_225 = arith.addi %parallel_loop3A_224, %parallel_loop3A_223 : vector<16xi32>
          %parallel_loop3A_226 = arith.constant 2 : i32
          %parallel_loop3A_227 = vector.broadcast %parallel_loop3A_226 : i32 to vector<16xi32>
          %parallel_loop3A_228 = arith.muli %parallel_loop3A_227, %parallel_loop3A_225 : vector<16xi32>
          %parallel_loop3A_229 = arith.constant 0 : i32
          %parallel_loop3A_230 = vector.broadcast %parallel_loop3A_229 : i32 to vector<16xi32>
          %parallel_loop3A_231 = arith.addi %parallel_loop3A_228, %parallel_loop3A_230 : vector<16xi32>
          %parallel_loop3A_232 = arith.constant 1 : i32
          %parallel_loop3A_233 = arith.constant 0 : i32
          %parallel_loop3A_234 = arith.constant 0 : i32
          %parallel_loop3A_235 = tpu.memref_slice %arg5[%parallel_loop3A_232, %parallel_loop3A_233, %parallel_loop3A_234] : memref<2x64x256xf32, #tpu.memory_space<vmem>> -> memref<1x64x256xf32, #tpu.memory_space<vmem>>
          %parallel_loop3A_236 = tpu.memref_squeeze %parallel_loop3A_235 : memref<1x64x256xf32, #tpu.memory_space<vmem>> -> memref<64x256xf32, #tpu.memory_space<vmem>>
          %parallel_loop3A_237 = tpu.vector_load_idx %parallel_loop3A_236[%and3A_147, %parallel_loop3A_231] : memref<64x256xf32, #tpu.memory_space<vmem>>[vector<16xi32>, vector<16xi32>], vector<16xf32>,
          %parallel_loop3A_238 = arith.constant 1 : i32
          %parallel_loop3A_239 = arith.constant 0 : i32
          %parallel_loop3A_240 = arith.constant 0 : i32
          %parallel_loop3A_241 = tpu.memref_slice %arg6[%parallel_loop3A_238, %parallel_loop3A_239, %parallel_loop3A_240] : memref<2x128x128xf32, #tpu.memory_space<vmem>> -> memref<1x128x128xf32, #tpu.memory_space<vmem>>
          %parallel_loop3A_242 = tpu.memref_squeeze %parallel_loop3A_241 : memref<1x128x128xf32, #tpu.memory_space<vmem>> -> memref<128x128xf32, #tpu.memory_space<vmem>>
          tpu.vector_store_idx %parallel_loop3A_242[%parallel_loop3A_225, %add3A_150], %parallel_loop3A_237 : memref<128x128xf32, #tpu.memory_space<vmem>>[vector<16xi32>, vector<16xi32>], vector<16xf32>,
        } {sc.loop_unroll_factor = 16 : i64, sc.parallel_access}
        %add3A_154 = arith.constant 64 : i32
        %add3A_155 = vector.broadcast %add3A_154 : i32 to vector<16xi32>
        %add3A_156 = arith.addi %add3A_155, %iota3A : vector<16xi32>
        %and3A_157 = arith.constant 63 : i32
        %and3A_158 = vector.broadcast %and3A_157 : i32 to vector<16xi32>
        %and3A_159 = arith.andi %add3A_156, %and3A_158 : vector<16xi32>
        %add3A_160 = arith.constant 64 : i32
        %add3A_161 = vector.broadcast %add3A_160 : i32 to vector<16xi32>
        %add3A_162 = arith.addi %add3A_161, %iota3A : vector<16xi32>
        %parallel_loop3A_163 = arith.constant 0 : i32
        %parallel_loop3A_164 = arith.constant 128 : i32
        %parallel_loop3A_165 = arith.constant 1 : i32
        scf.for %parallel_loop3A_216 = %parallel_loop3A_163 to %parallel_loop3A_164 step %parallel_loop3A_165  : i32 {
          %parallel_loop3A_217 = arith.constant -16 : i32
          %parallel_loop3A_218 = arith.andi %parallel_loop3A_216, %parallel_loop3A_217 : i32
          %parallel_loop3A_219 = vector.broadcast %parallel_loop3A_216 : i32 to vector<16xi32>
          %parallel_loop3A_220 = arith.addi %iota3A, %parallel_loop3A_219 : vector<16xi32>
          %parallel_loop3A_221 = arith.constant 15 : i32
          %parallel_loop3A_222 = vector.broadcast %parallel_loop3A_221 : i32 to vector<16xi32>
          %parallel_loop3A_223 = arith.andi %parallel_loop3A_220, %parallel_loop3A_222 : vector<16xi32>
          %parallel_loop3A_224 = vector.broadcast %parallel_loop3A_218 : i32 to vector<16xi32>
          %parallel_loop3A_225 = arith.addi %parallel_loop3A_224, %parallel_loop3A_223 : vector<16xi32>
          %parallel_loop3A_226 = arith.constant 2 : i32
          %parallel_loop3A_227 = vector.broadcast %parallel_loop3A_226 : i32 to vector<16xi32>
          %parallel_loop3A_228 = arith.muli %parallel_loop3A_227, %parallel_loop3A_225 : vector<16xi32>
          %parallel_loop3A_229 = arith.constant 1 : i32
          %parallel_loop3A_230 = vector.broadcast %parallel_loop3A_229 : i32 to vector<16xi32>
          %parallel_loop3A_231 = arith.addi %parallel_loop3A_228, %parallel_loop3A_230 : vector<16xi32>
          %parallel_loop3A_232 = arith.constant 1 : i32
          %parallel_loop3A_233 = arith.constant 0 : i32
          %parallel_loop3A_234 = arith.constant 0 : i32
          %parallel_loop3A_235 = tpu.memref_slice %arg5[%parallel_loop3A_232, %parallel_loop3A_233, %parallel_loop3A_234] : memref<2x64x256xf32, #tpu.memory_space<vmem>> -> memref<1x64x256xf32, #tpu.memory_space<vmem>>
          %parallel_loop3A_236 = tpu.memref_squeeze %parallel_loop3A_235 : memref<1x64x256xf32, #tpu.memory_space<vmem>> -> memref<64x256xf32, #tpu.memory_space<vmem>>
          %parallel_loop3A_237 = tpu.vector_load_idx %parallel_loop3A_236[%and3A_159, %parallel_loop3A_231] : memref<64x256xf32, #tpu.memory_space<vmem>>[vector<16xi32>, vector<16xi32>], vector<16xf32>,
          %parallel_loop3A_238 = arith.constant 1 : i32
          %parallel_loop3A_239 = arith.constant 0 : i32
          %parallel_loop3A_240 = arith.constant 0 : i32
          %parallel_loop3A_241 = tpu.memref_slice %arg6[%parallel_loop3A_238, %parallel_loop3A_239, %parallel_loop3A_240] : memref<2x128x128xf32, #tpu.memory_space<vmem>> -> memref<1x128x128xf32, #tpu.memory_space<vmem>>
          %parallel_loop3A_242 = tpu.memref_squeeze %parallel_loop3A_241 : memref<1x128x128xf32, #tpu.memory_space<vmem>> -> memref<128x128xf32, #tpu.memory_space<vmem>>
          tpu.vector_store_idx %parallel_loop3A_242[%parallel_loop3A_225, %add3A_162], %parallel_loop3A_237 : memref<128x128xf32, #tpu.memory_space<vmem>>[vector<16xi32>, vector<16xi32>], vector<16xf32>,
        } {sc.loop_unroll_factor = 16 : i64, sc.parallel_access}
        %add3A_166 = arith.constant 80 : i32
        %add3A_167 = vector.broadcast %add3A_166 : i32 to vector<16xi32>
        %add3A_168 = arith.addi %add3A_167, %iota3A : vector<16xi32>
        %and3A_169 = arith.constant 63 : i32
        %and3A_170 = vector.broadcast %and3A_169 : i32 to vector<16xi32>
        %and3A_171 = arith.andi %add3A_168, %and3A_170 : vector<16xi32>
        %add3A_172 = arith.constant 80 : i32
        %add3A_173 = vector.broadcast %add3A_172 : i32 to vector<16xi32>
        %add3A_174 = arith.addi %add3A_173, %iota3A : vector<16xi32>
        %parallel_loop3A_175 = arith.constant 0 : i32
        %parallel_loop3A_176 = arith.constant 128 : i32
        %parallel_loop3A_177 = arith.constant 1 : i32
        scf.for %parallel_loop3A_216 = %parallel_loop3A_175 to %parallel_loop3A_176 step %parallel_loop3A_177  : i32 {
          %parallel_loop3A_217 = arith.constant -16 : i32
          %parallel_loop3A_218 = arith.andi %parallel_loop3A_216, %parallel_loop3A_217 : i32
          %parallel_loop3A_219 = vector.broadcast %parallel_loop3A_216 : i32 to vector<16xi32>
          %parallel_loop3A_220 = arith.addi %iota3A, %parallel_loop3A_219 : vector<16xi32>
          %parallel_loop3A_221 = arith.constant 15 : i32
          %parallel_loop3A_222 = vector.broadcast %parallel_loop3A_221 : i32 to vector<16xi32>
          %parallel_loop3A_223 = arith.andi %parallel_loop3A_220, %parallel_loop3A_222 : vector<16xi32>
          %parallel_loop3A_224 = vector.broadcast %parallel_loop3A_218 : i32 to vector<16xi32>
          %parallel_loop3A_225 = arith.addi %parallel_loop3A_224, %parallel_loop3A_223 : vector<16xi32>
          %parallel_loop3A_226 = arith.constant 2 : i32
          %parallel_loop3A_227 = vector.broadcast %parallel_loop3A_226 : i32 to vector<16xi32>
          %parallel_loop3A_228 = arith.muli %parallel_loop3A_227, %parallel_loop3A_225 : vector<16xi32>
          %parallel_loop3A_229 = arith.constant 1 : i32
          %parallel_loop3A_230 = vector.broadcast %parallel_loop3A_229 : i32 to vector<16xi32>
          %parallel_loop3A_231 = arith.addi %parallel_loop3A_228, %parallel_loop3A_230 : vector<16xi32>
          %parallel_loop3A_232 = arith.constant 1 : i32
          %parallel_loop3A_233 = arith.constant 0 : i32
          %parallel_loop3A_234 = arith.constant 0 : i32
          %parallel_loop3A_235 = tpu.memref_slice %arg5[%parallel_loop3A_232, %parallel_loop3A_233, %parallel_loop3A_234] : memref<2x64x256xf32, #tpu.memory_space<vmem>> -> memref<1x64x256xf32, #tpu.memory_space<vmem>>
          %parallel_loop3A_236 = tpu.memref_squeeze %parallel_loop3A_235 : memref<1x64x256xf32, #tpu.memory_space<vmem>> -> memref<64x256xf32, #tpu.memory_space<vmem>>
          %parallel_loop3A_237 = tpu.vector_load_idx %parallel_loop3A_236[%and3A_171, %parallel_loop3A_231] : memref<64x256xf32, #tpu.memory_space<vmem>>[vector<16xi32>, vector<16xi32>], vector<16xf32>,
          %parallel_loop3A_238 = arith.constant 1 : i32
          %parallel_loop3A_239 = arith.constant 0 : i32
          %parallel_loop3A_240 = arith.constant 0 : i32
          %parallel_loop3A_241 = tpu.memref_slice %arg6[%parallel_loop3A_238, %parallel_loop3A_239, %parallel_loop3A_240] : memref<2x128x128xf32, #tpu.memory_space<vmem>> -> memref<1x128x128xf32, #tpu.memory_space<vmem>>
          %parallel_loop3A_242 = tpu.memref_squeeze %parallel_loop3A_241 : memref<1x128x128xf32, #tpu.memory_space<vmem>> -> memref<128x128xf32, #tpu.memory_space<vmem>>
          tpu.vector_store_idx %parallel_loop3A_242[%parallel_loop3A_225, %add3A_174], %parallel_loop3A_237 : memref<128x128xf32, #tpu.memory_space<vmem>>[vector<16xi32>, vector<16xi32>], vector<16xf32>,
        } {sc.loop_unroll_factor = 16 : i64, sc.parallel_access}
        %add3A_178 = arith.constant 96 : i32
        %add3A_179 = vector.broadcast %add3A_178 : i32 to vector<16xi32>
        %add3A_180 = arith.addi %add3A_179, %iota3A : vector<16xi32>
        %and3A_181 = arith.constant 63 : i32
        %and3A_182 = vector.broadcast %and3A_181 : i32 to vector<16xi32>
        %and3A_183 = arith.andi %add3A_180, %and3A_182 : vector<16xi32>
        %add3A_184 = arith.constant 96 : i32
        %add3A_185 = vector.broadcast %add3A_184 : i32 to vector<16xi32>
        %add3A_186 = arith.addi %add3A_185, %iota3A : vector<16xi32>
        %parallel_loop3A_187 = arith.constant 0 : i32
        %parallel_loop3A_188 = arith.constant 128 : i32
        %parallel_loop3A_189 = arith.constant 1 : i32
        scf.for %parallel_loop3A_216 = %parallel_loop3A_187 to %parallel_loop3A_188 step %parallel_loop3A_189  : i32 {
          %parallel_loop3A_217 = arith.constant -16 : i32
          %parallel_loop3A_218 = arith.andi %parallel_loop3A_216, %parallel_loop3A_217 : i32
          %parallel_loop3A_219 = vector.broadcast %parallel_loop3A_216 : i32 to vector<16xi32>
          %parallel_loop3A_220 = arith.addi %iota3A, %parallel_loop3A_219 : vector<16xi32>
          %parallel_loop3A_221 = arith.constant 15 : i32
          %parallel_loop3A_222 = vector.broadcast %parallel_loop3A_221 : i32 to vector<16xi32>
          %parallel_loop3A_223 = arith.andi %parallel_loop3A_220, %parallel_loop3A_222 : vector<16xi32>
          %parallel_loop3A_224 = vector.broadcast %parallel_loop3A_218 : i32 to vector<16xi32>
          %parallel_loop3A_225 = arith.addi %parallel_loop3A_224, %parallel_loop3A_223 : vector<16xi32>
          %parallel_loop3A_226 = arith.constant 2 : i32
          %parallel_loop3A_227 = vector.broadcast %parallel_loop3A_226 : i32 to vector<16xi32>
          %parallel_loop3A_228 = arith.muli %parallel_loop3A_227, %parallel_loop3A_225 : vector<16xi32>
          %parallel_loop3A_229 = arith.constant 1 : i32
          %parallel_loop3A_230 = vector.broadcast %parallel_loop3A_229 : i32 to vector<16xi32>
          %parallel_loop3A_231 = arith.addi %parallel_loop3A_228, %parallel_loop3A_230 : vector<16xi32>
          %parallel_loop3A_232 = arith.constant 1 : i32
          %parallel_loop3A_233 = arith.constant 0 : i32
          %parallel_loop3A_234 = arith.constant 0 : i32
          %parallel_loop3A_235 = tpu.memref_slice %arg5[%parallel_loop3A_232, %parallel_loop3A_233, %parallel_loop3A_234] : memref<2x64x256xf32, #tpu.memory_space<vmem>> -> memref<1x64x256xf32, #tpu.memory_space<vmem>>
          %parallel_loop3A_236 = tpu.memref_squeeze %parallel_loop3A_235 : memref<1x64x256xf32, #tpu.memory_space<vmem>> -> memref<64x256xf32, #tpu.memory_space<vmem>>
          %parallel_loop3A_237 = tpu.vector_load_idx %parallel_loop3A_236[%and3A_183, %parallel_loop3A_231] : memref<64x256xf32, #tpu.memory_space<vmem>>[vector<16xi32>, vector<16xi32>], vector<16xf32>,
          %parallel_loop3A_238 = arith.constant 1 : i32
          %parallel_loop3A_239 = arith.constant 0 : i32
          %parallel_loop3A_240 = arith.constant 0 : i32
          %parallel_loop3A_241 = tpu.memref_slice %arg6[%parallel_loop3A_238, %parallel_loop3A_239, %parallel_loop3A_240] : memref<2x128x128xf32, #tpu.memory_space<vmem>> -> memref<1x128x128xf32, #tpu.memory_space<vmem>>
          %parallel_loop3A_242 = tpu.memref_squeeze %parallel_loop3A_241 : memref<1x128x128xf32, #tpu.memory_space<vmem>> -> memref<128x128xf32, #tpu.memory_space<vmem>>
          tpu.vector_store_idx %parallel_loop3A_242[%parallel_loop3A_225, %add3A_186], %parallel_loop3A_237 : memref<128x128xf32, #tpu.memory_space<vmem>>[vector<16xi32>, vector<16xi32>], vector<16xf32>,
        } {sc.loop_unroll_factor = 16 : i64, sc.parallel_access}
        %add3A_190 = arith.constant 112 : i32
        %add3A_191 = vector.broadcast %add3A_190 : i32 to vector<16xi32>
        %add3A_192 = arith.addi %add3A_191, %iota3A : vector<16xi32>
        %and3A_193 = arith.constant 63 : i32
        %and3A_194 = vector.broadcast %and3A_193 : i32 to vector<16xi32>
        %and3A_195 = arith.andi %add3A_192, %and3A_194 : vector<16xi32>
        %add3A_196 = arith.constant 112 : i32
        %add3A_197 = vector.broadcast %add3A_196 : i32 to vector<16xi32>
        %add3A_198 = arith.addi %add3A_197, %iota3A : vector<16xi32>
        %parallel_loop3A_199 = arith.constant 0 : i32
        %parallel_loop3A_200 = arith.constant 128 : i32
        %parallel_loop3A_201 = arith.constant 1 : i32
        scf.for %parallel_loop3A_216 = %parallel_loop3A_199 to %parallel_loop3A_200 step %parallel_loop3A_201  : i32 {
          %parallel_loop3A_217 = arith.constant -16 : i32
          %parallel_loop3A_218 = arith.andi %parallel_loop3A_216, %parallel_loop3A_217 : i32
          %parallel_loop3A_219 = vector.broadcast %parallel_loop3A_216 : i32 to vector<16xi32>
          %parallel_loop3A_220 = arith.addi %iota3A, %parallel_loop3A_219 : vector<16xi32>
          %parallel_loop3A_221 = arith.constant 15 : i32
          %parallel_loop3A_222 = vector.broadcast %parallel_loop3A_221 : i32 to vector<16xi32>
          %parallel_loop3A_223 = arith.andi %parallel_loop3A_220, %parallel_loop3A_222 : vector<16xi32>
          %parallel_loop3A_224 = vector.broadcast %parallel_loop3A_218 : i32 to vector<16xi32>
          %parallel_loop3A_225 = arith.addi %parallel_loop3A_224, %parallel_loop3A_223 : vector<16xi32>
          %parallel_loop3A_226 = arith.constant 2 : i32
          %parallel_loop3A_227 = vector.broadcast %parallel_loop3A_226 : i32 to vector<16xi32>
          %parallel_loop3A_228 = arith.muli %parallel_loop3A_227, %parallel_loop3A_225 : vector<16xi32>
          %parallel_loop3A_229 = arith.constant 1 : i32
          %parallel_loop3A_230 = vector.broadcast %parallel_loop3A_229 : i32 to vector<16xi32>
          %parallel_loop3A_231 = arith.addi %parallel_loop3A_228, %parallel_loop3A_230 : vector<16xi32>
          %parallel_loop3A_232 = arith.constant 1 : i32
          %parallel_loop3A_233 = arith.constant 0 : i32
          %parallel_loop3A_234 = arith.constant 0 : i32
          %parallel_loop3A_235 = tpu.memref_slice %arg5[%parallel_loop3A_232, %parallel_loop3A_233, %parallel_loop3A_234] : memref<2x64x256xf32, #tpu.memory_space<vmem>> -> memref<1x64x256xf32, #tpu.memory_space<vmem>>
          %parallel_loop3A_236 = tpu.memref_squeeze %parallel_loop3A_235 : memref<1x64x256xf32, #tpu.memory_space<vmem>> -> memref<64x256xf32, #tpu.memory_space<vmem>>
          %parallel_loop3A_237 = tpu.vector_load_idx %parallel_loop3A_236[%and3A_195, %parallel_loop3A_231] : memref<64x256xf32, #tpu.memory_space<vmem>>[vector<16xi32>, vector<16xi32>], vector<16xf32>,
          %parallel_loop3A_238 = arith.constant 1 : i32
          %parallel_loop3A_239 = arith.constant 0 : i32
          %parallel_loop3A_240 = arith.constant 0 : i32
          %parallel_loop3A_241 = tpu.memref_slice %arg6[%parallel_loop3A_238, %parallel_loop3A_239, %parallel_loop3A_240] : memref<2x128x128xf32, #tpu.memory_space<vmem>> -> memref<1x128x128xf32, #tpu.memory_space<vmem>>
          %parallel_loop3A_242 = tpu.memref_squeeze %parallel_loop3A_241 : memref<1x128x128xf32, #tpu.memory_space<vmem>> -> memref<128x128xf32, #tpu.memory_space<vmem>>
          tpu.vector_store_idx %parallel_loop3A_242[%parallel_loop3A_225, %add3A_198], %parallel_loop3A_237 : memref<128x128xf32, #tpu.memory_space<vmem>>[vector<16xi32>, vector<16xi32>], vector<16xf32>,
        } {sc.loop_unroll_factor = 16 : i64, sc.parallel_access}
        %mul3A_202 = arith.constant 128 : i32
        %mul3A_203 = arith.muli %mul3A_202, %add3A_52 : i32
        %dma_start3A = arith.constant 1 : i32
        %dma_start3A_204 = arith.constant 0 : i32
        %dma_start3A_205 = arith.constant 0 : i32
        %dma_start3A_206 = tpu.memref_slice %arg6[%dma_start3A, %dma_start3A_204, %dma_start3A_205] : memref<2x128x128xf32, #tpu.memory_space<vmem>> -> memref<1x128x128xf32, #tpu.memory_space<vmem>>
        %dma_start3A_207 = tpu.memref_squeeze %dma_start3A_206 : memref<1x128x128xf32, #tpu.memory_space<vmem>> -> memref<128x128xf32, #tpu.memory_space<vmem>>
        %dma_start3A_208 = arith.constant 0 : i32
        %dma_start3A_209 = tpu.memref_slice %arg4[%mul3A_203, %dma_start3A_208] : memref<500000x128xf32, #tpu.memory_space<hbm>> -> memref<128x128xf32, #tpu.memory_space<hbm>>
        %dma_start3A_210 = arith.constant 0 : i32
        %dma_start3A_211 = tpu.memref_slice %arg4[%mul3A_203, %dma_start3A_210] : memref<500000x128xf32, #tpu.memory_space<hbm>> -> memref<128x128xf32, #tpu.memory_space<hbm>>
        %dma_start3A_212 = arith.constant 0 : i32
        %dma_start3A_213 = arith.constant 0 : i32
        %dma_start3A_214 = tpu.memref_slice %arg6[%dma_start3A, %dma_start3A_212, %dma_start3A_213] : memref<2x128x128xf32, #tpu.memory_space<vmem>> -> memref<1x128x128xf32, #tpu.memory_space<vmem>>
        %dma_start3A_215 = tpu.memref_squeeze %dma_start3A_214 : memref<1x128x128xf32, #tpu.memory_space<vmem>> -> memref<128x128xf32, #tpu.memory_space<vmem>>
        tpu.enqueue_dma source(%dma_start3A_215 : memref<128x128xf32, #tpu.memory_space<vmem>>) target(%dma_start3A_211 : memref<128x128xf32, #tpu.memory_space<hbm>>) target_semaphore(%arg9 : memref<!tpu.dma_semaphore, #tpu.memory_space<semaphore_mem>>)
      } else {
      }
      %mul3A_59 = arith.constant 2 : i32
      %mul3A_60 = arith.muli %mul3A_59, %scan3A_37 : i32
      %add3A_61 = arith.constant 1 : i32
      %add3A_62 = arith.addi %mul3A_60, %add3A_61 : i32
      %mul3A_63 = arith.constant 32 : i32
      %mul3A_64 = arith.muli %mul3A_63, %add3A_62 : i32
      %add3A_65 = arith.addi %add3A, %mul3A_64 : i32
      %lt3A_66 = arith.constant 3906 : i32
      %lt3A_67 = arith.cmpi slt, %add3A_65, %lt3A_66 : i32
      %convert_element_type3A_68 = arith.extui %lt3A_67 : i1 to i32
      %cond3A_69 = arith.constant 0 : i32
      %cond3A_70 = arith.cmpi ne, %convert_element_type3A_68, %cond3A_69 : i32
      scf.if %cond3A_70 {
        %mul3A_84 = arith.constant 256 : i32
        %mul3A_85 = arith.muli %add3A_65, %mul3A_84 : i32
        %dma_start3A = arith.constant 1 : i32
        %dma_start3A_86 = arith.constant 1 : i32
        %dma_start3A_87 = arith.constant 0 : i32
        %dma_start3A_88 = arith.constant 0 : i32
        %dma_start3A_89 = tpu.memref_slice %arg5[%dma_start3A, %dma_start3A_87, %dma_start3A_88] : memref<2x64x256xf32, #tpu.memory_space<vmem>> -> memref<1x64x256xf32, #tpu.memory_space<vmem>>
        %dma_start3A_90 = tpu.memref_squeeze %dma_start3A_89 : memref<1x64x256xf32, #tpu.memory_space<vmem>> -> memref<64x256xf32, #tpu.memory_space<vmem>>
        %dma_start3A_91 = arith.constant 0 : i32
        %dma_start3A_92 = tpu.memref_slice %arg2[%dma_start3A_91, %mul3A_85] : memref<64x1000000xf32, #tpu.memory_space<hbm>> -> memref<64x256xf32, #tpu.memory_space<hbm>>
        %dma_start3A_93 = tpu.memref_slice %arg8[%dma_start3A_86] : memref<2x!tpu.dma_semaphore, #tpu.memory_space<semaphore_mem>> -> memref<1x!tpu.dma_semaphore, #tpu.memory_space<semaphore_mem>>
        %dma_start3A_94 = tpu.memref_squeeze %dma_start3A_93 : memref<1x!tpu.dma_semaphore, #tpu.memory_space<semaphore_mem>> -> memref<!tpu.dma_semaphore, #tpu.memory_space<semaphore_mem>>
        %dma_start3A_95 = arith.constant 0 : i32
        %dma_start3A_96 = arith.constant 0 : i32
        %dma_start3A_97 = tpu.memref_slice %arg5[%dma_start3A, %dma_start3A_95, %dma_start3A_96] : memref<2x64x256xf32, #tpu.memory_space<vmem>> -> memref<1x64x256xf32, #tpu.memory_space<vmem>>
        %dma_start3A_98 = tpu.memref_squeeze %dma_start3A_97 : memref<1x64x256xf32, #tpu.memory_space<vmem>> -> memref<64x256xf32, #tpu.memory_space<vmem>>
        %dma_start3A_99 = arith.constant 0 : i32
        %dma_start3A_100 = tpu.memref_slice %arg2[%dma_start3A_99, %mul3A_85] : memref<64x1000000xf32, #tpu.memory_space<hbm>> -> memref<64x256xf32, #tpu.memory_space<hbm>>
        tpu.enqueue_dma source(%dma_start3A_100 : memref<64x256xf32, #tpu.memory_space<hbm>>) target(%dma_start3A_98 : memref<64x256xf32, #tpu.memory_space<vmem>>) target_semaphore(%dma_start3A_94 : memref<!tpu.dma_semaphore, #tpu.memory_space<semaphore_mem>>)
      } else {
      }
      %sub3A_71 = arith.constant 1 : i32
      %sub3A_72 = arith.subi %add3A_62, %sub3A_71 : i32
      %mul3A_73 = arith.constant 32 : i32
      %mul3A_74 = arith.muli %mul3A_73, %sub3A_72 : i32
      %add3A_75 = arith.addi %add3A, %mul3A_74 : i32
      %ge3A_76 = arith.constant 0 : i32
      %ge3A_77 = arith.cmpi sge, %sub3A_72, %ge3A_76 : i32
      %lt3A_78 = arith.constant 3906 : i32
      %lt3A_79 = arith.cmpi slt, %add3A_75, %lt3A_78 : i32
      %and3A_80 = arith.andi %ge3A_77, %lt3A_79 : i1
      %convert_element_type3A_81 = arith.extui %and3A_80 : i1 to i32
      %cond3A_82 = arith.constant 0 : i32
      %cond3A_83 = arith.cmpi ne, %convert_element_type3A_81, %cond3A_82 : i32
      scf.if %cond3A_83 {
        %dma_wait3A_84 = arith.constant 0 : i32
        %dma_wait3A_85 = arith.constant 0 : i32
        %dma_wait3A_86 = arith.constant 0 : i32
        %dma_wait3A_87 = arith.constant 0 : i32
        %dma_wait3A_88 = tpu.memref_slice %arg5[%dma_wait3A_84, %dma_wait3A_86, %dma_wait3A_87] : memref<2x64x256xf32, #tpu.memory_space<vmem>> -> memref<1x64x256xf32, #tpu.memory_space<vmem>>
        %dma_wait3A_89 = tpu.memref_squeeze %dma_wait3A_88 : memref<1x64x256xf32, #tpu.memory_space<vmem>> -> memref<64x256xf32, #tpu.memory_space<vmem>>
        %dma_wait3A_90 = arith.constant 0 : i32
        %dma_wait3A_91 = arith.constant 0 : i32
        %dma_wait3A_92 = tpu.memref_slice %arg2[%dma_wait3A_90, %dma_wait3A_91] : memref<64x1000000xf32, #tpu.memory_space<hbm>> -> memref<64x256xf32, #tpu.memory_space<hbm>>
        %dma_wait3A_93 = tpu.memref_slice %arg8[%dma_wait3A_85] : memref<2x!tpu.dma_semaphore, #tpu.memory_space<semaphore_mem>> -> memref<1x!tpu.dma_semaphore, #tpu.memory_space<semaphore_mem>>
        %dma_wait3A_94 = tpu.memref_squeeze %dma_wait3A_93 : memref<1x!tpu.dma_semaphore, #tpu.memory_space<semaphore_mem>> -> memref<!tpu.dma_semaphore, #tpu.memory_space<semaphore_mem>>
        %dma_wait3A_95 = arith.constant 0 : i32
        %dma_wait3A_96 = arith.constant 0 : i32
        %dma_wait3A_97 = tpu.memref_slice %arg5[%dma_wait3A_84, %dma_wait3A_95, %dma_wait3A_96] : memref<2x64x256xf32, #tpu.memory_space<vmem>> -> memref<1x64x256xf32, #tpu.memory_space<vmem>>
        %dma_wait3A_98 = tpu.memref_squeeze %dma_wait3A_97 : memref<1x64x256xf32, #tpu.memory_space<vmem>> -> memref<64x256xf32, #tpu.memory_space<vmem>>
        %dma_wait3A_99 = arith.constant 0 : i32
        %dma_wait3A_100 = arith.constant 0 : i32
        %dma_wait3A_101 = tpu.memref_slice %arg2[%dma_wait3A_99, %dma_wait3A_100] : memref<64x1000000xf32, #tpu.memory_space<hbm>> -> memref<64x256xf32, #tpu.memory_space<hbm>>
        tpu.wait_dma2 semaphore(%dma_wait3A_94 : memref<!tpu.dma_semaphore, #tpu.memory_space<semaphore_mem>>) src(%dma_wait3A_101 : memref<64x256xf32, #tpu.memory_space<hbm>>) dst(%dma_wait3A_98 : memref<64x256xf32, #tpu.memory_space<vmem>>)
        %ge3A_102 = arith.constant 2 : i32
        %ge3A_103 = arith.cmpi sge, %sub3A_72, %ge3A_102 : i32
        %convert_element_type3A_104 = arith.extui %ge3A_103 : i1 to i32
        %cond3A_105 = arith.constant 0 : i32
        %cond3A_106 = arith.cmpi ne, %convert_element_type3A_104, %cond3A_105 : i32
        scf.if %cond3A_106 {
          %dma_wait3A_216 = arith.constant 0 : i32
          %dma_wait3A_217 = arith.constant 0 : i32
          %dma_wait3A_218 = arith.constant 0 : i32
          %dma_wait3A_219 = tpu.memref_slice %arg6[%dma_wait3A_216, %dma_wait3A_217, %dma_wait3A_218] : memref<2x128x128xf32, #tpu.memory_space<vmem>> -> memref<1x128x128xf32, #tpu.memory_space<vmem>>
          %dma_wait3A_220 = tpu.memref_squeeze %dma_wait3A_219 : memref<1x128x128xf32, #tpu.memory_space<vmem>> -> memref<128x128xf32, #tpu.memory_space<vmem>>
          %dma_wait3A_221 = arith.constant 0 : i32
          %dma_wait3A_222 = arith.constant 0 : i32
          %dma_wait3A_223 = tpu.memref_slice %arg4[%dma_wait3A_221, %dma_wait3A_222] : memref<500000x128xf32, #tpu.memory_space<hbm>> -> memref<128x128xf32, #tpu.memory_space<hbm>>
          %dma_wait3A_224 = arith.constant 0 : i32
          %dma_wait3A_225 = arith.constant 0 : i32
          %dma_wait3A_226 = tpu.memref_slice %arg4[%dma_wait3A_224, %dma_wait3A_225] : memref<500000x128xf32, #tpu.memory_space<hbm>> -> memref<128x128xf32, #tpu.memory_space<hbm>>
          %dma_wait3A_227 = arith.constant 0 : i32
          %dma_wait3A_228 = arith.constant 0 : i32
          %dma_wait3A_229 = tpu.memref_slice %arg6[%dma_wait3A_216, %dma_wait3A_227, %dma_wait3A_228] : memref<2x128x128xf32, #tpu.memory_space<vmem>> -> memref<1x128x128xf32, #tpu.memory_space<vmem>>
          %dma_wait3A_230 = tpu.memref_squeeze %dma_wait3A_229 : memref<1x128x128xf32, #tpu.memory_space<vmem>> -> memref<128x128xf32, #tpu.memory_space<vmem>>
          tpu.wait_dma2 semaphore(%arg9 : memref<!tpu.dma_semaphore, #tpu.memory_space<semaphore_mem>>) src(%dma_wait3A_230 : memref<128x128xf32, #tpu.memory_space<vmem>>) dst(%dma_wait3A_226 : memref<128x128xf32, #tpu.memory_space<hbm>>)
        } else {
        }
        %add3A_107 = arith.constant 0 : i32
        %add3A_108 = vector.broadcast %add3A_107 : i32 to vector<16xi32>
        %add3A_109 = arith.addi %add3A_108, %iota3A : vector<16xi32>
        %and3A_110 = arith.constant 63 : i32
        %and3A_111 = vector.broadcast %and3A_110 : i32 to vector<16xi32>
        %and3A_112 = arith.andi %add3A_109, %and3A_111 : vector<16xi32>
        %add3A_113 = arith.constant 0 : i32
        %add3A_114 = vector.broadcast %add3A_113 : i32 to vector<16xi32>
        %add3A_115 = arith.addi %add3A_114, %iota3A : vector<16xi32>
        %parallel_loop3A = arith.constant 0 : i32
        %parallel_loop3A_116 = arith.constant 128 : i32
        %parallel_loop3A_117 = arith.constant 1 : i32
        scf.for %parallel_loop3A_216 = %parallel_loop3A to %parallel_loop3A_116 step %parallel_loop3A_117  : i32 {
          %parallel_loop3A_217 = arith.constant -16 : i32
          %parallel_loop3A_218 = arith.andi %parallel_loop3A_216, %parallel_loop3A_217 : i32
          %parallel_loop3A_219 = vector.broadcast %parallel_loop3A_216 : i32 to vector<16xi32>
          %parallel_loop3A_220 = arith.addi %iota3A, %parallel_loop3A_219 : vector<16xi32>
          %parallel_loop3A_221 = arith.constant 15 : i32
          %parallel_loop3A_222 = vector.broadcast %parallel_loop3A_221 : i32 to vector<16xi32>
          %parallel_loop3A_223 = arith.andi %parallel_loop3A_220, %parallel_loop3A_222 : vector<16xi32>
          %parallel_loop3A_224 = vector.broadcast %parallel_loop3A_218 : i32 to vector<16xi32>
          %parallel_loop3A_225 = arith.addi %parallel_loop3A_224, %parallel_loop3A_223 : vector<16xi32>
          %parallel_loop3A_226 = arith.constant 2 : i32
          %parallel_loop3A_227 = vector.broadcast %parallel_loop3A_226 : i32 to vector<16xi32>
          %parallel_loop3A_228 = arith.muli %parallel_loop3A_227, %parallel_loop3A_225 : vector<16xi32>
          %parallel_loop3A_229 = arith.constant 0 : i32
          %parallel_loop3A_230 = vector.broadcast %parallel_loop3A_229 : i32 to vector<16xi32>
          %parallel_loop3A_231 = arith.addi %parallel_loop3A_228, %parallel_loop3A_230 : vector<16xi32>
          %parallel_loop3A_232 = arith.constant 0 : i32
          %parallel_loop3A_233 = arith.constant 0 : i32
          %parallel_loop3A_234 = arith.constant 0 : i32
          %parallel_loop3A_235 = tpu.memref_slice %arg5[%parallel_loop3A_232, %parallel_loop3A_233, %parallel_loop3A_234] : memref<2x64x256xf32, #tpu.memory_space<vmem>> -> memref<1x64x256xf32, #tpu.memory_space<vmem>>
          %parallel_loop3A_236 = tpu.memref_squeeze %parallel_loop3A_235 : memref<1x64x256xf32, #tpu.memory_space<vmem>> -> memref<64x256xf32, #tpu.memory_space<vmem>>
          %parallel_loop3A_237 = tpu.vector_load_idx %parallel_loop3A_236[%and3A_112, %parallel_loop3A_231] : memref<64x256xf32, #tpu.memory_space<vmem>>[vector<16xi32>, vector<16xi32>], vector<16xf32>,
          %parallel_loop3A_238 = arith.constant 0 : i32
          %parallel_loop3A_239 = arith.constant 0 : i32
          %parallel_loop3A_240 = arith.constant 0 : i32
          %parallel_loop3A_241 = tpu.memref_slice %arg6[%parallel_loop3A_238, %parallel_loop3A_239, %parallel_loop3A_240] : memref<2x128x128xf32, #tpu.memory_space<vmem>> -> memref<1x128x128xf32, #tpu.memory_space<vmem>>
          %parallel_loop3A_242 = tpu.memref_squeeze %parallel_loop3A_241 : memref<1x128x128xf32, #tpu.memory_space<vmem>> -> memref<128x128xf32, #tpu.memory_space<vmem>>
          tpu.vector_store_idx %parallel_loop3A_242[%parallel_loop3A_225, %add3A_115], %parallel_loop3A_237 : memref<128x128xf32, #tpu.memory_space<vmem>>[vector<16xi32>, vector<16xi32>], vector<16xf32>,
        } {sc.loop_unroll_factor = 16 : i64, sc.parallel_access}
        %add3A_118 = arith.constant 16 : i32
        %add3A_119 = vector.broadcast %add3A_118 : i32 to vector<16xi32>
        %add3A_120 = arith.addi %add3A_119, %iota3A : vector<16xi32>
        %and3A_121 = arith.constant 63 : i32
        %and3A_122 = vector.broadcast %and3A_121 : i32 to vector<16xi32>
        %and3A_123 = arith.andi %add3A_120, %and3A_122 : vector<16xi32>
        %add3A_124 = arith.constant 16 : i32
        %add3A_125 = vector.broadcast %add3A_124 : i32 to vector<16xi32>
        %add3A_126 = arith.addi %add3A_125, %iota3A : vector<16xi32>
        %parallel_loop3A_127 = arith.constant 0 : i32
        %parallel_loop3A_128 = arith.constant 128 : i32
        %parallel_loop3A_129 = arith.constant 1 : i32
        scf.for %parallel_loop3A_216 = %parallel_loop3A_127 to %parallel_loop3A_128 step %parallel_loop3A_129  : i32 {
          %parallel_loop3A_217 = arith.constant -16 : i32
          %parallel_loop3A_218 = arith.andi %parallel_loop3A_216, %parallel_loop3A_217 : i32
          %parallel_loop3A_219 = vector.broadcast %parallel_loop3A_216 : i32 to vector<16xi32>
          %parallel_loop3A_220 = arith.addi %iota3A, %parallel_loop3A_219 : vector<16xi32>
          %parallel_loop3A_221 = arith.constant 15 : i32
          %parallel_loop3A_222 = vector.broadcast %parallel_loop3A_221 : i32 to vector<16xi32>
          %parallel_loop3A_223 = arith.andi %parallel_loop3A_220, %parallel_loop3A_222 : vector<16xi32>
          %parallel_loop3A_224 = vector.broadcast %parallel_loop3A_218 : i32 to vector<16xi32>
          %parallel_loop3A_225 = arith.addi %parallel_loop3A_224, %parallel_loop3A_223 : vector<16xi32>
          %parallel_loop3A_226 = arith.constant 2 : i32
          %parallel_loop3A_227 = vector.broadcast %parallel_loop3A_226 : i32 to vector<16xi32>
          %parallel_loop3A_228 = arith.muli %parallel_loop3A_227, %parallel_loop3A_225 : vector<16xi32>
          %parallel_loop3A_229 = arith.constant 0 : i32
          %parallel_loop3A_230 = vector.broadcast %parallel_loop3A_229 : i32 to vector<16xi32>
          %parallel_loop3A_231 = arith.addi %parallel_loop3A_228, %parallel_loop3A_230 : vector<16xi32>
          %parallel_loop3A_232 = arith.constant 0 : i32
          %parallel_loop3A_233 = arith.constant 0 : i32
          %parallel_loop3A_234 = arith.constant 0 : i32
          %parallel_loop3A_235 = tpu.memref_slice %arg5[%parallel_loop3A_232, %parallel_loop3A_233, %parallel_loop3A_234] : memref<2x64x256xf32, #tpu.memory_space<vmem>> -> memref<1x64x256xf32, #tpu.memory_space<vmem>>
          %parallel_loop3A_236 = tpu.memref_squeeze %parallel_loop3A_235 : memref<1x64x256xf32, #tpu.memory_space<vmem>> -> memref<64x256xf32, #tpu.memory_space<vmem>>
          %parallel_loop3A_237 = tpu.vector_load_idx %parallel_loop3A_236[%and3A_123, %parallel_loop3A_231] : memref<64x256xf32, #tpu.memory_space<vmem>>[vector<16xi32>, vector<16xi32>], vector<16xf32>,
          %parallel_loop3A_238 = arith.constant 0 : i32
          %parallel_loop3A_239 = arith.constant 0 : i32
          %parallel_loop3A_240 = arith.constant 0 : i32
          %parallel_loop3A_241 = tpu.memref_slice %arg6[%parallel_loop3A_238, %parallel_loop3A_239, %parallel_loop3A_240] : memref<2x128x128xf32, #tpu.memory_space<vmem>> -> memref<1x128x128xf32, #tpu.memory_space<vmem>>
          %parallel_loop3A_242 = tpu.memref_squeeze %parallel_loop3A_241 : memref<1x128x128xf32, #tpu.memory_space<vmem>> -> memref<128x128xf32, #tpu.memory_space<vmem>>
          tpu.vector_store_idx %parallel_loop3A_242[%parallel_loop3A_225, %add3A_126], %parallel_loop3A_237 : memref<128x128xf32, #tpu.memory_space<vmem>>[vector<16xi32>, vector<16xi32>], vector<16xf32>,
        } {sc.loop_unroll_factor = 16 : i64, sc.parallel_access}
        %add3A_130 = arith.constant 32 : i32
        %add3A_131 = vector.broadcast %add3A_130 : i32 to vector<16xi32>
        %add3A_132 = arith.addi %add3A_131, %iota3A : vector<16xi32>
        %and3A_133 = arith.constant 63 : i32
        %and3A_134 = vector.broadcast %and3A_133 : i32 to vector<16xi32>
        %and3A_135 = arith.andi %add3A_132, %and3A_134 : vector<16xi32>
        %add3A_136 = arith.constant 32 : i32
        %add3A_137 = vector.broadcast %add3A_136 : i32 to vector<16xi32>
        %add3A_138 = arith.addi %add3A_137, %iota3A : vector<16xi32>
        %parallel_loop3A_139 = arith.constant 0 : i32
        %parallel_loop3A_140 = arith.constant 128 : i32
        %parallel_loop3A_141 = arith.constant 1 : i32
        scf.for %parallel_loop3A_216 = %parallel_loop3A_139 to %parallel_loop3A_140 step %parallel_loop3A_141  : i32 {
          %parallel_loop3A_217 = arith.constant -16 : i32
          %parallel_loop3A_218 = arith.andi %parallel_loop3A_216, %parallel_loop3A_217 : i32
          %parallel_loop3A_219 = vector.broadcast %parallel_loop3A_216 : i32 to vector<16xi32>
          %parallel_loop3A_220 = arith.addi %iota3A, %parallel_loop3A_219 : vector<16xi32>
          %parallel_loop3A_221 = arith.constant 15 : i32
          %parallel_loop3A_222 = vector.broadcast %parallel_loop3A_221 : i32 to vector<16xi32>
          %parallel_loop3A_223 = arith.andi %parallel_loop3A_220, %parallel_loop3A_222 : vector<16xi32>
          %parallel_loop3A_224 = vector.broadcast %parallel_loop3A_218 : i32 to vector<16xi32>
          %parallel_loop3A_225 = arith.addi %parallel_loop3A_224, %parallel_loop3A_223 : vector<16xi32>
          %parallel_loop3A_226 = arith.constant 2 : i32
          %parallel_loop3A_227 = vector.broadcast %parallel_loop3A_226 : i32 to vector<16xi32>
          %parallel_loop3A_228 = arith.muli %parallel_loop3A_227, %parallel_loop3A_225 : vector<16xi32>
          %parallel_loop3A_229 = arith.constant 0 : i32
          %parallel_loop3A_230 = vector.broadcast %parallel_loop3A_229 : i32 to vector<16xi32>
          %parallel_loop3A_231 = arith.addi %parallel_loop3A_228, %parallel_loop3A_230 : vector<16xi32>
          %parallel_loop3A_232 = arith.constant 0 : i32
          %parallel_loop3A_233 = arith.constant 0 : i32
          %parallel_loop3A_234 = arith.constant 0 : i32
          %parallel_loop3A_235 = tpu.memref_slice %arg5[%parallel_loop3A_232, %parallel_loop3A_233, %parallel_loop3A_234] : memref<2x64x256xf32, #tpu.memory_space<vmem>> -> memref<1x64x256xf32, #tpu.memory_space<vmem>>
          %parallel_loop3A_236 = tpu.memref_squeeze %parallel_loop3A_235 : memref<1x64x256xf32, #tpu.memory_space<vmem>> -> memref<64x256xf32, #tpu.memory_space<vmem>>
          %parallel_loop3A_237 = tpu.vector_load_idx %parallel_loop3A_236[%and3A_135, %parallel_loop3A_231] : memref<64x256xf32, #tpu.memory_space<vmem>>[vector<16xi32>, vector<16xi32>], vector<16xf32>,
          %parallel_loop3A_238 = arith.constant 0 : i32
          %parallel_loop3A_239 = arith.constant 0 : i32
          %parallel_loop3A_240 = arith.constant 0 : i32
          %parallel_loop3A_241 = tpu.memref_slice %arg6[%parallel_loop3A_238, %parallel_loop3A_239, %parallel_loop3A_240] : memref<2x128x128xf32, #tpu.memory_space<vmem>> -> memref<1x128x128xf32, #tpu.memory_space<vmem>>
          %parallel_loop3A_242 = tpu.memref_squeeze %parallel_loop3A_241 : memref<1x128x128xf32, #tpu.memory_space<vmem>> -> memref<128x128xf32, #tpu.memory_space<vmem>>
          tpu.vector_store_idx %parallel_loop3A_242[%parallel_loop3A_225, %add3A_138], %parallel_loop3A_237 : memref<128x128xf32, #tpu.memory_space<vmem>>[vector<16xi32>, vector<16xi32>], vector<16xf32>,
        } {sc.loop_unroll_factor = 16 : i64, sc.parallel_access}
        %add3A_142 = arith.constant 48 : i32
        %add3A_143 = vector.broadcast %add3A_142 : i32 to vector<16xi32>
        %add3A_144 = arith.addi %add3A_143, %iota3A : vector<16xi32>
        %and3A_145 = arith.constant 63 : i32
        %and3A_146 = vector.broadcast %and3A_145 : i32 to vector<16xi32>
        %and3A_147 = arith.andi %add3A_144, %and3A_146 : vector<16xi32>
        %add3A_148 = arith.constant 48 : i32
        %add3A_149 = vector.broadcast %add3A_148 : i32 to vector<16xi32>
        %add3A_150 = arith.addi %add3A_149, %iota3A : vector<16xi32>
        %parallel_loop3A_151 = arith.constant 0 : i32
        %parallel_loop3A_152 = arith.constant 128 : i32
        %parallel_loop3A_153 = arith.constant 1 : i32
        scf.for %parallel_loop3A_216 = %parallel_loop3A_151 to %parallel_loop3A_152 step %parallel_loop3A_153  : i32 {
          %parallel_loop3A_217 = arith.constant -16 : i32
          %parallel_loop3A_218 = arith.andi %parallel_loop3A_216, %parallel_loop3A_217 : i32
          %parallel_loop3A_219 = vector.broadcast %parallel_loop3A_216 : i32 to vector<16xi32>
          %parallel_loop3A_220 = arith.addi %iota3A, %parallel_loop3A_219 : vector<16xi32>
          %parallel_loop3A_221 = arith.constant 15 : i32
          %parallel_loop3A_222 = vector.broadcast %parallel_loop3A_221 : i32 to vector<16xi32>
          %parallel_loop3A_223 = arith.andi %parallel_loop3A_220, %parallel_loop3A_222 : vector<16xi32>
          %parallel_loop3A_224 = vector.broadcast %parallel_loop3A_218 : i32 to vector<16xi32>
          %parallel_loop3A_225 = arith.addi %parallel_loop3A_224, %parallel_loop3A_223 : vector<16xi32>
          %parallel_loop3A_226 = arith.constant 2 : i32
          %parallel_loop3A_227 = vector.broadcast %parallel_loop3A_226 : i32 to vector<16xi32>
          %parallel_loop3A_228 = arith.muli %parallel_loop3A_227, %parallel_loop3A_225 : vector<16xi32>
          %parallel_loop3A_229 = arith.constant 0 : i32
          %parallel_loop3A_230 = vector.broadcast %parallel_loop3A_229 : i32 to vector<16xi32>
          %parallel_loop3A_231 = arith.addi %parallel_loop3A_228, %parallel_loop3A_230 : vector<16xi32>
          %parallel_loop3A_232 = arith.constant 0 : i32
          %parallel_loop3A_233 = arith.constant 0 : i32
          %parallel_loop3A_234 = arith.constant 0 : i32
          %parallel_loop3A_235 = tpu.memref_slice %arg5[%parallel_loop3A_232, %parallel_loop3A_233, %parallel_loop3A_234] : memref<2x64x256xf32, #tpu.memory_space<vmem>> -> memref<1x64x256xf32, #tpu.memory_space<vmem>>
          %parallel_loop3A_236 = tpu.memref_squeeze %parallel_loop3A_235 : memref<1x64x256xf32, #tpu.memory_space<vmem>> -> memref<64x256xf32, #tpu.memory_space<vmem>>
          %parallel_loop3A_237 = tpu.vector_load_idx %parallel_loop3A_236[%and3A_147, %parallel_loop3A_231] : memref<64x256xf32, #tpu.memory_space<vmem>>[vector<16xi32>, vector<16xi32>], vector<16xf32>,
          %parallel_loop3A_238 = arith.constant 0 : i32
          %parallel_loop3A_239 = arith.constant 0 : i32
          %parallel_loop3A_240 = arith.constant 0 : i32
          %parallel_loop3A_241 = tpu.memref_slice %arg6[%parallel_loop3A_238, %parallel_loop3A_239, %parallel_loop3A_240] : memref<2x128x128xf32, #tpu.memory_space<vmem>> -> memref<1x128x128xf32, #tpu.memory_space<vmem>>
          %parallel_loop3A_242 = tpu.memref_squeeze %parallel_loop3A_241 : memref<1x128x128xf32, #tpu.memory_space<vmem>> -> memref<128x128xf32, #tpu.memory_space<vmem>>
          tpu.vector_store_idx %parallel_loop3A_242[%parallel_loop3A_225, %add3A_150], %parallel_loop3A_237 : memref<128x128xf32, #tpu.memory_space<vmem>>[vector<16xi32>, vector<16xi32>], vector<16xf32>,
        } {sc.loop_unroll_factor = 16 : i64, sc.parallel_access}
        %add3A_154 = arith.constant 64 : i32
        %add3A_155 = vector.broadcast %add3A_154 : i32 to vector<16xi32>
        %add3A_156 = arith.addi %add3A_155, %iota3A : vector<16xi32>
        %and3A_157 = arith.constant 63 : i32
        %and3A_158 = vector.broadcast %and3A_157 : i32 to vector<16xi32>
        %and3A_159 = arith.andi %add3A_156, %and3A_158 : vector<16xi32>
        %add3A_160 = arith.constant 64 : i32
        %add3A_161 = vector.broadcast %add3A_160 : i32 to vector<16xi32>
        %add3A_162 = arith.addi %add3A_161, %iota3A : vector<16xi32>
        %parallel_loop3A_163 = arith.constant 0 : i32
        %parallel_loop3A_164 = arith.constant 128 : i32
        %parallel_loop3A_165 = arith.constant 1 : i32
        scf.for %parallel_loop3A_216 = %parallel_loop3A_163 to %parallel_loop3A_164 step %parallel_loop3A_165  : i32 {
          %parallel_loop3A_217 = arith.constant -16 : i32
          %parallel_loop3A_218 = arith.andi %parallel_loop3A_216, %parallel_loop3A_217 : i32
          %parallel_loop3A_219 = vector.broadcast %parallel_loop3A_216 : i32 to vector<16xi32>
          %parallel_loop3A_220 = arith.addi %iota3A, %parallel_loop3A_219 : vector<16xi32>
          %parallel_loop3A_221 = arith.constant 15 : i32
          %parallel_loop3A_222 = vector.broadcast %parallel_loop3A_221 : i32 to vector<16xi32>
          %parallel_loop3A_223 = arith.andi %parallel_loop3A_220, %parallel_loop3A_222 : vector<16xi32>
          %parallel_loop3A_224 = vector.broadcast %parallel_loop3A_218 : i32 to vector<16xi32>
          %parallel_loop3A_225 = arith.addi %parallel_loop3A_224, %parallel_loop3A_223 : vector<16xi32>
          %parallel_loop3A_226 = arith.constant 2 : i32
          %parallel_loop3A_227 = vector.broadcast %parallel_loop3A_226 : i32 to vector<16xi32>
          %parallel_loop3A_228 = arith.muli %parallel_loop3A_227, %parallel_loop3A_225 : vector<16xi32>
          %parallel_loop3A_229 = arith.constant 1 : i32
          %parallel_loop3A_230 = vector.broadcast %parallel_loop3A_229 : i32 to vector<16xi32>
          %parallel_loop3A_231 = arith.addi %parallel_loop3A_228, %parallel_loop3A_230 : vector<16xi32>
          %parallel_loop3A_232 = arith.constant 0 : i32
          %parallel_loop3A_233 = arith.constant 0 : i32
          %parallel_loop3A_234 = arith.constant 0 : i32
          %parallel_loop3A_235 = tpu.memref_slice %arg5[%parallel_loop3A_232, %parallel_loop3A_233, %parallel_loop3A_234] : memref<2x64x256xf32, #tpu.memory_space<vmem>> -> memref<1x64x256xf32, #tpu.memory_space<vmem>>
          %parallel_loop3A_236 = tpu.memref_squeeze %parallel_loop3A_235 : memref<1x64x256xf32, #tpu.memory_space<vmem>> -> memref<64x256xf32, #tpu.memory_space<vmem>>
          %parallel_loop3A_237 = tpu.vector_load_idx %parallel_loop3A_236[%and3A_159, %parallel_loop3A_231] : memref<64x256xf32, #tpu.memory_space<vmem>>[vector<16xi32>, vector<16xi32>], vector<16xf32>,
          %parallel_loop3A_238 = arith.constant 0 : i32
          %parallel_loop3A_239 = arith.constant 0 : i32
          %parallel_loop3A_240 = arith.constant 0 : i32
          %parallel_loop3A_241 = tpu.memref_slice %arg6[%parallel_loop3A_238, %parallel_loop3A_239, %parallel_loop3A_240] : memref<2x128x128xf32, #tpu.memory_space<vmem>> -> memref<1x128x128xf32, #tpu.memory_space<vmem>>
          %parallel_loop3A_242 = tpu.memref_squeeze %parallel_loop3A_241 : memref<1x128x128xf32, #tpu.memory_space<vmem>> -> memref<128x128xf32, #tpu.memory_space<vmem>>
          tpu.vector_store_idx %parallel_loop3A_242[%parallel_loop3A_225, %add3A_162], %parallel_loop3A_237 : memref<128x128xf32, #tpu.memory_space<vmem>>[vector<16xi32>, vector<16xi32>], vector<16xf32>,
        } {sc.loop_unroll_factor = 16 : i64, sc.parallel_access}
        %add3A_166 = arith.constant 80 : i32
        %add3A_167 = vector.broadcast %add3A_166 : i32 to vector<16xi32>
        %add3A_168 = arith.addi %add3A_167, %iota3A : vector<16xi32>
        %and3A_169 = arith.constant 63 : i32
        %and3A_170 = vector.broadcast %and3A_169 : i32 to vector<16xi32>
        %and3A_171 = arith.andi %add3A_168, %and3A_170 : vector<16xi32>
        %add3A_172 = arith.constant 80 : i32
        %add3A_173 = vector.broadcast %add3A_172 : i32 to vector<16xi32>
        %add3A_174 = arith.addi %add3A_173, %iota3A : vector<16xi32>
        %parallel_loop3A_175 = arith.constant 0 : i32
        %parallel_loop3A_176 = arith.constant 128 : i32
        %parallel_loop3A_177 = arith.constant 1 : i32
        scf.for %parallel_loop3A_216 = %parallel_loop3A_175 to %parallel_loop3A_176 step %parallel_loop3A_177  : i32 {
          %parallel_loop3A_217 = arith.constant -16 : i32
          %parallel_loop3A_218 = arith.andi %parallel_loop3A_216, %parallel_loop3A_217 : i32
          %parallel_loop3A_219 = vector.broadcast %parallel_loop3A_216 : i32 to vector<16xi32>
          %parallel_loop3A_220 = arith.addi %iota3A, %parallel_loop3A_219 : vector<16xi32>
          %parallel_loop3A_221 = arith.constant 15 : i32
          %parallel_loop3A_222 = vector.broadcast %parallel_loop3A_221 : i32 to vector<16xi32>
          %parallel_loop3A_223 = arith.andi %parallel_loop3A_220, %parallel_loop3A_222 : vector<16xi32>
          %parallel_loop3A_224 = vector.broadcast %parallel_loop3A_218 : i32 to vector<16xi32>
          %parallel_loop3A_225 = arith.addi %parallel_loop3A_224, %parallel_loop3A_223 : vector<16xi32>
          %parallel_loop3A_226 = arith.constant 2 : i32
          %parallel_loop3A_227 = vector.broadcast %parallel_loop3A_226 : i32 to vector<16xi32>
          %parallel_loop3A_228 = arith.muli %parallel_loop3A_227, %parallel_loop3A_225 : vector<16xi32>
          %parallel_loop3A_229 = arith.constant 1 : i32
          %parallel_loop3A_230 = vector.broadcast %parallel_loop3A_229 : i32 to vector<16xi32>
          %parallel_loop3A_231 = arith.addi %parallel_loop3A_228, %parallel_loop3A_230 : vector<16xi32>
          %parallel_loop3A_232 = arith.constant 0 : i32
          %parallel_loop3A_233 = arith.constant 0 : i32
          %parallel_loop3A_234 = arith.constant 0 : i32
          %parallel_loop3A_235 = tpu.memref_slice %arg5[%parallel_loop3A_232, %parallel_loop3A_233, %parallel_loop3A_234] : memref<2x64x256xf32, #tpu.memory_space<vmem>> -> memref<1x64x256xf32, #tpu.memory_space<vmem>>
          %parallel_loop3A_236 = tpu.memref_squeeze %parallel_loop3A_235 : memref<1x64x256xf32, #tpu.memory_space<vmem>> -> memref<64x256xf32, #tpu.memory_space<vmem>>
          %parallel_loop3A_237 = tpu.vector_load_idx %parallel_loop3A_236[%and3A_171, %parallel_loop3A_231] : memref<64x256xf32, #tpu.memory_space<vmem>>[vector<16xi32>, vector<16xi32>], vector<16xf32>,
          %parallel_loop3A_238 = arith.constant 0 : i32
          %parallel_loop3A_239 = arith.constant 0 : i32
          %parallel_loop3A_240 = arith.constant 0 : i32
          %parallel_loop3A_241 = tpu.memref_slice %arg6[%parallel_loop3A_238, %parallel_loop3A_239, %parallel_loop3A_240] : memref<2x128x128xf32, #tpu.memory_space<vmem>> -> memref<1x128x128xf32, #tpu.memory_space<vmem>>
          %parallel_loop3A_242 = tpu.memref_squeeze %parallel_loop3A_241 : memref<1x128x128xf32, #tpu.memory_space<vmem>> -> memref<128x128xf32, #tpu.memory_space<vmem>>
          tpu.vector_store_idx %parallel_loop3A_242[%parallel_loop3A_225, %add3A_174], %parallel_loop3A_237 : memref<128x128xf32, #tpu.memory_space<vmem>>[vector<16xi32>, vector<16xi32>], vector<16xf32>,
        } {sc.loop_unroll_factor = 16 : i64, sc.parallel_access}
        %add3A_178 = arith.constant 96 : i32
        %add3A_179 = vector.broadcast %add3A_178 : i32 to vector<16xi32>
        %add3A_180 = arith.addi %add3A_179, %iota3A : vector<16xi32>
        %and3A_181 = arith.constant 63 : i32
        %and3A_182 = vector.broadcast %and3A_181 : i32 to vector<16xi32>
        %and3A_183 = arith.andi %add3A_180, %and3A_182 : vector<16xi32>
        %add3A_184 = arith.constant 96 : i32
        %add3A_185 = vector.broadcast %add3A_184 : i32 to vector<16xi32>
        %add3A_186 = arith.addi %add3A_185, %iota3A : vector<16xi32>
        %parallel_loop3A_187 = arith.constant 0 : i32
        %parallel_loop3A_188 = arith.constant 128 : i32
        %parallel_loop3A_189 = arith.constant 1 : i32
        scf.for %parallel_loop3A_216 = %parallel_loop3A_187 to %parallel_loop3A_188 step %parallel_loop3A_189  : i32 {
          %parallel_loop3A_217 = arith.constant -16 : i32
          %parallel_loop3A_218 = arith.andi %parallel_loop3A_216, %parallel_loop3A_217 : i32
          %parallel_loop3A_219 = vector.broadcast %parallel_loop3A_216 : i32 to vector<16xi32>
          %parallel_loop3A_220 = arith.addi %iota3A, %parallel_loop3A_219 : vector<16xi32>
          %parallel_loop3A_221 = arith.constant 15 : i32
          %parallel_loop3A_222 = vector.broadcast %parallel_loop3A_221 : i32 to vector<16xi32>
          %parallel_loop3A_223 = arith.andi %parallel_loop3A_220, %parallel_loop3A_222 : vector<16xi32>
          %parallel_loop3A_224 = vector.broadcast %parallel_loop3A_218 : i32 to vector<16xi32>
          %parallel_loop3A_225 = arith.addi %parallel_loop3A_224, %parallel_loop3A_223 : vector<16xi32>
          %parallel_loop3A_226 = arith.constant 2 : i32
          %parallel_loop3A_227 = vector.broadcast %parallel_loop3A_226 : i32 to vector<16xi32>
          %parallel_loop3A_228 = arith.muli %parallel_loop3A_227, %parallel_loop3A_225 : vector<16xi32>
          %parallel_loop3A_229 = arith.constant 1 : i32
          %parallel_loop3A_230 = vector.broadcast %parallel_loop3A_229 : i32 to vector<16xi32>
          %parallel_loop3A_231 = arith.addi %parallel_loop3A_228, %parallel_loop3A_230 : vector<16xi32>
          %parallel_loop3A_232 = arith.constant 0 : i32
          %parallel_loop3A_233 = arith.constant 0 : i32
          %parallel_loop3A_234 = arith.constant 0 : i32
          %parallel_loop3A_235 = tpu.memref_slice %arg5[%parallel_loop3A_232, %parallel_loop3A_233, %parallel_loop3A_234] : memref<2x64x256xf32, #tpu.memory_space<vmem>> -> memref<1x64x256xf32, #tpu.memory_space<vmem>>
          %parallel_loop3A_236 = tpu.memref_squeeze %parallel_loop3A_235 : memref<1x64x256xf32, #tpu.memory_space<vmem>> -> memref<64x256xf32, #tpu.memory_space<vmem>>
          %parallel_loop3A_237 = tpu.vector_load_idx %parallel_loop3A_236[%and3A_183, %parallel_loop3A_231] : memref<64x256xf32, #tpu.memory_space<vmem>>[vector<16xi32>, vector<16xi32>], vector<16xf32>,
          %parallel_loop3A_238 = arith.constant 0 : i32
          %parallel_loop3A_239 = arith.constant 0 : i32
          %parallel_loop3A_240 = arith.constant 0 : i32
          %parallel_loop3A_241 = tpu.memref_slice %arg6[%parallel_loop3A_238, %parallel_loop3A_239, %parallel_loop3A_240] : memref<2x128x128xf32, #tpu.memory_space<vmem>> -> memref<1x128x128xf32, #tpu.memory_space<vmem>>
          %parallel_loop3A_242 = tpu.memref_squeeze %parallel_loop3A_241 : memref<1x128x128xf32, #tpu.memory_space<vmem>> -> memref<128x128xf32, #tpu.memory_space<vmem>>
          tpu.vector_store_idx %parallel_loop3A_242[%parallel_loop3A_225, %add3A_186], %parallel_loop3A_237 : memref<128x128xf32, #tpu.memory_space<vmem>>[vector<16xi32>, vector<16xi32>], vector<16xf32>,
        } {sc.loop_unroll_factor = 16 : i64, sc.parallel_access}
        %add3A_190 = arith.constant 112 : i32
        %add3A_191 = vector.broadcast %add3A_190 : i32 to vector<16xi32>
        %add3A_192 = arith.addi %add3A_191, %iota3A : vector<16xi32>
        %and3A_193 = arith.constant 63 : i32
        %and3A_194 = vector.broadcast %and3A_193 : i32 to vector<16xi32>
        %and3A_195 = arith.andi %add3A_192, %and3A_194 : vector<16xi32>
        %add3A_196 = arith.constant 112 : i32
        %add3A_197 = vector.broadcast %add3A_196 : i32 to vector<16xi32>
        %add3A_198 = arith.addi %add3A_197, %iota3A : vector<16xi32>
        %parallel_loop3A_199 = arith.constant 0 : i32
        %parallel_loop3A_200 = arith.constant 128 : i32
        %parallel_loop3A_201 = arith.constant 1 : i32
        scf.for %parallel_loop3A_216 = %parallel_loop3A_199 to %parallel_loop3A_200 step %parallel_loop3A_201  : i32 {
          %parallel_loop3A_217 = arith.constant -16 : i32
          %parallel_loop3A_218 = arith.andi %parallel_loop3A_216, %parallel_loop3A_217 : i32
          %parallel_loop3A_219 = vector.broadcast %parallel_loop3A_216 : i32 to vector<16xi32>
          %parallel_loop3A_220 = arith.addi %iota3A, %parallel_loop3A_219 : vector<16xi32>
          %parallel_loop3A_221 = arith.constant 15 : i32
          %parallel_loop3A_222 = vector.broadcast %parallel_loop3A_221 : i32 to vector<16xi32>
          %parallel_loop3A_223 = arith.andi %parallel_loop3A_220, %parallel_loop3A_222 : vector<16xi32>
          %parallel_loop3A_224 = vector.broadcast %parallel_loop3A_218 : i32 to vector<16xi32>
          %parallel_loop3A_225 = arith.addi %parallel_loop3A_224, %parallel_loop3A_223 : vector<16xi32>
          %parallel_loop3A_226 = arith.constant 2 : i32
          %parallel_loop3A_227 = vector.broadcast %parallel_loop3A_226 : i32 to vector<16xi32>
          %parallel_loop3A_228 = arith.muli %parallel_loop3A_227, %parallel_loop3A_225 : vector<16xi32>
          %parallel_loop3A_229 = arith.constant 1 : i32
          %parallel_loop3A_230 = vector.broadcast %parallel_loop3A_229 : i32 to vector<16xi32>
          %parallel_loop3A_231 = arith.addi %parallel_loop3A_228, %parallel_loop3A_230 : vector<16xi32>
          %parallel_loop3A_232 = arith.constant 0 : i32
          %parallel_loop3A_233 = arith.constant 0 : i32
          %parallel_loop3A_234 = arith.constant 0 : i32
          %parallel_loop3A_235 = tpu.memref_slice %arg5[%parallel_loop3A_232, %parallel_loop3A_233, %parallel_loop3A_234] : memref<2x64x256xf32, #tpu.memory_space<vmem>> -> memref<1x64x256xf32, #tpu.memory_space<vmem>>
          %parallel_loop3A_236 = tpu.memref_squeeze %parallel_loop3A_235 : memref<1x64x256xf32, #tpu.memory_space<vmem>> -> memref<64x256xf32, #tpu.memory_space<vmem>>
          %parallel_loop3A_237 = tpu.vector_load_idx %parallel_loop3A_236[%and3A_195, %parallel_loop3A_231] : memref<64x256xf32, #tpu.memory_space<vmem>>[vector<16xi32>, vector<16xi32>], vector<16xf32>,
          %parallel_loop3A_238 = arith.constant 0 : i32
          %parallel_loop3A_239 = arith.constant 0 : i32
          %parallel_loop3A_240 = arith.constant 0 : i32
          %parallel_loop3A_241 = tpu.memref_slice %arg6[%parallel_loop3A_238, %parallel_loop3A_239, %parallel_loop3A_240] : memref<2x128x128xf32, #tpu.memory_space<vmem>> -> memref<1x128x128xf32, #tpu.memory_space<vmem>>
          %parallel_loop3A_242 = tpu.memref_squeeze %parallel_loop3A_241 : memref<1x128x128xf32, #tpu.memory_space<vmem>> -> memref<128x128xf32, #tpu.memory_space<vmem>>
          tpu.vector_store_idx %parallel_loop3A_242[%parallel_loop3A_225, %add3A_198], %parallel_loop3A_237 : memref<128x128xf32, #tpu.memory_space<vmem>>[vector<16xi32>, vector<16xi32>], vector<16xf32>,
        } {sc.loop_unroll_factor = 16 : i64, sc.parallel_access}
        %mul3A_202 = arith.constant 128 : i32
        %mul3A_203 = arith.muli %mul3A_202, %add3A_75 : i32
        %dma_start3A = arith.constant 0 : i32
        %dma_start3A_204 = arith.constant 0 : i32
        %dma_start3A_205 = arith.constant 0 : i32
        %dma_start3A_206 = tpu.memref_slice %arg6[%dma_start3A, %dma_start3A_204, %dma_start3A_205] : memref<2x128x128xf32, #tpu.memory_space<vmem>> -> memref<1x128x128xf32, #tpu.memory_space<vmem>>
        %dma_start3A_207 = tpu.memref_squeeze %dma_start3A_206 : memref<1x128x128xf32, #tpu.memory_space<vmem>> -> memref<128x128xf32, #tpu.memory_space<vmem>>
        %dma_start3A_208 = arith.constant 0 : i32
        %dma_start3A_209 = tpu.memref_slice %arg4[%mul3A_203, %dma_start3A_208] : memref<500000x128xf32, #tpu.memory_space<hbm>> -> memref<128x128xf32, #tpu.memory_space<hbm>>
        %dma_start3A_210 = arith.constant 0 : i32
        %dma_start3A_211 = tpu.memref_slice %arg4[%mul3A_203, %dma_start3A_210] : memref<500000x128xf32, #tpu.memory_space<hbm>> -> memref<128x128xf32, #tpu.memory_space<hbm>>
        %dma_start3A_212 = arith.constant 0 : i32
        %dma_start3A_213 = arith.constant 0 : i32
        %dma_start3A_214 = tpu.memref_slice %arg6[%dma_start3A, %dma_start3A_212, %dma_start3A_213] : memref<2x128x128xf32, #tpu.memory_space<vmem>> -> memref<1x128x128xf32, #tpu.memory_space<vmem>>
        %dma_start3A_215 = tpu.memref_squeeze %dma_start3A_214 : memref<1x128x128xf32, #tpu.memory_space<vmem>> -> memref<128x128xf32, #tpu.memory_space<vmem>>
        tpu.enqueue_dma source(%dma_start3A_215 : memref<128x128xf32, #tpu.memory_space<vmem>>) target(%dma_start3A_211 : memref<128x128xf32, #tpu.memory_space<hbm>>) target_semaphore(%arg9 : memref<!tpu.dma_semaphore, #tpu.memory_space<semaphore_mem>>)
      } else {
      }
    }
    %scan3A_5 = arith.constant 63 : i32
    %dma_wait3A = arith.constant 0 : i32
    %dma_wait3A_6 = arith.constant 0 : i32
    %dma_wait3A_7 = arith.constant 0 : i32
    %dma_wait3A_8 = tpu.memref_slice %arg6[%dma_wait3A, %dma_wait3A_6, %dma_wait3A_7] : memref<2x128x128xf32, #tpu.memory_space<vmem>> -> memref<1x128x128xf32, #tpu.memory_space<vmem>>
    %dma_wait3A_9 = tpu.memref_squeeze %dma_wait3A_8 : memref<1x128x128xf32, #tpu.memory_space<vmem>> -> memref<128x128xf32, #tpu.memory_space<vmem>>
    %dma_wait3A_10 = arith.constant 0 : i32
    %dma_wait3A_11 = arith.constant 0 : i32
    %dma_wait3A_12 = tpu.memref_slice %arg4[%dma_wait3A_10, %dma_wait3A_11] : memref<500000x128xf32, #tpu.memory_space<hbm>> -> memref<128x128xf32, #tpu.memory_space<hbm>>
    %dma_wait3A_13 = arith.constant 0 : i32
    %dma_wait3A_14 = arith.constant 0 : i32
    %dma_wait3A_15 = tpu.memref_slice %arg4[%dma_wait3A_13, %dma_wait3A_14] : memref<500000x128xf32, #tpu.memory_space<hbm>> -> memref<128x128xf32, #tpu.memory_space<hbm>>
    %dma_wait3A_16 = arith.constant 0 : i32
    %dma_wait3A_17 = arith.constant 0 : i32
    %dma_wait3A_18 = tpu.memref_slice %arg6[%dma_wait3A, %dma_wait3A_16, %dma_wait3A_17] : memref<2x128x128xf32, #tpu.memory_space<vmem>> -> memref<1x128x128xf32, #tpu.memory_space<vmem>>
    %dma_wait3A_19 = tpu.memref_squeeze %dma_wait3A_18 : memref<1x128x128xf32, #tpu.memory_space<vmem>> -> memref<128x128xf32, #tpu.memory_space<vmem>>
    tpu.wait_dma2 semaphore(%arg9 : memref<!tpu.dma_semaphore, #tpu.memory_space<semaphore_mem>>) src(%dma_wait3A_19 : memref<128x128xf32, #tpu.memory_space<vmem>>) dst(%dma_wait3A_15 : memref<128x128xf32, #tpu.memory_space<hbm>>)
    %dma_wait3A_20 = arith.constant 0 : i32
    %dma_wait3A_21 = arith.constant 0 : i32
    %dma_wait3A_22 = arith.constant 0 : i32
    %dma_wait3A_23 = tpu.memref_slice %arg6[%dma_wait3A_20, %dma_wait3A_21, %dma_wait3A_22] : memref<2x128x128xf32, #tpu.memory_space<vmem>> -> memref<1x128x128xf32, #tpu.memory_space<vmem>>
    %dma_wait3A_24 = tpu.memref_squeeze %dma_wait3A_23 : memref<1x128x128xf32, #tpu.memory_space<vmem>> -> memref<128x128xf32, #tpu.memory_space<vmem>>
    %dma_wait3A_25 = arith.constant 0 : i32
    %dma_wait3A_26 = arith.constant 0 : i32
    %dma_wait3A_27 = tpu.memref_slice %arg4[%dma_wait3A_25, %dma_wait3A_26] : memref<500000x128xf32, #tpu.memory_space<hbm>> -> memref<128x128xf32, #tpu.memory_space<hbm>>
    %dma_wait3A_28 = arith.constant 0 : i32
    %dma_wait3A_29 = arith.constant 0 : i32
    %dma_wait3A_30 = tpu.memref_slice %arg4[%dma_wait3A_28, %dma_wait3A_29] : memref<500000x128xf32, #tpu.memory_space<hbm>> -> memref<128x128xf32, #tpu.memory_space<hbm>>
    %dma_wait3A_31 = arith.constant 0 : i32
    %dma_wait3A_32 = arith.constant 0 : i32
    %dma_wait3A_33 = tpu.memref_slice %arg6[%dma_wait3A_20, %dma_wait3A_31, %dma_wait3A_32] : memref<2x128x128xf32, #tpu.memory_space<vmem>> -> memref<1x128x128xf32, #tpu.memory_space<vmem>>
    %dma_wait3A_34 = tpu.memref_squeeze %dma_wait3A_33 : memref<1x128x128xf32, #tpu.memory_space<vmem>> -> memref<128x128xf32, #tpu.memory_space<vmem>>
    tpu.wait_dma2 semaphore(%arg9 : memref<!tpu.dma_semaphore, #tpu.memory_space<semaphore_mem>>) src(%dma_wait3A_34 : memref<128x128xf32, #tpu.memory_space<vmem>>) dst(%dma_wait3A_30 : memref<128x128xf32, #tpu.memory_space<hbm>>)
    %eq3A = arith.constant 31 : i32
    %eq3A_35 = arith.cmpi eq, %add3A, %eq3A : i32
    %convert_element_type3A = arith.extui %eq3A_35 : i1 to i32
    %cond3A = arith.constant 0 : i32
    %cond3A_36 = arith.cmpi ne, %convert_element_type3A, %cond3A : i32
    scf.if %cond3A_36 {
      "tpu.region"() ({
        %run_scoped3A = tpu.sem_alloc : memref<!tpu.dma_semaphore, #tpu.memory_space<semaphore_mem>>
        tpu.enqueue_dma source(%arg3 : memref<32x128xf32, #tpu.memory_space<hbm>>) target(%arg7 : memref<32x128xf32, #tpu.memory_space<vmem>>) target_semaphore(%run_scoped3A : memref<!tpu.dma_semaphore, #tpu.memory_space<semaphore_mem>>)
        tpu.wait_dma2 semaphore(%run_scoped3A : memref<!tpu.dma_semaphore, #tpu.memory_space<semaphore_mem>>) src(%arg3 : memref<32x128xf32, #tpu.memory_space<hbm>>) dst(%arg7 : memref<32x128xf32, #tpu.memory_space<vmem>>)
        tpu.yield
      }) : () -> ()
      "tpu.region"() ({
        %run_scoped3A = tpu.sem_alloc : memref<!tpu.dma_semaphore, #tpu.memory_space<semaphore_mem>>
        %dma_start3A = arith.constant 499968 : i32
        %dma_start3A_37 = arith.constant 0 : i32
        %dma_start3A_38 = tpu.memref_slice %arg4[%dma_start3A, %dma_start3A_37] : memref<500000x128xf32, #tpu.memory_space<hbm>> -> memref<32x128xf32, #tpu.memory_space<hbm>>
        %dma_start3A_39 = arith.constant 499968 : i32
        %dma_start3A_40 = arith.constant 0 : i32
        %dma_start3A_41 = tpu.memref_slice %arg4[%dma_start3A_39, %dma_start3A_40] : memref<500000x128xf32, #tpu.memory_space<hbm>> -> memref<32x128xf32, #tpu.memory_space<hbm>>
        tpu.enqueue_dma source(%arg7 : memref<32x128xf32, #tpu.memory_space<vmem>>) target(%dma_start3A_41 : memref<32x128xf32, #tpu.memory_space<hbm>>) target_semaphore(%run_scoped3A : memref<!tpu.dma_semaphore, #tpu.memory_space<semaphore_mem>>)
        %dma_wait3A_42 = arith.constant 499968 : i32
        %dma_wait3A_43 = arith.constant 0 : i32
        %dma_wait3A_44 = tpu.memref_slice %arg4[%dma_wait3A_42, %dma_wait3A_43] : memref<500000x128xf32, #tpu.memory_space<hbm>> -> memref<32x128xf32, #tpu.memory_space<hbm>>
        %dma_wait3A_45 = arith.constant 499968 : i32
        %dma_wait3A_46 = arith.constant 0 : i32
        %dma_wait3A_47 = tpu.memref_slice %arg4[%dma_wait3A_45, %dma_wait3A_46] : memref<500000x128xf32, #tpu.memory_space<hbm>> -> memref<32x128xf32, #tpu.memory_space<hbm>>
        tpu.wait_dma2 semaphore(%run_scoped3A : memref<!tpu.dma_semaphore, #tpu.memory_space<semaphore_mem>>) src(%arg7 : memref<32x128xf32, #tpu.memory_space<vmem>>) dst(%dma_wait3A_47 : memref<32x128xf32, #tpu.memory_space<hbm>>)
        tpu.yield
      }) : () -> ()
    } else {
    }
    return
  }
}

</mosaic_0001>

<sc_bundles>
// kernel: _transpose.3.cloned.1.call-start
scs
__scs_entry_jumppad:
0x0: {  	(pc) =	sbr.rel $0x88, $3  }
0x1: {  	(tag) =	ssettag $0x0;
	lr =	simm.s32 $0x1  }
0x2: {  	[smem:$0x3F9F] =	sst lr;
	_ =	strace $0xD0000000  }
0x3: {  	_ = 	snop  }
0x4: {  	_ = 	snop  }
0x5: {  	_ = 	snop  }
0x6: {  	_ = 	snop  }
0x7: {  	_ = 	snop  }
__scs_overlays_trampoline_lowered:
0x8: {  	[smem:$0x3FAE] =	sst s0  }
0x9: {  	[smem:$0x3FAF] =	sst s1  }
0xa: {  	[smem:$0x3FB0] =	sst s2  }
0xb: {  	[smem:$0x3FB1] =	sst s3  }
0xc: {  	[smem:$0x3FB2] =	sst s4  }
0xd: {  	[smem:$0x3FB3] =	sst s5  }
0xe: {  	[smem:$0x3FB4] =	sst s6  }
0xf: {  	[smem:$0x3FB5] =	sst s7  }
0x10: {  	[smem:$0x3FB6] =	sst s8  }
0x11: {  	[smem:$0x3FB7] =	sst s9;
	s0 =	simm.s32 @!p0 $0x0  }
0x12: {  	s1 =	sld [smem:$0x3F9D];
	s0 =	simm.s32 @p0 $0x1  }
0x13: {  	[smem:$0x3FB8] =	sst s0;
	s0 =	simm.s32 @!p1 $0x0  }
0x14: {  	s2 =	sld [smem:$0x3F9C];
	s0 =	simm.s32 @p1 $0x1  }
0x15: {  	[smem:$0x3FB9] =	sst s0;
	s0 =	simm.s32 @!p2 $0x0  }
0x16: {  	s3 =	sld [smem:$0x3FDB];
	s0 =	simm.s32 @p2 $0x1  }
0x17: {  	s4 =	simm.s32 $0x1BF5;
	[smem:$0x3FBB] =	sst s0  }
0x18: {  	s0 =	sld [smem:$0x3F9E];
	_ =	swait.ge [sflag:s4], $0x0  }
0x19: {  	s7 =	sld [smem:$0x3F9F]  }
0x1a: {  	s8 =	sadd.s32 $0xFFFFE003, lr  }
0x1b: {  	s9 =	sadd.s32 $0xFFFFFEF7, lr;
	s5 =	simm.s32 $0xFFFFFFFF;
	p2 =	slt.u32 s8, $0xFFFFF086  }
0x1c: {  	p1 =	slt.u32 s9, $0xF7A;
	s5 =	simm.s32 @!p2 $0x0  }
0x1d: {  	s5 =	simm.s32 @p1 $0x1;
	p0 =	seq.s32 s7, s2  }
0x1e: {  	s7 =	smul.u32 @!p0 $0xF7A, s2;
	p2 =	seq.s32 @!p0 s5, $0x0  }
0x1f: {  	s9 =	smul.u32 $0xF7A, s1;
	s8 =	simm.s32 @!p0 $0x1BF5;
	p2 =	por !p2, p0  }
0x20: {  	[sflag:s8] =	ssyncset.s32 @!p0 $0xFFFFF086;
	s6 =	sadd.s32 @!p0 s3, s7;
	s7 =	simm.s32 @!p0 $0x108  }
0x21: {  	s3 =	sadd.s32 s3, s9;
	s6 =	sadd.s32 @!p0 $0x88, s6;
	s7 =	simm.s32 @p2 $0x1082  }
0x22: {  	[simem:s7], [sflag:s8] =	dma.local @!p0 [hbm:s6], $0xF7A  }
0x23: {  	s9 =	sor.u32 $0xD0000000, s2;
	s6 =	simm.s32 $0x108;
	_ =	swait.ge @!p0 [sflag:s8], $0x0  }
0x24: {  	s3 =	sadd.s32 $0x88, s3;
	s6 =	simm.s32 @!p1 $0x1082;
	[sflag:s4] =	ssyncset.s32 $0xFFFFF086  }
0x25: {  	[simem:s6], [sflag:s4] =	dma.local [hbm:s3], $0xF7A  }
0x26: {  	[smem:$0x3F9F] =	sst s1;
	(tag) =	ssettag s2;
	_ =	strace s9  }
0x27: {  	s1 =	sld [smem:$0x3FAF]  }
0x28: {  	s2 =	sld [smem:$0x3FB0]  }
0x29: {  	s4 =	sld [smem:$0x3FB2]  }
0x2a: {  	p0 =	seq.s32 s5, $0x0;
	s5 =	sld [smem:$0x3FB3]  }
0x2b: {  	s6 =	sld [smem:$0x3FB4]  }
0x2c: {  	s7 =	sld [smem:$0x3FB5]  }
0x2d: {  	s3 =	simm.s32 $0x108;
	s8 =	sld [smem:$0x3FB6]  }
0x2e: {  	s3 =	simm.s32 @!p0 $0x1082;
	s9 =	sld [smem:$0x3FB7]  }
0x2f: {  	lr =	sadd.s32 s0, s3;
	s0 =	sld [smem:$0x3FAE]  }
0x30: {  	s3 =	sld [smem:$0x3FB1]  }
0x31: {  	[smem:$0x3FBA] =	sst s10  }
0x32: {  	s10 =	sld [smem:$0x3FB8];
	_ =	sdelay $0x3  }
0x33: {  	p0 =	seq.s32 s10, $0x1;
	s10 =	sld [smem:$0x3FBA];
	_ =	sdelay $0x3  }
0x34: {  	[smem:$0x3FBA] =	sst s10  }
0x35: {  	s10 =	sld [smem:$0x3FB9];
	_ =	sdelay $0x3  }
0x36: {  	p1 =	seq.s32 s10, $0x1;
	s10 =	sld [smem:$0x3FBA];
	_ =	sdelay $0x3  }
0x37: {  	[smem:$0x3FBA] =	sst s10  }
0x38: {  	s10 =	sld [smem:$0x3FBB]  }
0x39: {  	_ = 	snop;
	(pc) =	sbr.ind lr, $3  }
0x3a: {  	_ = 	snop  }
0x3b: {  	_ = 	snop  }
0x3c: {  	p2 =	seq.s32 s10, $0x1;
	s10 =	sld [smem:$0x3FBA]  }
0x3d: {  	_ =	shalt  }
0x3e: {  	_ =	shalt  }
0x3f: {  	_ =	shalt  }
0x40: {  	_ =	shalt  }
0x41: {  	_ =	shalt  }
0x42: {  	_ =	shalt  }
0x43: {  	_ =	shalt  }
0x44: {  	_ =	shalt  }
0x45: {  	_ =	shalt  }
0x46: {  	_ =	shalt  }
0x47: {  	_ =	shalt  }
0x48: {  	_ =	shalt  }
0x49: {  	_ =	shalt  }
0x4a: {  	_ =	shalt  }
0x4b: {  	_ =	shalt  }
0x4c: {  	_ =	shalt  }
0x4d: {  	_ =	shalt  }
0x4e: {  	_ =	shalt  }
0x4f: {  	_ =	shalt  }
0x50: {  	_ =	shalt  }
0x51: {  	_ =	shalt  }
0x52: {  	_ =	shalt  }
0x53: {  	_ =	shalt  }
0x54: {  	_ =	shalt  }
0x55: {  	_ =	shalt  }
0x56: {  	_ =	shalt  }
0x57: {  	_ =	shalt  }
0x58: {  	_ =	shalt  }
0x59: {  	_ =	shalt  }
0x5a: {  	_ =	shalt  }
0x5b: {  	_ =	shalt  }
0x5c: {  	_ =	shalt  }
0x5d: {  	_ =	shalt  }
0x5e: {  	_ =	shalt  }
0x5f: {  	_ =	shalt  }
0x60: {  	_ =	shalt  }
0x61: {  	_ =	shalt  }
0x62: {  	_ =	shalt  }
0x63: {  	_ =	shalt  }
0x64: {  	_ =	shalt  }
0x65: {  	_ =	shalt  }
0x66: {  	_ =	shalt  }
0x67: {  	_ =	shalt  }
0x68: {  	_ =	shalt  }
0x69: {  	_ =	shalt  }
0x6a: {  	_ =	shalt  }
0x6b: {  	_ =	shalt  }
0x6c: {  	_ =	shalt  }
0x6d: {  	_ =	shalt  }
0x6e: {  	_ =	shalt  }
0x6f: {  	_ =	shalt  }
0x70: {  	_ =	shalt  }
0x71: {  	_ =	shalt  }
0x72: {  	_ =	shalt  }
0x73: {  	_ =	shalt  }
0x74: {  	_ =	shalt  }
0x75: {  	_ =	shalt  }
0x76: {  	_ =	shalt  }
0x77: {  	_ =	shalt  }
0x78: {  	_ =	shalt  }
0x79: {  	_ =	shalt  }
0x7a: {  	_ =	shalt  }
0x7b: {  	_ =	shalt  }
0x7c: {  	_ =	shalt  }
0x7d: {  	_ =	shalt  }
0x7e: {  	_ =	shalt  }
0x7f: {  	_ =	shalt  }
0x80: {  	_ =	shalt  }
0x81: {  	_ =	shalt  }
0x82: {  	_ =	shalt  }
0x83: {  	_ =	shalt  }
0x84: {  	_ =	shalt  }
0x85: {  	_ =	shalt  }
0x86: {  	_ =	shalt  }
0x87: {  	_ =	shalt  }
.Lfunc_end0:
.L_simem_size_0:
called_computation_lowered:
.L_overlay_start_0:
0x88: {  	s2 =	sld [smem:$0x3FD9]  }
0x89: {  	s3 =	sld [smem:$0x3FFE];
	_ =	sdelay $0x1  }
0x8a: {  	s1 =	srdreg.scid  }
0x8b: {  	s0 =	sand.u32 $0x1, s1  }
0x8c: {  	s18 =	sshll.u32 s0, $0xA;
	s2 =	sadd.s32 s3, s2  }
0x8d: {  	s2 =	sadd.s32 s2, s18  }
0x8e: {  	[smem:$0x3FC6] =	sst s2  }
0x8f: {  	_ = 	snop  }
0x90: {  	s2 =	sld [smem:$0x3FC9]  }
0x91: {  	s19 =	sld [smem:$0x3FC8]  }
0x92: {  	s4 =	sld [smem:$0x3FD0];
	(tm) =	ssettm $0x1  }
0x93: {  	s5 =	sld [smem:$0x3FFB];
	_ =	sdelay $0x3  }
0x94: {  	_ =	strace s5  }
0x95: {  	s5 =	sld [smem:$0x3FFC];
	_ =	sdelay $0x3  }
0x96: {  	_ =	strace s5  }
0x97: {  	s5 =	sld [smem:$0x3FFD];
	_ =	sdelay $0x3  }
0x98: {  	_ =	strace s5  }
0x99: {  	_ =	strace $0x8FFFFFFF  }
0x9a: {  	s20 =	sld [smem:$0x3FDB];
	_ =	sdelay $0x1  }
0x9b: {  	s6 =	simm.s32 $_scs_section_size  }
0x9c: {  	s7 =	simm.s32 $_size__tile_overlayer_lowered;
	s8 =	simm.s32 $_tile_overlayer_lowered  }
0x9d: {  	s23 =	simm.s32 $0x1BFF;
	s22 =	sshll.u32 s8, $0x1;
	s5 =	sadd.s32 s6, s20  }
0x9e: {  	s9 =	simm.s32 $0x0;
	s21 =	sshll.u32 s7, $0x1;
	s7 =	sadd.s32 s22, s5  }
0x9f: {  	[timem:s9], [sflag:s23] =	dma.local [hbm:s7], s21  }
0xa0: {  	_ =	swait.ge [sflag:s23], s21  }
0xa1: {  	s6 =	ssub.s32 $0x0, s21;
	[sflag:s23] =	ssyncset.done $0x0  }
0xa2: {  	[sflag:s23] =	ssyncadd.s32 s6;
	_ =	sdelay $0x1  }
0xa3: {  	s24 =	simm.s32 $0x1B8B  }
0xa4: {  	_ =	swait.ge [sflag:s24], $0x1  }
0xa5: {  	[sflag:s24] =	ssyncset.done $0x0  }
0xa6: {  	s25 =	simm.s32 $0x1B8E;
	[sflag:s24] =	ssyncadd.s32 $0xFFFFFFFF  }
0xa7: {  	s26 =	simm.s32 $execute0_lowered;
	[smem:$0x3FD2] =	sst s25  }
0xa8: {  	s6 =	sshll.u32 s26, $0x1;
	_ =	strace $0x80000046;
	[dreg:$0x1] =	wrdreg $0xFFFFFFFF  }
0xa9: {  	s28 =	simm.s32 $_size_execute0_lowered;
	s5 =	sadd.s32 s5, s6;
	[dreg:$0x0] =	wrdreg $0x0  }
0xaa: {  	s6 =	sshll.u32 s28, $0x1;
	[dreg:$0x2] =	wrdreg s5  }
0xab: {  	[dreg:$0x3] =	wrdreg s6  }
0xac: {  	[dreg:$0x4] =	wrdreg $0xC0  }
0xad: {  	_ =	task [dreg:s9], $0x5FFFF  }
0xae: {  	[dreg:$0x1] =	wrdreg $0xFFFFFFFF  }
0xaf: {  	[dreg:$0x0] =	wrdreg $0x60  }
0xb0: {  	[dreg:$0x2] =	wrdreg s2  }
0xb1: {  	[dreg:$0x3] =	wrdreg s19  }
0xb2: {  	[dreg:$0x4] =	wrdreg s4  }
0xb3: {  	[dreg:$0x5] =	wrdreg $0x9  }
0xb4: {  	_ =	task.clear_ibuf [dreg:s9], $0x6FFFF;
	_ =	strace $0x90000046  }
0xb5: {  	s29 =	simm.s32 $0x9;
	_ =	strace $0x80000048  }
0xb6: {  	_ =	swait.ge [sflag:s29], $0x1  }
0xb7: {  	[sflag:s29] =	ssyncadd.s32 $0xFFFFFFFF  }
0xb8: {  	_ =	strace $0x90000048  }
0xb9: {  	_ =	sfence  }
0xba: {  	s30 =	sld [smem:$0x0];
	_ =	sdelay $0x2  }
0xbb: {  	s31 =	sshll.u32 s1, $0xD;
	s1 =	sshrl.u32 s1, $0x2  }
0xbc: {  	s3 =	sand.u32 $0x4000, s31;
	s1 =	sadd.s32 s1, s30  }
0xbd: {  	s0 =	sor.u32 s3, s0;
	s1 =	sshll.u32 s1, $0x11  }
0xbe: {  	s0 =	sor.u32 s1, s0  }
0xbf: {  	s0 =	sadd.s32 $0x8F2B, s0  }
0xc0: {  	[sflag:s0] =	ssyncadd.remote.s32 $0x1  }
0xc1: {  	_ =	sfence.sel $0xFFFF  }
0xc2: {  	[dreg:$0x0] =	wrdreg $0xFFFFFFFF;
	(pc) =	sbr.abs _section_cstart, $3  }
0xc3: {  	[dreg:$0x1] =	wrdreg $0xFFFFFFFF  }
0xc4: {  	_ =	task.clear_ibuf [dreg:s9], $0x2FFFF;
	_ =	strace $0x9FFFFFFF  }
0xc5: {  	(tm) =	ssettm $0x7FFFFFFF  }
tec
execute0_lowered:
.L_overlay_start_1:
0x0: {  	(tag) =	ssettag $0x1  }
0x1: {  	v0 =	vimm.s32 $0xB80;
	vm14 =	vcmask $0x300  }
0x2: {  	vm13 =	vcmask $0x704;
	vm12 =	vcmask $0xB08;
	vm11 =	vcmask $0xF0C  }
0x3: {  	vm10 =	vcmask $0x1310;
	vm9 =	vcmask $0x1714;
	vm8 =	vcmask $0x1B18  }
0x4: {  	vm7 =	vcmask $0x1F1C;
	vm6 =	vcmask $0x2320;
	v0 =	vsel vm14, $0x0, v0  }
0x5: {  	vm5 =	vcmask $0x2724;
	vm4 =	vcmask $0x2B28;
	v0 =	vsel vm13, $0x80, v0  }
0x6: {  	vm2 =	vcmask $0x2F2C;
	v1 =	vimm.s32 $0xFEDCBA9;
	v0 =	vsel vm12, $0x100, v0  }
0x7: {  	v2 =	vimm.s32 $0x87654321;
	vm0 =	vcmask $0x3330;
	v0 =	vsel vm11, $0x180, v0  }
0x8: {  	vm1 =	vcmask $0x3734;
	v3 =	vimm.s32 $0x98765432;
	v0 =	vsel vm10, $0x200, v0  }
0x9: {  	vm3 =	vcmask $0x3B38;
	v5 =	vimm.s32 $0x3210FEDC;
	v0 =	vsel vm9, $0x280, v0  }
0xa: {  	v6 =	vimm.s32 $0xBA987654;
	v19 =	vimm.s32 $0xDCBA9876;
	v0 =	vsel vm8, $0x300, v0  }
0xb: {  	v21 =	vimm.s32 $0xEDCBA987;
	v24 =	vimm.s32 $0x76543210;
	v0 =	vsel vm7, $0x380, v0  }
0xc: {  	v1 =	vunpack.c.l.s4.s8 v1;
	v2 =	vunpack.c.l.s4.s8 v2;
	v0 =	vsel vm6, $0x800, v0  }
0xd: {  	v3 =	vunpack.c.l.s4.s8 v3;
	v5 =	vunpack.c.l.s4.s8 v5;
	v0 =	vsel vm5, $0x880, v0  }
0xe: {  	v9 =	vunpack.c.0.s8.s32 v1;
	v10 =	vunpack.c.0.s8.s32 v2;
	v0 =	vsel vm4, $0x900, v0  }
0xf: {  	v12 =	vunpack.c.0.s8.s32 v3;
	v3 =	vimm.s32 $0x210FEDCB;
	v0 =	vsel vm2, $0x980, v0  }
0x10: {  	v15 =	vunpack.c.0.s8.s32 v5;
	v5 =	vimm.s32 $0xCBA98765;
	v0 =	vsel vm0, $0xA00, v0  }
0x11: {  	v3 =	vunpack.c.l.s4.s8 v3;
	v1 =	vsel vm1, $0xA80, v0;
	v0 =	vimm.s32 $0x10FEDCBA  }
0x12: {  	v24 =	vunpack.c.l.s4.s8 v24;
	v5 =	vunpack.c.l.s4.s8 v5;
	v4 =	vunpack.c.l.s4.s8 v0  }
0x13: {  	v2 =	vcombine.low v10, v9;
	v10 =	vcombine.low v9, v10;
	v13 =	vunpack.c.0.s8.s32 v3  }
0x14: {  	v3 =	vunpack.c.l.s4.s8 v6;
	v11 =	vunpack.c.0.s8.s32 v4;
	v4 =	vimm.s32 $0xA9876543  }
0x15: {  	v24 =	vunpack.c.0.s8.s32 v24;
	v18 =	vunpack.c.0.s8.s32 v5;
	v4 =	vunpack.c.l.s4.s8 v4  }
0x16: {  	v2 =	vand.u32 $0xF, v2;
	v10 =	vand.u32 $0xF, v10;
	v16 =	vunpack.c.0.s8.s32 v3  }
0x17: {  	v7 =	vcombine.low v12, v11;
	v14 =	vunpack.c.0.s8.s32 v4;
	v4 =	vimm.s32 $0x43210FED  }
0x18: {  	v0 =	vlaneseq.u32;
	v1 =	vsel vm3, $0xB00, v1;
	v4 =	vunpack.c.l.s4.s8 v4  }
0x19: {  	v11 =	vcombine.low v11, v12;
	v3 =	vand.u32 $0xF, v7;
	v7 =	vcombine.low v16, v15  }
0x1a: {  	v6 =	vcombine.low v14, v13;
	v17 =	vunpack.c.0.s8.s32 v4;
	v4 =	vimm.s32 $0x543210FE  }
0x1b: {  	v12 =	vcombine.low v13, v14;
	v14 =	vcombine.low v15, v16;
	v8 =	vunpack.c.l.s4.s8 v4  }
0x1c: {  	v5 =	vand.u32 $0xF, v7;
	v4 =	vand.u32 $0xF, v6;
	v6 =	vunpack.c.l.s4.s8 v19  }
0x1d: {  	v7 =	vcombine.low v18, v17;
	v19 =	vunpack.c.0.s8.s32 v8;
	v8 =	vimm.s32 $0x6543210F  }
0x1e: {  	v15 =	vcombine.low v17, v18;
	v20 =	vunpack.c.0.s8.s32 v6;
	v8 =	vunpack.c.l.s4.s8 v8  }
0x1f: {  	v6 =	vand.u32 $0xF, v7;
	v7 =	vunpack.c.l.s4.s8 v21;
	v21 =	vimm.s32 $0x1B80  }
0x20: {  	v22 =	vcombine.low v20, v19;
	v16 =	vcombine.low v19, v20;
	v19 =	vimm.s32 $0x2B80  }
0x21: {  	v20 =	vimm.s32 $0x3B80;
	v23 =	vunpack.c.0.s8.s32 v8;
	v8 =	vsel vm14, $0x1000, v21  }
0x22: {  	v21 =	vunpack.c.0.s8.s32 v7;
	v7 =	vimm.s32 $0xFEDCBA98;
	v19 =	vsel vm14, $0x2000, v19  }
0x23: {  	v20 =	vsel vm14, $0x3000, v20;
	v8 =	vsel vm13, $0x1080, v8;
	v25 =	vunpack.c.l.s4.s8 v7  }
0x24: {  	v19 =	vsel vm13, $0x2080, v19;
	v20 =	vsel vm13, $0x3080, v20;
	v7 =	vsel vm12, $0x1100, v8  }
0x25: {  	v8 =	vcombine.low v21, v23;
	v17 =	vcombine.low v23, v21;
	v21 =	vimm.s32 $0xB81  }
0x26: {  	v19 =	vsel vm12, $0x2100, v19;
	v20 =	vsel vm12, $0x3100, v20;
	v26 =	vsel vm11, $0x1180, v7  }
0x27: {  	v7 =	vand.u32 $0xF, v22;
	v22 =	vunpack.c.0.s8.s32 v25;
	v21 =	vsel vm14, $0x1, v21  }
0x28: {  	v19 =	vsel vm11, $0x2180, v19;
	v20 =	vsel vm11, $0x3180, v20;
	v25 =	vsel vm10, $0x1200, v26  }
0x29: {  	v21 =	vsel vm13, $0x81, v21;
	v19 =	vsel vm10, $0x2200, v19;
	v20 =	vsel vm10, $0x3200, v20  }
0x2a: {  	v25 =	vsel vm9, $0x1280, v25;
	v22 =	vand.u32 $0xF, v22;
	v21 =	vsel vm12, $0x101, v21  }
0x2b: {  	v19 =	vsel vm9, $0x2280, v19;
	v20 =	vsel vm9, $0x3280, v20;
	v9 =	vsel vm8, $0x1300, v25  }
0x2c: {  	v21 =	vsel vm11, $0x181, v21;
	v19 =	vsel vm8, $0x2300, v19;
	v20 =	vsel vm8, $0x3300, v20  }
0x2d: {  	v13 =	vsel vm7, $0x1380, v9;
	v9 =	vcombine.low v22, v24;
	v21 =	vsel vm10, $0x201, v21  }
0x2e: {  	v19 =	vsel vm7, $0x2380, v19;
	v20 =	vsel vm7, $0x3380, v20;
	v13 =	vsel vm6, $0x1800, v13  }
0x2f: {  	v21 =	vsel vm9, $0x281, v21;
	v19 =	vsel vm6, $0x2800, v19;
	v20 =	vsel vm6, $0x3800, v20  }
0x30: {  	v13 =	vsel vm5, $0x1880, v13;
	v21 =	vsel vm8, $0x301, v21;
	v19 =	vsel vm5, $0x2880, v19  }
0x31: {  	v20 =	vsel vm5, $0x3880, v20;
	v13 =	vsel vm4, $0x1900, v13;
	v21 =	vsel vm7, $0x381, v21  }
0x32: {  	v19 =	vsel vm4, $0x2900, v19;
	v20 =	vsel vm4, $0x3900, v20;
	v18 =	vsel vm2, $0x1980, v13  }
0x33: {  	v13 =	vand.u32 $0xF, v14;
	v14 =	vand.u32 $0xF, v15;
	v15 =	vand.u32 $0xF, v16  }
0x34: {  	v16 =	vand.u32 $0xF, v17;
	v21 =	vsel vm6, $0x801, v21;
	v19 =	vsel vm2, $0x2980, v19  }
0x35: {  	v20 =	vsel vm2, $0x3980, v20;
	v18 =	vsel vm0, $0x1A00, v18;
	v21 =	vsel vm5, $0x881, v21  }
0x36: {  	v19 =	vsel vm0, $0x2A00, v19;
	v20 =	vsel vm0, $0x3A00, v20;
	v21 =	vsel vm4, $0x901, v21  }
0x37: {  	v17 =	vsel vm1, $0x1A80, v18;
	v22 =	vsel vm1, $0x3A80, v20;
	v21 =	vsel vm2, $0x981, v21  }
0x38: {  	v19 =	vsel vm1, $0x2A80, v19;
	v17 =	vsel vm3, $0x1B00, v17;
	v21 =	vsel vm0, $0xA01, v21  }
0x39: {  	v24 =	vimm.s32 $0x2B81;
	[tilespmem:$0x1FF90] =	vst v17;
	v17 =	vsel vm3, $0x2B00, v19;
	v23 =	vsel vm1, $0xA81, v21  }
0x3a: {  	[tilespmem:$0x1FFA0] =	vst v17;
	v17 =	vsel vm3, $0x3B00, v22;
	v22 =	vmovc v1;
	v1 =	vsel vm3, $0xB01, v23;
	v23 =	vimm.s32 $0x1B81  }
0x3b: {  	v11 =	vand.u32 $0xF, v11;
	v24 =	vsel vm14, $0x2001, v24;
	v23 =	vsel vm14, $0x1001, v23  }
0x3c: {  	v25 =	vimm.s32 $0x3B81;
	v24 =	vsel vm13, $0x2081, v24;
	v23 =	vsel vm13, $0x1081, v23  }
0x3d: {  	v25 =	vsel vm14, $0x3001, v25;
	v24 =	vsel vm12, $0x2101, v24;
	v23 =	vsel vm12, $0x1101, v23  }
0x3e: {  	v25 =	vsel vm13, $0x3081, v25;
	v24 =	vsel vm11, $0x2181, v24;
	v23 =	vsel vm11, $0x1181, v23  }
0x3f: {  	v25 =	vsel vm12, $0x3101, v25;
	v24 =	vsel vm10, $0x2201, v24;
	v23 =	vsel vm10, $0x1201, v23  }
0x40: {  	v25 =	vsel vm11, $0x3181, v25;
	v24 =	vsel vm9, $0x2281, v24;
	v23 =	vsel vm9, $0x1281, v23  }
0x41: {  	s0 =	rddreg [dreg:$0x0];
	v25 =	vsel vm10, $0x3201, v25;
	v24 =	vsel vm8, $0x2301, v24;
	v23 =	vsel vm8, $0x1301, v23  }
0x42: {  	s1 =	rddreg [dreg:$0x1];
	v25 =	vsel vm9, $0x3281, v25;
	v24 =	vsel vm7, $0x2381, v24;
	v23 =	vsel vm7, $0x1381, v23  }
0x43: {  	s3 =	rddreg [dreg:$0x2];
	v25 =	vsel vm8, $0x3301, v25;
	v24 =	vsel vm6, $0x2801, v24;
	v23 =	vsel vm6, $0x1801, v23  }
0x44: {  	s2 =	rddreg [dreg:$0x3];
	s6 =	srdreg.scid;
	s5 =	simm.s32 $0x0;
	v25 =	vsel vm7, $0x3381, v25;
	v24 =	vsel vm5, $0x2881, v24;
	v23 =	vsel vm5, $0x1881, v23  }
0x45: {  	s4 =	stileid.u32;
	s10 =	simm.s32 $0x2;
	s11 =	simm.s32 $0x4000;
	v25 =	vsel vm6, $0x3801, v25;
	v24 =	vsel vm4, $0x2901, v24;
	v23 =	vsel vm4, $0x1901, v23  }
0x46: {  	s12 =	simm.s32 $0xC000;
	s13 =	simm.s32 $0x1;
	s14 =	simm.s32 $0x8000;
	v25 =	vsel vm5, $0x3881, v25;
	v24 =	vsel vm2, $0x2981, v24;
	v23 =	vsel vm2, $0x1981, v23  }
.Ltmp0:
0x47: {  	s6 =	sand.u32 $0x1, s6;
	[smem:$0x7FF] =	sst s5;
	[tilespmem:$0x1FFB0] =	vst v17;
	v25 =	vsel vm4, $0x3901, v25;
	v24 =	vsel vm0, $0x2A01, v24;
	v23 =	vsel vm0, $0x1A01, v23;
	(pc) =	sbr.rel .LBB2_1-.Ltmp0, $4  }
0x48: {  	s15 =	simm.s32 $0x3;
	s7 =	ssub.s32 $0x2, s6;
	_ =	strace $0x80000047;
	v25 =	vsel vm2, $0x3981, v25;
	[tilespmem:$0x1FFD0] =	vst v22;
	v24 =	vsel vm1, $0x2A81, v24;
	v23 =	vsel vm1, $0x1A81, v23  }
0x49: {  	s16 =	simm.s32 $0x0;
	s8 =	sshll.u32 s4, $0x1;
	s9 =	sshrl.u32 s7, $0x1;
	v12 =	vand.u32 $0xF, v12;
	[tilespmem:$0x1FFE0] =	vst v1;
	v25 =	vsel vm0, $0x3A01, v25;
	v24 =	vsel vm3, $0x2B01, v24  }
0x4a: {  	s6 =	sor.u32 s6, s8;
	s8 =	sadd.s32 $0x7A1000, s3;
	s9 =	ssub.s32 s7, s9;
	v8 =	vand.u32 $0xF, v8;
	v25 =	vsel vm1, $0x3A81, v25;
	[tilespmem:$0x1FFF0] =	vst v24;
	v17 =	vsel vm3, $0x1B01, v23  }
0x4b: {  	p0 =	sne.s32 s6, $0x1F;
	s7 =	sor.u32 $0xFFFFFFE0, s6;
	s9 =	smax.u32 s9, $0x1;
	v18 =	vor.u32 $0x10, v0;
	v20 =	vor.u32 $0x20, v0;
	v25 =	vsel vm3, $0x3B01, v25;
	[tilespmem:$0x1FFC0] =	vst v17;
	v23 =	vmovc v1  }
.LBB2_39:
0x4c: {  	_ =	swait.ge [sflag:s15], $0x4000  }
0x4d: {  	[sflag:s15] =	ssyncset.done $0x0  }
0x4e: {  	[sflag:s15] =	ssyncadd.s32 $0xFFFFC000  }
0x4f: {  	_ =	swait.ge [sflag:s15], $0x4000  }
0x50: {  	s17 =	simm.s32 @!p0 $0x0;
	[sflag:s15] =	ssyncset.done $0x0  }
0x51: {  	s18 =	simm.s32 @!p0 $0x10000;
	s19 =	simm.s32 @!p0 $0x4;
	[sflag:s15] =	ssyncadd.s32 $0xFFFFC000  }
0x52: {  	[tilespmem:s18], [sflag:$0x4] =	stream.linear.gather @!p0 [hbm4b:s1+s17], $0x1000, $0x38;
	[tilespmem:$0x11000] =	vst v63  }
0x53: {  	s16 =	sadd.s32 $0x1, s16;
	_ =	swait.ge @!p0 [sflag:s19], $0x1000  }
0x54: {  	p1 =	sne.s32 s16, s9;
	[sflag:s19] =	ssyncset.done @!p0 $0x0  }
.Ltmp1:
0x55: {  	[sflag:s19] =	ssyncadd.s32 @!p0 $0xFFFFF000;
	(pc) =	sbr.rel @!p1 .LBB2_40-.Ltmp1, $4  }
0x56: {  	[hbm4b:s8+s17] =	stream.linear.scatter @!p0 [tilespmem:s18], [sflag:$0x4], $0x1000, $0x38;
	[tilespmem:$0x11000] =	vst v63  }
0x57: {  	_ =	swait.ge @!p0 [sflag:s19], $0x1000  }
0x58: {  	[sflag:s19] =	ssyncset.done @!p0 $0x0  }
0x59: {  	[sflag:s19] =	ssyncadd.s32 @!p0 $0xFFFFF000  }
.LBB2_1:
.Ltmp2:
0x5a: {  	(pc) =	sbr.rel .LBB2_2-.Ltmp2, $2  }
0x5b: {  	_ =	sdelay $0x2  }
0x5c: {  	s17 =	simm.s32 $0x0  }
.LBB2_38:
0x5d: {  	s17 =	sadd.s32 $0x1, s17  }
0x5e: {  	p1 =	sne.s32 s17, $0x3F  }
.Ltmp3:
0x5f: {  	_ = 	snop;
	(pc) =	sbr.rel @!p1 .LBB2_39-.Ltmp3, $1  }
0x60: {  	_ =	sdelay $0x3  }
.LBB2_2:
0x61: {  	s19 =	sshll.u32 s17, $0x6  }
0x62: {  	p1 =	seq.s32 s17, $0x0;
	s18 =	sor.u32 s6, s19;
	s19 =	sadd.s32 s7, s19  }
0x63: {  	p3 =	sgt.s32 @!p1 s19, $0xF41  }
0x64: {  	p3 =	por p1, p3  }
.Ltmp4:
0x65: {  	_ = 	snop;
	(pc) =	sbr.rel @p3 .LBB2_20-.Ltmp4, $4  }
0x66: {  	p2 =	sgt.u32 s18, $0xF41  }
0x67: {  	s20 =	sshll.u32 @!p2 s18, $0x8;
	s21 =	simm.s32 @!p2 $0x800  }
0x68: {  	s22 =	simm.s32 @!p2 $0x7A1400;
	s23 =	simm.s32 @!p2 $0x0;
	s20 =	sadd.s32 @!p2 s0, s20  }
0x69: {  	[tilespmem:s23], [sflag:$0x1] =	stream.strided.gather @!p2 [hbm4b:s20+s21], $0x4000, s22, s21, $0x38;
	[tilespmem:$0x11000] =	vst v63  }
0x6a: {  	s20 =	simm.s32 $0x0  }
0x6b: {  	v26 =	vmov s20  }
0x6c: {  	v52 =	vor.u32 s20, v0;
	v49 =	vor.u32 s20, v2;
	v1 =	vor.u32 s20, v3  }
0x6d: {  	v27 =	vor.u32 s20, v16;
	v34 =	vor.u32 s20, v4;
	v35 =	vor.u32 s20, v5  }
0x6e: {  	v36 =	vor.u32 s20, v6;
	v37 =	vor.u32 s20, v7;
	v38 =	vor.u32 s20, v8  }
0x6f: {  	v40 =	vor.u32 s20, v9;
	v41 =	vor.u32 s20, v10;
	v44 =	vor.u32 s20, v11  }
0x70: {  	v45 =	vor.u32 s20, v12;
	v46 =	vor.u32 s20, v13;
	v48 =	vor.u32 s20, v14  }
0x71: {  	v17 =	vor.u32 s20, v15;
	v26 =	vshll.u32 v26, $0x4;
	v28 =	vshll.u32 v27, $0x1  }
0x72: {  	v30 =	vshll.u32 v52, $0x1;
	v32 =	vshll.u32 v49, $0x1;
	v39 =	vshll.u32 v1, $0x1  }
0x73: {  	v42 =	vshll.u32 v34, $0x1;
	v43 =	vshll.u32 v35, $0x1;
	v47 =	vshll.u32 v36, $0x1  }
0x74: {  	v27 =	vshll.u32 v27, $0x7;
	v50 =	vshll.u32 v37, $0x1;
	v51 =	vshll.u32 v38, $0x1  }
0x75: {  	v53 =	vshll.u32 v41, $0x1;
	v54 =	vshll.u32 v44, $0x1;
	v55 =	vshll.u32 v45, $0x1  }
0x76: {  	v56 =	vshll.u32 v46, $0x1;
	v57 =	vshll.u32 v48, $0x1;
	v58 =	vshll.u32 v17, $0x1  }
0x77: {  	v49 =	vshll.u32 v49, $0x7;
	v34 =	vshll.u32 v34, $0x7;
	v35 =	vshll.u32 v35, $0x7  }
0x78: {  	v36 =	vshll.u32 v36, $0x7;
	v37 =	vshll.u32 v37, $0x7;
	v38 =	vshll.u32 v38, $0x7  }
0x79: {  	v26 =	vand.u32 $0x400, v26;
	v28 =	vand.u32 $0x7E, v28;
	v19 =	vor.u32 v0, v27  }
0x7a: {  	v27 =	vshll.u32 v40, $0x1;
	v30 =	vand.u32 $0x7E, v30;
	v32 =	vand.u32 $0x7E, v32  }
0x7b: {  	v39 =	vand.u32 $0x7E, v39;
	v42 =	vand.u32 $0x7E, v42;
	v43 =	vand.u32 $0x7E, v43  }
0x7c: {  	_ =	swait.ge [sflag:s10], $0x4000;
	v47 =	vand.u32 $0x7E, v47;
	v50 =	vand.u32 $0x7E, v50;
	v26 =	vor.u32 v22, v26  }
0x7d: {  	p3 =	slt.u32 s17, $0x2;
	[sflag:s10] =	ssyncset.done $0x0;
	v51 =	vand.u32 $0x7E, v51;
	v53 =	vand.u32 $0x7E, v53;
	v28 =	vor.u32 v28, v26  }
0x7e: {  	s21 =	simm.s32 @!p3 $0x3;
	[sflag:s10] =	ssyncadd.s32 $0xFFFFC000;
	v54 =	vand.u32 $0x7E, v54;
	v55 =	vand.u32 $0x7E, v55;
	v59 =	vor.u32 v30, v26  }
0x7f: {  	v56 =	vand.u32 $0x7E, v56;
	v57 =	vand.u32 $0x7E, v57;
	_ =	swait.ge @!p3 [sflag:s21], $0x4000;
	v60 =	vor.u32 v32, v26  }
0x80: {  	v58 =	vand.u32 $0x7E, v58;
	v27 =	vand.u32 $0x7E, v27;
	[sflag:s21] =	ssyncset.done @!p3 $0x0;
	v39 =	vor.u32 v39, v26  }
0x81: {  	v61 =	vor.u32 v42, v26;
	v62 =	vor.u32 v43, v26;
	v63 =	vor.u32 v47, v26;
	[sflag:s21] =	ssyncadd.s32 @!p3 $0xFFFFC000  }
0x82: {  	v29 =	vor.u32 v50, v26;
	v31 =	vor.u32 v51, v26;
	v33 =	vor.u32 v27, v26;
	v50 =	vld.idx.msk [tilespmem:v28+s11+$0x0], $0xffff  }
0x83: {  	v21 =	vor.u32 v53, v26;
	v32 =	vor.u32 v54, v26;
	v30 =	vor.u32 v55, v26;
	v47 =	vld.idx.msk [tilespmem:v59+s11+$0x0], $0xffff  }
0x84: {  	v27 =	vor.u32 v57, v26;
	v51 =	vshll.u32 v52, $0x7;
	v52 =	vshll.u32 v1, $0x7;
	v43 =	vld.idx.msk [tilespmem:v60+s11+$0x0], $0xffff  }
0x85: {  	v57 =	vshll.u32 v41, $0x7;
	v53 =	vor.u32 v0, v49;
	v55 =	vshll.u32 v17, $0x7;
	v42 =	vld.idx.msk [tilespmem:v39+s11+$0x0], $0xffff  }
0x86: {  	v49 =	vor.u32 v0, v36;
	v54 =	vor.u32 v0, v51;
	v52 =	vor.u32 v0, v52;
	v39 =	vld.idx.msk [tilespmem:v61+s11+$0x0], $0xffff  }
0x87: {  	v51 =	vor.u32 v0, v34;
	v28 =	vor.u32 v56, v26;
	v56 =	vshll.u32 v40, $0x7;
	v40 =	vld.idx.msk [tilespmem:v62+s11+$0x0], $0xffff  }
0x88: {  	v26 =	vor.u32 v58, v26;
	v58 =	vshll.u32 v44, $0x7;
	v59 =	vshll.u32 v45, $0x7;
	v44 =	vld.idx.msk [tilespmem:v63+s11+$0x0], $0xffff  }
0x89: {  	v60 =	vshll.u32 v46, $0x7;
	v61 =	vshll.u32 v48, $0x7;
	v46 =	vld.idx.msk [tilespmem:v29+s11+$0x0], $0xffff;
	v48 =	vor.u32 v0, v37  }
0x8a: {  	v41 =	vld.idx.msk [tilespmem:v31+s11+$0x0], $0xffff;
	v45 =	vor.u32 v0, v38;
	v38 =	vor.u32 v0, v56;
	v34 =	vor.u32 v0, v58  }
0x8b: {  	v36 =	vld.idx.msk [tilespmem:v33+s11+$0x0], $0xffff;
	v33 =	vor.u32 v0, v59;
	v31 =	vor.u32 v0, v60;
	v29 =	vor.u32 v0, v61  }
0x8c: {  	v37 =	vld.idx.msk [tilespmem:v21+s11+$0x0], $0xffff;
	[tilespmem:v19+s12+$0x0] =	vst.idx.msk $0xffff, v50;
	v50 =	vor.u32 v0, v35;
	v35 =	vor.u32 v0, v57  }
.LBB2_4:
0x8d: {  	s20 =	sadd.s32 $0x10, s20;
	[tilespmem:v54+s12+$0x0] =	vst.idx.msk $0xffff, v47;
	v32 =	vld.idx.msk [tilespmem:v32+s11+$0x0], $0xffff;
	v47 =	vor.u32 v0, v55  }
0x8e: {  	v54 =	vmov s20;
	v55 =	vor.u32 s20, v0;
	v56 =	vor.u32 s20, v2;
	p3 =	slt.u32 s20, $0x70;
	[tilespmem:v53+s12+$0x0] =	vst.idx.msk $0xffff, v43;
	v30 =	vld.idx.msk [tilespmem:v30+s11+$0x0], $0xffff  }
0x8f: {  	v53 =	vor.u32 s20, v3;
	v43 =	vshll.u32 v54, $0x4;
	v54 =	vor.u32 s20, v16;
	[tilespmem:v52+s12+$0x0] =	vst.idx.msk $0xffff, v42;
	v28 =	vld.idx.msk [tilespmem:v28+s11+$0x0], $0xffff  }
0x90: {  	v52 =	vor.u32 s20, v4;
	v42 =	vand.u32 $0x400, v43;
	v43 =	vshll.u32 v54, $0x1;
	[tilespmem:v51+s12+$0x0] =	vst.idx.msk $0xffff, v39;
	v27 =	vld.idx.msk [tilespmem:v27+s11+$0x0], $0xffff  }
0x91: {  	v39 =	vor.u32 v22, v42;
	v42 =	vor.u32 s20, v5;
	v43 =	vand.u32 $0x7E, v43;
	[tilespmem:v50+s12+$0x0] =	vst.idx.msk $0xffff, v40;
	v26 =	vld.idx.msk [tilespmem:v26+s11+$0x0], $0xffff  }
0x92: {  	v40 =	vor.u32 s20, v6;
	v50 =	vor.u32 s20, v7;
	v43 =	vor.u32 v43, v39;
	[tilespmem:v49+s12+$0x0] =	vst.idx.msk $0xffff, v44  }
0x93: {  	v51 =	vor.u32 s20, v10;
	v44 =	vor.u32 s20, v8;
	v49 =	vor.u32 s20, v9;
	[tilespmem:v48+s12+$0x0] =	vst.idx.msk $0xffff, v46  }
0x94: {  	v57 =	vor.u32 s20, v13;
	v46 =	vor.u32 s20, v11;
	v48 =	vor.u32 s20, v12;
	[tilespmem:v45+s12+$0x0] =	vst.idx.msk $0xffff, v41  }
0x95: {  	v58 =	vor.u32 s20, v15;
	v41 =	vshll.u32 v55, $0x1;
	v45 =	vor.u32 s20, v14;
	[tilespmem:v38+s12+$0x0] =	vst.idx.msk $0xffff, v36  }
0x96: {  	v59 =	vshll.u32 v52, $0x1;
	v36 =	vshll.u32 v56, $0x1;
	v38 =	vshll.u32 v53, $0x1;
	[tilespmem:v35+s12+$0x0] =	vst.idx.msk $0xffff, v37  }
0x97: {  	v54 =	vshll.u32 v54, $0x7;
	v35 =	vshll.u32 v42, $0x1;
	v37 =	vshll.u32 v40, $0x1;
	v43 =	vld.idx.msk [tilespmem:v43+s11+$0x0], $0xffff;
	[tilespmem:v34+s12+$0x0] =	vst.idx.msk $0xffff, v32  }
0x98: {  	v54 =	vor.u32 v0, v54;
	v32 =	vshll.u32 v50, $0x1;
	v34 =	vshll.u32 v44, $0x1;
	[tilespmem:v33+s12+$0x0] =	vst.idx.msk $0xffff, v30  }
0x99: {  	v60 =	vshll.u32 v46, $0x1;
	v30 =	vshll.u32 v49, $0x1;
	v33 =	vshll.u32 v51, $0x1;
	[tilespmem:v31+s12+$0x0] =	vst.idx.msk $0xffff, v28  }
0x9a: {  	v61 =	vshll.u32 v45, $0x1;
	v28 =	vshll.u32 v48, $0x1;
	v31 =	vshll.u32 v57, $0x1;
	[tilespmem:v29+s12+$0x0] =	vst.idx.msk $0xffff, v27  }
0x9b: {  	v27 =	vand.u32 $0x7E, v41;
	v29 =	vand.u32 $0x7E, v36;
	v36 =	vshll.u32 v58, $0x1;
	[tilespmem:v47+s12+$0x0] =	vst.idx.msk $0xffff, v26  }
0x9c: {  	v35 =	vand.u32 $0x7E, v35;
	v26 =	vand.u32 $0x7E, v38;
	v38 =	vand.u32 $0x7E, v59  }
0x9d: {  	v37 =	vand.u32 $0x7E, v37;
	v32 =	vand.u32 $0x7E, v32;
	v34 =	vand.u32 $0x7E, v34;
	[tilespmem:v54+s12+$0x0] =	vst.idx.msk $0xffff, v43  }
0x9e: {  	v30 =	vand.u32 $0x7E, v30;
	v33 =	vand.u32 $0x7E, v33;
	v41 =	vand.u32 $0x7E, v60  }
0x9f: {  	v28 =	vand.u32 $0x7E, v28;
	v31 =	vand.u32 $0x7E, v31;
	v43 =	vand.u32 $0x7E, v61  }
0xa0: {  	v47 =	vor.u32 v27, v39;
	v29 =	vor.u32 v29, v39;
	v36 =	vand.u32 $0x7E, v36  }
0xa1: {  	v35 =	vor.u32 v35, v39;
	v38 =	vor.u32 v38, v39;
	v54 =	vor.u32 v26, v39  }
0xa2: {  	v37 =	vor.u32 v37, v39;
	v34 =	vor.u32 v34, v39;
	v59 =	vor.u32 v32, v39  }
0xa3: {  	v60 =	vor.u32 v30, v39;
	v33 =	vor.u32 v33, v39;
	v32 =	vor.u32 v41, v39  }
0xa4: {  	v30 =	vor.u32 v28, v39;
	v28 =	vor.u32 v31, v39;
	v27 =	vor.u32 v43, v39  }
0xa5: {  	v31 =	vshll.u32 v55, $0x7;
	v41 =	vshll.u32 v56, $0x7;
	v26 =	vor.u32 v36, v39;
	v47 =	vld.idx.msk [tilespmem:v47+s11+$0x0], $0xffff  }
0xa6: {  	v56 =	vshll.u32 v42, $0x7;
	v36 =	vshll.u32 v52, $0x7;
	v43 =	vld.idx.msk [tilespmem:v29+s11+$0x0], $0xffff;
	v29 =	vshll.u32 v53, $0x7  }
0xa7: {  	v62 =	vshll.u32 v50, $0x7;
	v63 =	vshll.u32 v44, $0x7;
	v61 =	vshll.u32 v40, $0x7;
	v42 =	vld.idx.msk [tilespmem:v54+s11+$0x0], $0xffff  }
0xa8: {  	v1 =	vshll.u32 v51, $0x7;
	v17 =	vshll.u32 v46, $0x7;
	v39 =	vld.idx.msk [tilespmem:v38+s11+$0x0], $0xffff;
	v38 =	vshll.u32 v49, $0x7  }
0xa9: {  	v19 =	vshll.u32 v48, $0x7;
	v21 =	vshll.u32 v45, $0x7;
	v57 =	vshll.u32 v57, $0x7;
	v40 =	vld.idx.msk [tilespmem:v35+s11+$0x0], $0xffff  }
.Ltmp5:
0xaa: {  	v55 =	vshll.u32 v58, $0x7;
	v53 =	vor.u32 v0, v41;
	v54 =	vor.u32 v0, v31;
	v44 =	vld.idx.msk [tilespmem:v37+s11+$0x0], $0xffff;
	(pc) =	sbr.rel @p3 .LBB2_4-.Ltmp5, $4  }
0xab: {  	v50 =	vor.u32 v0, v56;
	v51 =	vor.u32 v0, v36;
	v52 =	vor.u32 v0, v29;
	v46 =	vld.idx.msk [tilespmem:v59+s11+$0x0], $0xffff  }
0xac: {  	v45 =	vor.u32 v0, v63;
	v48 =	vor.u32 v0, v62;
	v49 =	vor.u32 v0, v61;
	v41 =	vld.idx.msk [tilespmem:v34+s11+$0x0], $0xffff  }
0xad: {  	v38 =	vor.u32 v0, v38;
	v35 =	vor.u32 v0, v1;
	v34 =	vor.u32 v0, v17;
	v36 =	vld.idx.msk [tilespmem:v60+s11+$0x0], $0xffff  }
0xae: {  	v31 =	vor.u32 v0, v57;
	v29 =	vor.u32 v0, v21;
	v37 =	vld.idx.msk [tilespmem:v33+s11+$0x0], $0xffff;
	v33 =	vor.u32 v0, v19  }
0xaf: {  	_ = 	snop  }
0xb0: {  	v1 =	vor.u32 v0, v55;
	s20 =	simm.s32 $0x0  }
0xb1: {  	[tilespmem:$0x1FF70] =	vst v1;
	v1 =	vor.u32 s20, v3  }
0xb2: {  	[tilespmem:$0x1FF80] =	vst v1  }
0xb3: {  	v22 =	vld [tilespmem:$0x1FF90];
	[tilespmem:v54+s12+$0x0] =	vst.idx.msk $0xffff, v47  }
0xb4: {  	[tilespmem:v53+s12+$0x0] =	vst.idx.msk $0xffff, v43  }
0xb5: {  	[tilespmem:v52+s12+$0x0] =	vst.idx.msk $0xffff, v42  }
0xb6: {  	[tilespmem:v51+s12+$0x0] =	vst.idx.msk $0xffff, v39  }
0xb7: {  	v17 =	vmov s20;
	v55 =	vor.u32 s20, v0;
	[tilespmem:v50+s12+$0x0] =	vst.idx.msk $0xffff, v40  }
0xb8: {  	v21 =	vor.u32 s20, v2;
	v56 =	vor.u32 s20, v16;
	v57 =	vor.u32 s20, v4;
	v32 =	vld.idx.msk [tilespmem:v32+s11+$0x0], $0xffff;
	[tilespmem:v49+s12+$0x0] =	vst.idx.msk $0xffff, v44  }
0xb9: {  	v59 =	vor.u32 s20, v5;
	v60 =	vor.u32 s20, v7;
	v61 =	vor.u32 s20, v10;
	v30 =	vld.idx.msk [tilespmem:v30+s11+$0x0], $0xffff;
	[tilespmem:v48+s12+$0x0] =	vst.idx.msk $0xffff, v46  }
0xba: {  	v62 =	vor.u32 s20, v12;
	v63 =	vor.u32 s20, v13;
	v19 =	vor.u32 s20, v15;
	v28 =	vld.idx.msk [tilespmem:v28+s11+$0x0], $0xffff;
	[tilespmem:v45+s12+$0x0] =	vst.idx.msk $0xffff, v41  }
0xbb: {  	v17 =	vshll.u32 v17, $0x4;
	v58 =	vshll.u32 v56, $0x1;
	v56 =	vshll.u32 v56, $0x7;
	v27 =	vld.idx.msk [tilespmem:v27+s11+$0x0], $0xffff;
	[tilespmem:v38+s12+$0x0] =	vst.idx.msk $0xffff, v36  }
0xbc: {  	v17 =	vand.u32 $0x400, v17;
	v58 =	vand.u32 $0x7E, v58;
	v54 =	vor.u32 s20, v6;
	[tilespmem:v35+s12+$0x0] =	vst.idx.msk $0xffff, v37  }
0xbd: {  	v53 =	vor.u32 s20, v8;
	v52 =	vor.u32 s20, v11;
	v39 =	vshll.u32 v55, $0x1;
	[tilespmem:v34+s12+$0x0] =	vst.idx.msk $0xffff, v32  }
0xbe: {  	v51 =	vor.u32 s20, v14;
	v40 =	vshll.u32 v21, $0x1;
	v42 =	vshll.u32 v1, $0x1;
	[tilespmem:v33+s12+$0x0] =	vst.idx.msk $0xffff, v30  }
0xbf: {  	v43 =	vshll.u32 v57, $0x1;
	v44 =	vshll.u32 v59, $0x1;
	v46 =	vshll.u32 v60, $0x1;
	[tilespmem:v31+s12+$0x0] =	vst.idx.msk $0xffff, v28  }
0xc0: {  	v50 =	vor.u32 v18, v56;
	v45 =	vshll.u32 v61, $0x1;
	v36 =	vshll.u32 v62, $0x1;
	[tilespmem:v29+s12+$0x0] =	vst.idx.msk $0xffff, v27  }
0xc1: {  	v38 =	vshll.u32 v63, $0x1;
	v21 =	vshll.u32 v21, $0x7;
	v33 =	vand.u32 $0x7E, v46;
	v46 =	vld [tilespmem:$0x1FF70]  }
0xc2: {  	v49 =	vshll.u32 v54, $0x1;
	v48 =	vshll.u32 v53, $0x1;
	v56 =	vshll.u32 v52, $0x1  }
0xc3: {  	v1 =	vshll.u32 v51, $0x1;
	v35 =	vand.u32 $0x7E, v39;
	v37 =	vand.u32 $0x7E, v40  }
0xc4: {  	v26 =	vld.idx.msk [tilespmem:v26+s11+$0x0], $0xffff;
	v39 =	vshll.u32 v19, $0x1;
	v40 =	vand.u32 $0x7E, v44;
	v17 =	vor.u32 v22, v17  }
0xc5: {  	v1 =	vand.u32 $0x7E, v1;
	v47 =	vor.u32 v58, v17;
	v58 =	vor.u32 s20, v9  }
0xc6: {  	v41 =	vshll.u32 v58, $0x1;
	v32 =	vand.u32 $0x7E, v42;
	v34 =	vand.u32 $0x7E, v43  }
0xc7: {  	v30 =	vand.u32 $0x7E, v49;
	v42 =	vand.u32 $0x7E, v48;
	v34 =	vor.u32 v34, v17  }
0xc8: {  	v28 =	vand.u32 $0x7E, v41;
	v29 =	vand.u32 $0x7E, v38;
	v38 =	vor.u32 v40, v17  }
0xc9: {  	v31 =	vand.u32 $0x7E, v45;
	v49 =	vand.u32 $0x7E, v56;
	[tilespmem:v46+s12+$0x0] =	vst.idx.msk $0xffff, v26;
	v26 =	vor.u32 v35, v17  }
0xca: {  	v27 =	vand.u32 $0x7E, v36;
	v36 =	vand.u32 $0x7E, v39;
	v45 =	vor.u32 v42, v17  }
0xcb: {  	v35 =	vor.u32 v37, v17;
	v37 =	vor.u32 v32, v17;
	v32 =	vor.u32 v49, v17;
	v49 =	vld.idx.msk [tilespmem:v47+s11+$0x0], $0xffff  }
0xcc: {  	v48 =	vor.u32 v30, v17;
	v33 =	vor.u32 v33, v17;
	v56 =	vor.u32 v28, v17;
	v39 =	vld.idx.msk [tilespmem:v34+s11+$0x0], $0xffff  }
0xcd: {  	v31 =	vor.u32 v31, v17;
	v30 =	vor.u32 v27, v17;
	v28 =	vor.u32 v29, v17;
	v40 =	vld.idx.msk [tilespmem:v38+s11+$0x0], $0xffff  }
0xce: {  	v27 =	vor.u32 v1, v17;
	v1 =	vshll.u32 v55, $0x7;
	v29 =	vshll.u32 v57, $0x7;
	v47 =	vld.idx.msk [tilespmem:v26+s11+$0x0], $0xffff  }
0xcf: {  	v57 =	vshll.u32 v53, $0x7;
	v53 =	vor.u32 v18, v21;
	v26 =	vor.u32 v36, v17;
	v17 =	vld [tilespmem:$0x1FF80]  }
0xd0: {  	v55 =	vshll.u32 v19, $0x7;
	v34 =	vshll.u32 v58, $0x7;
	v58 =	vshll.u32 v61, $0x7;
	v41 =	vld.idx.msk [tilespmem:v45+s11+$0x0], $0xffff  }
0xd1: {  	v61 =	vshll.u32 v63, $0x7;
	v45 =	vor.u32 v18, v57;
	v38 =	vor.u32 v18, v34;
	v43 =	vld.idx.msk [tilespmem:v35+s11+$0x0], $0xffff  }
0xd2: {  	v35 =	vshll.u32 v59, $0x7;
	v42 =	vld.idx.msk [tilespmem:v37+s11+$0x0], $0xffff;
	v36 =	vshll.u32 v54, $0x7;
	v37 =	vshll.u32 v60, $0x7  }
0xd3: {  	v59 =	vshll.u32 v52, $0x7;
	v60 =	vshll.u32 v62, $0x7;
	v54 =	vor.u32 v18, v1  }
0xd4: {  	v44 =	vld.idx.msk [tilespmem:v48+s11+$0x0], $0xffff;
	v62 =	vshll.u32 v51, $0x7;
	v51 =	vor.u32 v18, v29;
	[tilespmem:v50+s12+$0x0] =	vst.idx.msk $0xffff, v49;
	v17 =	vshll.u32 v17, $0x7  }
0xd5: {  	v46 =	vld.idx.msk [tilespmem:v33+s11+$0x0], $0xffff;
	v50 =	vor.u32 v18, v35;
	v49 =	vor.u32 v18, v36;
	v52 =	vor.u32 v18, v17  }
0xd6: {  	v48 =	vor.u32 v18, v37;
	v36 =	vld.idx.msk [tilespmem:v56+s11+$0x0], $0xffff;
	v35 =	vor.u32 v18, v58;
	v34 =	vor.u32 v18, v59  }
0xd7: {  	v37 =	vld.idx.msk [tilespmem:v31+s11+$0x0], $0xffff;
	v33 =	vor.u32 v18, v60;
	v31 =	vor.u32 v18, v61;
	v29 =	vor.u32 v18, v62  }
.LBB2_6:
0xd8: {  	s20 =	sadd.s32 $0x10, s20;
	[tilespmem:v54+s12+$0x0] =	vst.idx.msk $0xffff, v47;
	v1 =	vld.idx.msk [tilespmem:v32+s11+$0x0], $0xffff;
	v17 =	vor.u32 v18, v55  }
0xd9: {  	v19 =	vmov s20;
	v21 =	vor.u32 s20, v0;
	v54 =	vor.u32 s20, v2;
	p3 =	slt.u32 s20, $0x70;
	[tilespmem:v53+s12+$0x0] =	vst.idx.msk $0xffff, v43;
	v30 =	vld.idx.msk [tilespmem:v30+s11+$0x0], $0xffff  }
0xda: {  	v53 =	vor.u32 s20, v3;
	v32 =	vor.u32 s20, v16;
	v19 =	vshll.u32 v19, $0x4;
	[tilespmem:v52+s12+$0x0] =	vst.idx.msk $0xffff, v42;
	v28 =	vld.idx.msk [tilespmem:v28+s11+$0x0], $0xffff  }
0xdb: {  	v42 =	vor.u32 s20, v4;
	v43 =	vshll.u32 v32, $0x1;
	v19 =	vand.u32 $0x400, v19;
	[tilespmem:v51+s12+$0x0] =	vst.idx.msk $0xffff, v39;
	v27 =	vld.idx.msk [tilespmem:v27+s11+$0x0], $0xffff  }
0xdc: {  	v39 =	vor.u32 s20, v5;
	v43 =	vand.u32 $0x7E, v43;
	v19 =	vor.u32 v22, v19;
	[tilespmem:v50+s12+$0x0] =	vst.idx.msk $0xffff, v40;
	v26 =	vld.idx.msk [tilespmem:v26+s11+$0x0], $0xffff  }
0xdd: {  	v40 =	vor.u32 s20, v6;
	v50 =	vor.u32 s20, v7;
	v43 =	vor.u32 v43, v19;
	[tilespmem:v49+s12+$0x0] =	vst.idx.msk $0xffff, v44  }
0xde: {  	v51 =	vor.u32 s20, v10;
	v44 =	vor.u32 s20, v8;
	v49 =	vor.u32 s20, v9;
	[tilespmem:v48+s12+$0x0] =	vst.idx.msk $0xffff, v46  }
0xdf: {  	v52 =	vor.u32 s20, v13;
	v46 =	vor.u32 s20, v11;
	v48 =	vor.u32 s20, v12;
	[tilespmem:v45+s12+$0x0] =	vst.idx.msk $0xffff, v41  }
0xe0: {  	v55 =	vor.u32 s20, v15;
	v41 =	vshll.u32 v21, $0x1;
	v45 =	vor.u32 s20, v14;
	[tilespmem:v38+s12+$0x0] =	vst.idx.msk $0xffff, v36  }
0xe1: {  	v47 =	vshll.u32 v42, $0x1;
	v36 =	vshll.u32 v54, $0x1;
	v38 =	vshll.u32 v53, $0x1;
	[tilespmem:v35+s12+$0x0] =	vst.idx.msk $0xffff, v37  }
0xe2: {  	v32 =	vshll.u32 v32, $0x7;
	v35 =	vshll.u32 v39, $0x1;
	v37 =	vshll.u32 v40, $0x1;
	v43 =	vld.idx.msk [tilespmem:v43+s11+$0x0], $0xffff;
	[tilespmem:v34+s12+$0x0] =	vst.idx.msk $0xffff, v1  }
0xe3: {  	v32 =	vor.u32 v18, v32;
	v1 =	vshll.u32 v50, $0x1;
	v34 =	vshll.u32 v44, $0x1;
	[tilespmem:v33+s12+$0x0] =	vst.idx.msk $0xffff, v30  }
0xe4: {  	v56 =	vshll.u32 v46, $0x1;
	v30 =	vshll.u32 v49, $0x1;
	v33 =	vshll.u32 v51, $0x1;
	[tilespmem:v31+s12+$0x0] =	vst.idx.msk $0xffff, v28  }
0xe5: {  	v57 =	vshll.u32 v45, $0x1;
	v28 =	vshll.u32 v48, $0x1;
	v31 =	vshll.u32 v52, $0x1;
	[tilespmem:v29+s12+$0x0] =	vst.idx.msk $0xffff, v27  }
0xe6: {  	v27 =	vand.u32 $0x7E, v41;
	v29 =	vand.u32 $0x7E, v36;
	v36 =	vshll.u32 v55, $0x1;
	[tilespmem:v17+s12+$0x0] =	vst.idx.msk $0xffff, v26  }
0xe7: {  	v35 =	vand.u32 $0x7E, v35;
	v17 =	vand.u32 $0x7E, v38;
	v26 =	vand.u32 $0x7E, v47  }
0xe8: {  	v37 =	vand.u32 $0x7E, v37;
	v1 =	vand.u32 $0x7E, v1;
	v34 =	vand.u32 $0x7E, v34;
	[tilespmem:v32+s12+$0x0] =	vst.idx.msk $0xffff, v43  }
0xe9: {  	v30 =	vand.u32 $0x7E, v30;
	v32 =	vand.u32 $0x7E, v33;
	v33 =	vand.u32 $0x7E, v56  }
0xea: {  	v28 =	vand.u32 $0x7E, v28;
	v31 =	vand.u32 $0x7E, v31;
	v38 =	vand.u32 $0x7E, v57  }
0xeb: {  	v41 =	vor.u32 v27, v19;
	v29 =	vor.u32 v29, v19;
	v36 =	vand.u32 $0x7E, v36  }
0xec: {  	v35 =	vor.u32 v35, v19;
	v17 =	vor.u32 v17, v19;
	v56 =	vor.u32 v26, v19  }
0xed: {  	v37 =	vor.u32 v37, v19;
	v1 =	vor.u32 v1, v19;
	v34 =	vor.u32 v34, v19  }
0xee: {  	v57 =	vor.u32 v30, v19;
	v58 =	vor.u32 v32, v19;
	v32 =	vor.u32 v33, v19  }
0xef: {  	v30 =	vor.u32 v28, v19;
	v28 =	vor.u32 v31, v19;
	v27 =	vor.u32 v38, v19  }
0xf0: {  	v21 =	vshll.u32 v21, $0x7;
	v31 =	vshll.u32 v54, $0x7;
	v26 =	vor.u32 v36, v19;
	v47 =	vld.idx.msk [tilespmem:v41+s11+$0x0], $0xffff  }
0xf1: {  	v19 =	vshll.u32 v53, $0x7;
	v33 =	vshll.u32 v39, $0x7;
	v43 =	vld.idx.msk [tilespmem:v29+s11+$0x0], $0xffff;
	v29 =	vshll.u32 v42, $0x7  }
0xf2: {  	v38 =	vshll.u32 v44, $0x7;
	v36 =	vshll.u32 v50, $0x7;
	v42 =	vld.idx.msk [tilespmem:v17+s11+$0x0], $0xffff;
	v17 =	vshll.u32 v40, $0x7  }
0xf3: {  	v59 =	vshll.u32 v51, $0x7;
	v60 =	vshll.u32 v46, $0x7;
	v39 =	vld.idx.msk [tilespmem:v56+s11+$0x0], $0xffff;
	v56 =	vshll.u32 v49, $0x7  }
0xf4: {  	v62 =	vshll.u32 v52, $0x7;
	v61 =	vshll.u32 v48, $0x7;
	v63 =	vshll.u32 v45, $0x7;
	v40 =	vld.idx.msk [tilespmem:v35+s11+$0x0], $0xffff  }
.Ltmp6:
0xf5: {  	v55 =	vshll.u32 v55, $0x7;
	v54 =	vor.u32 v18, v21;
	v53 =	vor.u32 v18, v31;
	v44 =	vld.idx.msk [tilespmem:v37+s11+$0x0], $0xffff;
	(pc) =	sbr.rel @p3 .LBB2_6-.Ltmp6, $4  }
0xf6: {  	v52 =	vor.u32 v18, v19;
	v50 =	vor.u32 v18, v33;
	v51 =	vor.u32 v18, v29;
	v46 =	vld.idx.msk [tilespmem:v1+s11+$0x0], $0xffff  }
0xf7: {  	v45 =	vor.u32 v18, v38;
	v48 =	vor.u32 v18, v36;
	v49 =	vor.u32 v18, v17;
	v41 =	vld.idx.msk [tilespmem:v34+s11+$0x0], $0xffff  }
0xf8: {  	v38 =	vor.u32 v18, v56;
	v35 =	vor.u32 v18, v59;
	v34 =	vor.u32 v18, v60;
	v36 =	vld.idx.msk [tilespmem:v57+s11+$0x0], $0xffff  }
0xf9: {  	v31 =	vor.u32 v18, v62;
	v33 =	vor.u32 v18, v61;
	v29 =	vor.u32 v18, v63;
	v37 =	vld.idx.msk [tilespmem:v58+s11+$0x0], $0xffff  }
0xfa: {  	v1 =	vor.u32 v18, v55;
	s20 =	simm.s32 $0x0  }
0xfb: {  	[tilespmem:$0x1FF40] =	vst v1;
	v19 =	vor.u32 s20, v2  }
0xfc: {  	v1 =	vor.u32 s20, v3;
	[tilespmem:$0x1FF50] =	vst v19  }
0xfd: {  	[tilespmem:$0x1FF60] =	vst v1  }
0xfe: {  	v22 =	vld [tilespmem:$0x1FFA0];
	[tilespmem:v54+s12+$0x0] =	vst.idx.msk $0xffff, v47  }
0xff: {  	[tilespmem:v53+s12+$0x0] =	vst.idx.msk $0xffff, v43  }
0x100: {  	[tilespmem:v52+s12+$0x0] =	vst.idx.msk $0xffff, v42  }
0x101: {  	[tilespmem:v51+s12+$0x0] =	vst.idx.msk $0xffff, v39  }
0x102: {  	v17 =	vmov s20;
	[tilespmem:v50+s12+$0x0] =	vst.idx.msk $0xffff, v40  }
0x103: {  	v55 =	vor.u32 s20, v0;
	v56 =	vor.u32 s20, v16;
	v57 =	vor.u32 s20, v4;
	v32 =	vld.idx.msk [tilespmem:v32+s11+$0x0], $0xffff;
	[tilespmem:v49+s12+$0x0] =	vst.idx.msk $0xffff, v44  }
0x104: {  	v59 =	vor.u32 s20, v5;
	v60 =	vor.u32 s20, v7;
	v61 =	vor.u32 s20, v10;
	v30 =	vld.idx.msk [tilespmem:v30+s11+$0x0], $0xffff;
	[tilespmem:v48+s12+$0x0] =	vst.idx.msk $0xffff, v46  }
0x105: {  	v62 =	vor.u32 s20, v12;
	v63 =	vor.u32 s20, v13;
	v21 =	vor.u32 s20, v15;
	v28 =	vld.idx.msk [tilespmem:v28+s11+$0x0], $0xffff;
	[tilespmem:v45+s12+$0x0] =	vst.idx.msk $0xffff, v41  }
0x106: {  	v17 =	vshll.u32 v17, $0x4;
	v58 =	vshll.u32 v56, $0x1;
	v56 =	vshll.u32 v56, $0x7;
	v27 =	vld.idx.msk [tilespmem:v27+s11+$0x0], $0xffff;
	[tilespmem:v38+s12+$0x0] =	vst.idx.msk $0xffff, v36  }
0x107: {  	v17 =	vand.u32 $0x400, v17;
	v58 =	vand.u32 $0x7E, v58;
	v54 =	vor.u32 s20, v6;
	[tilespmem:v35+s12+$0x0] =	vst.idx.msk $0xffff, v37  }
0x108: {  	v53 =	vor.u32 s20, v8;
	v52 =	vor.u32 s20, v11;
	v39 =	vshll.u32 v55, $0x1;
	[tilespmem:v34+s12+$0x0] =	vst.idx.msk $0xffff, v32  }
0x109: {  	v51 =	vor.u32 s20, v14;
	v40 =	vshll.u32 v19, $0x1;
	v42 =	vshll.u32 v1, $0x1;
	[tilespmem:v33+s12+$0x0] =	vst.idx.msk $0xffff, v30  }
0x10a: {  	v43 =	vshll.u32 v57, $0x1;
	v44 =	vshll.u32 v59, $0x1;
	v46 =	vshll.u32 v60, $0x1;
	[tilespmem:v31+s12+$0x0] =	vst.idx.msk $0xffff, v28  }
0x10b: {  	v50 =	vor.u32 v20, v56;
	v45 =	vshll.u32 v61, $0x1;
	v36 =	vshll.u32 v62, $0x1;
	[tilespmem:v29+s12+$0x0] =	vst.idx.msk $0xffff, v27  }
0x10c: {  	v38 =	vshll.u32 v63, $0x1;
	v49 =	vshll.u32 v54, $0x1;
	v48 =	vshll.u32 v53, $0x1;
	v19 =	vld [tilespmem:$0x1FF40]  }
0x10d: {  	v56 =	vshll.u32 v52, $0x1;
	v1 =	vshll.u32 v51, $0x1;
	v35 =	vand.u32 $0x7E, v39  }
0x10e: {  	v37 =	vand.u32 $0x7E, v40;
	v39 =	vshll.u32 v21, $0x1;
	v17 =	vor.u32 v22, v17  }
0x10f: {  	v26 =	vld.idx.msk [tilespmem:v26+s11+$0x0], $0xffff;
	v40 =	vand.u32 $0x7E, v44;
	v47 =	vor.u32 v58, v17;
	v58 =	vor.u32 s20, v9  }
0x110: {  	v1 =	vand.u32 $0x7E, v1;
	v35 =	vor.u32 v35, v17;
	v41 =	vshll.u32 v58, $0x1  }
0x111: {  	v32 =	vand.u32 $0x7E, v42;
	v34 =	vand.u32 $0x7E, v43;
	v30 =	vand.u32 $0x7E, v49  }
0x112: {  	v33 =	vand.u32 $0x7E, v46;
	v46 =	vand.u32 $0x7E, v48;
	v28 =	vand.u32 $0x7E, v41  }
0x113: {  	v31 =	vand.u32 $0x7E, v45;
	v48 =	vand.u32 $0x7E, v56;
	v27 =	vand.u32 $0x7E, v36  }
0x114: {  	v29 =	vand.u32 $0x7E, v38;
	v36 =	vor.u32 v37, v17;
	v49 =	vand.u32 $0x7E, v39;
	[tilespmem:v19+s12+$0x0] =	vst.idx.msk $0xffff, v26  }
0x115: {  	v38 =	vor.u32 v40, v17;
	v19 =	vor.u32 v31, v17;
	v31 =	vor.u32 v27, v17;
	v27 =	vld [tilespmem:$0x1FF50]  }
0x116: {  	v37 =	vshll.u32 v59, $0x7;
	v41 =	vshll.u32 v60, $0x7;
	v32 =	vor.u32 v32, v17  }
0x117: {  	v59 =	vshll.u32 v52, $0x7;
	v60 =	vshll.u32 v62, $0x7;
	v34 =	vor.u32 v34, v17;
	v40 =	vld.idx.msk [tilespmem:v47+s11+$0x0], $0xffff  }
0x118: {  	v30 =	vor.u32 v30, v17;
	v33 =	vor.u32 v33, v17;
	v45 =	vor.u32 v46, v17;
	v47 =	vld.idx.msk [tilespmem:v35+s11+$0x0], $0xffff  }
0x119: {  	v56 =	vor.u32 v28, v17;
	v29 =	vor.u32 v29, v17;
	v28 =	vor.u32 v1, v17;
	v43 =	vld.idx.msk [tilespmem:v36+s11+$0x0], $0xffff  }
0x11a: {  	v26 =	vor.u32 v48, v17;
	v48 =	vshll.u32 v27, $0x7;
	v27 =	vor.u32 v49, v17;
	v17 =	vld [tilespmem:$0x1FF60]  }
0x11b: {  	v62 =	vshll.u32 v51, $0x7;
	v1 =	vshll.u32 v55, $0x7;
	v55 =	vshll.u32 v21, $0x7;
	v42 =	vld.idx.msk [tilespmem:v32+s11+$0x0], $0xffff  }
0x11c: {  	v32 =	vshll.u32 v54, $0x7;
	v39 =	vld.idx.msk [tilespmem:v34+s11+$0x0], $0xffff;
	v34 =	vshll.u32 v58, $0x7;
	v58 =	vshll.u32 v61, $0x7  }
0x11d: {  	v61 =	vshll.u32 v63, $0x7;
	v54 =	vor.u32 v20, v1;
	v46 =	vld.idx.msk [tilespmem:v33+s11+$0x0], $0xffff;
	v33 =	vor.u32 v20, v60  }
0x11e: {  	v44 =	vld.idx.msk [tilespmem:v30+s11+$0x0], $0xffff;
	v30 =	vor.u32 v20, v62;
	v35 =	vor.u32 v20, v58;
	v49 =	vshll.u32 v57, $0x7  }
0x11f: {  	v36 =	vld.idx.msk [tilespmem:v19+s11+$0x0], $0xffff;
	v57 =	vshll.u32 v53, $0x7;
	[tilespmem:v50+s12+$0x0] =	vst.idx.msk $0xffff, v40;
	v53 =	vor.u32 v20, v48;
	v17 =	vshll.u32 v17, $0x7  }
0x120: {  	v40 =	vld.idx.msk [tilespmem:v38+s11+$0x0], $0xffff;
	v50 =	vor.u32 v20, v37;
	v38 =	vor.u32 v20, v34;
	v52 =	vor.u32 v20, v17  }
0x121: {  	v37 =	vld.idx.msk [tilespmem:v56+s11+$0x0], $0xffff;
	v34 =	vor.u32 v20, v59;
	v51 =	vor.u32 v20, v49;
	v49 =	vor.u32 v20, v32  }
0x122: {  	v48 =	vor.u32 v20, v41;
	v41 =	vld.idx.msk [tilespmem:v45+s11+$0x0], $0xffff;
	v45 =	vor.u32 v20, v57;
	v32 =	vor.u32 v20, v61  }
.LBB2_8:
0x123: {  	s20 =	sadd.s32 $0x10, s20;
	[tilespmem:v54+s12+$0x0] =	vst.idx.msk $0xffff, v47;
	v1 =	vld.idx.msk [tilespmem:v26+s11+$0x0], $0xffff;
	v17 =	vor.u32 v20, v55  }
0x124: {  	v19 =	vmov s20;
	v21 =	vor.u32 s20, v0;
	v54 =	vor.u32 s20, v2;
	p3 =	slt.u32 s20, $0x70;
	[tilespmem:v53+s12+$0x0] =	vst.idx.msk $0xffff, v43;
	v26 =	vld.idx.msk [tilespmem:v31+s11+$0x0], $0xffff  }
0x125: {  	v53 =	vor.u32 s20, v3;
	v31 =	vor.u32 s20, v16;
	v19 =	vshll.u32 v19, $0x4;
	[tilespmem:v52+s12+$0x0] =	vst.idx.msk $0xffff, v42;
	v29 =	vld.idx.msk [tilespmem:v29+s11+$0x0], $0xffff  }
0x126: {  	v42 =	vor.u32 s20, v4;
	v43 =	vshll.u32 v31, $0x1;
	v19 =	vand.u32 $0x400, v19;
	[tilespmem:v51+s12+$0x0] =	vst.idx.msk $0xffff, v39;
	v28 =	vld.idx.msk [tilespmem:v28+s11+$0x0], $0xffff  }
0x127: {  	v39 =	vor.u32 s20, v5;
	v43 =	vand.u32 $0x7E, v43;
	v19 =	vor.u32 v22, v19;
	[tilespmem:v50+s12+$0x0] =	vst.idx.msk $0xffff, v40;
	v27 =	vld.idx.msk [tilespmem:v27+s11+$0x0], $0xffff  }
0x128: {  	v40 =	vor.u32 s20, v6;
	v50 =	vor.u32 s20, v7;
	v43 =	vor.u32 v43, v19;
	[tilespmem:v49+s12+$0x0] =	vst.idx.msk $0xffff, v44  }
0x129: {  	v51 =	vor.u32 s20, v10;
	v44 =	vor.u32 s20, v8;
	v49 =	vor.u32 s20, v9;
	[tilespmem:v48+s12+$0x0] =	vst.idx.msk $0xffff, v46  }
0x12a: {  	v52 =	vor.u32 s20, v13;
	v46 =	vor.u32 s20, v11;
	v48 =	vor.u32 s20, v12;
	[tilespmem:v45+s12+$0x0] =	vst.idx.msk $0xffff, v41  }
0x12b: {  	v55 =	vor.u32 s20, v15;
	v41 =	vshll.u32 v21, $0x1;
	v45 =	vor.u32 s20, v14;
	[tilespmem:v38+s12+$0x0] =	vst.idx.msk $0xffff, v37  }
0x12c: {  	v47 =	vshll.u32 v42, $0x1;
	v37 =	vshll.u32 v54, $0x1;
	v38 =	vshll.u32 v53, $0x1;
	[tilespmem:v35+s12+$0x0] =	vst.idx.msk $0xffff, v36  }
0x12d: {  	v31 =	vshll.u32 v31, $0x7;
	v35 =	vshll.u32 v39, $0x1;
	v36 =	vshll.u32 v40, $0x1;
	v43 =	vld.idx.msk [tilespmem:v43+s11+$0x0], $0xffff;
	[tilespmem:v34+s12+$0x0] =	vst.idx.msk $0xffff, v1  }
0x12e: {  	v31 =	vor.u32 v20, v31;
	v1 =	vshll.u32 v50, $0x1;
	v34 =	vshll.u32 v44, $0x1;
	[tilespmem:v33+s12+$0x0] =	vst.idx.msk $0xffff, v26  }
0x12f: {  	v56 =	vshll.u32 v46, $0x1;
	v26 =	vshll.u32 v49, $0x1;
	v33 =	vshll.u32 v51, $0x1;
	[tilespmem:v32+s12+$0x0] =	vst.idx.msk $0xffff, v29  }
0x130: {  	v57 =	vshll.u32 v45, $0x1;
	v29 =	vshll.u32 v48, $0x1;
	v32 =	vshll.u32 v52, $0x1;
	[tilespmem:v30+s12+$0x0] =	vst.idx.msk $0xffff, v28  }
0x131: {  	v28 =	vand.u32 $0x7E, v41;
	v30 =	vand.u32 $0x7E, v37;
	v37 =	vshll.u32 v55, $0x1;
	[tilespmem:v17+s12+$0x0] =	vst.idx.msk $0xffff, v27  }
0x132: {  	v35 =	vand.u32 $0x7E, v35;
	v17 =	vand.u32 $0x7E, v38;
	v27 =	vand.u32 $0x7E, v47  }
0x133: {  	v36 =	vand.u32 $0x7E, v36;
	v1 =	vand.u32 $0x7E, v1;
	v34 =	vand.u32 $0x7E, v34;
	[tilespmem:v31+s12+$0x0] =	vst.idx.msk $0xffff, v43  }
0x134: {  	v26 =	vand.u32 $0x7E, v26;
	v31 =	vand.u32 $0x7E, v33;
	v33 =	vand.u32 $0x7E, v56  }
0x135: {  	v29 =	vand.u32 $0x7E, v29;
	v32 =	vand.u32 $0x7E, v32;
	v38 =	vand.u32 $0x7E, v57  }
0x136: {  	v41 =	vor.u32 v28, v19;
	v30 =	vor.u32 v30, v19;
	v37 =	vand.u32 $0x7E, v37  }
0x137: {  	v35 =	vor.u32 v35, v19;
	v17 =	vor.u32 v17, v19;
	v56 =	vor.u32 v27, v19  }
0x138: {  	v36 =	vor.u32 v36, v19;
	v1 =	vor.u32 v1, v19;
	v34 =	vor.u32 v34, v19  }
0x139: {  	v57 =	vor.u32 v26, v19;
	v58 =	vor.u32 v31, v19;
	v26 =	vor.u32 v33, v19  }
0x13a: {  	v28 =	vor.u32 v38, v19;
	v31 =	vor.u32 v29, v19;
	v29 =	vor.u32 v32, v19  }
0x13b: {  	v21 =	vshll.u32 v21, $0x7;
	v27 =	vor.u32 v37, v19;
	v32 =	vshll.u32 v54, $0x7;
	v47 =	vld.idx.msk [tilespmem:v41+s11+$0x0], $0xffff  }
0x13c: {  	v19 =	vshll.u32 v53, $0x7;
	v33 =	vshll.u32 v39, $0x7;
	v43 =	vld.idx.msk [tilespmem:v30+s11+$0x0], $0xffff;
	v30 =	vshll.u32 v42, $0x7  }
0x13d: {  	v38 =	vshll.u32 v44, $0x7;
	v37 =	vshll.u32 v50, $0x7;
	v42 =	vld.idx.msk [tilespmem:v17+s11+$0x0], $0xffff;
	v17 =	vshll.u32 v40, $0x7  }
0x13e: {  	v59 =	vshll.u32 v51, $0x7;
	v60 =	vshll.u32 v46, $0x7;
	v39 =	vld.idx.msk [tilespmem:v56+s11+$0x0], $0xffff;
	v56 =	vshll.u32 v49, $0x7  }
0x13f: {  	v62 =	vshll.u32 v52, $0x7;
	v61 =	vshll.u32 v48, $0x7;
	v63 =	vshll.u32 v45, $0x7;
	v40 =	vld.idx.msk [tilespmem:v35+s11+$0x0], $0xffff  }
.Ltmp7:
0x140: {  	v55 =	vshll.u32 v55, $0x7;
	v54 =	vor.u32 v20, v21;
	v53 =	vor.u32 v20, v32;
	v44 =	vld.idx.msk [tilespmem:v36+s11+$0x0], $0xffff;
	(pc) =	sbr.rel @p3 .LBB2_8-.Ltmp7, $4  }
0x141: {  	v52 =	vor.u32 v20, v19;
	v50 =	vor.u32 v20, v33;
	v51 =	vor.u32 v20, v30;
	v46 =	vld.idx.msk [tilespmem:v1+s11+$0x0], $0xffff  }
0x142: {  	v45 =	vor.u32 v20, v38;
	v48 =	vor.u32 v20, v37;
	v49 =	vor.u32 v20, v17;
	v41 =	vld.idx.msk [tilespmem:v34+s11+$0x0], $0xffff  }
0x143: {  	v38 =	vor.u32 v20, v56;
	v35 =	vor.u32 v20, v59;
	v34 =	vor.u32 v20, v60;
	v37 =	vld.idx.msk [tilespmem:v57+s11+$0x0], $0xffff  }
0x144: {  	v33 =	vor.u32 v20, v61;
	v32 =	vor.u32 v20, v62;
	v30 =	vor.u32 v20, v63;
	v36 =	vld.idx.msk [tilespmem:v58+s11+$0x0], $0xffff  }
0x145: {  	v1 =	vor.u32 v20, v55;
	s20 =	simm.s32 $0x0  }
0x146: {  	[tilespmem:$0x1FF00] =	vst v1;
	v1 =	vor.u32 s20, v2  }
0x147: {  	v19 =	vor.u32 s20, v3;
	[tilespmem:$0x1FF10] =	vst v1  }
0x148: {  	v21 =	vor.u32 s20, v4;
	[tilespmem:$0x1FF20] =	vst v19  }
0x149: {  	[tilespmem:$0x1FF30] =	vst v21  }
0x14a: {  	v22 =	vld [tilespmem:$0x1FFB0];
	[tilespmem:v54+s12+$0x0] =	vst.idx.msk $0xffff, v47  }
0x14b: {  	[tilespmem:v53+s12+$0x0] =	vst.idx.msk $0xffff, v43  }
0x14c: {  	[tilespmem:v52+s12+$0x0] =	vst.idx.msk $0xffff, v42  }
0x14d: {  	[tilespmem:v51+s12+$0x0] =	vst.idx.msk $0xffff, v39  }
0x14e: {  	[tilespmem:v50+s12+$0x0] =	vst.idx.msk $0xffff, v40  }
0x14f: {  	v50 =	vld.idx.msk [tilespmem:v26+s11+$0x0], $0xffff;
	[tilespmem:v49+s12+$0x0] =	vst.idx.msk $0xffff, v44  }
0x150: {  	v17 =	vmov s20;
	v55 =	vor.u32 s20, v0;
	v56 =	vor.u32 s20, v16;
	v31 =	vld.idx.msk [tilespmem:v31+s11+$0x0], $0xffff;
	[tilespmem:v48+s12+$0x0] =	vst.idx.msk $0xffff, v46  }
0x151: {  	v59 =	vor.u32 s20, v5;
	v60 =	vor.u32 s20, v7;
	v61 =	vor.u32 s20, v10;
	v29 =	vld.idx.msk [tilespmem:v29+s11+$0x0], $0xffff;
	[tilespmem:v45+s12+$0x0] =	vst.idx.msk $0xffff, v41  }
0x152: {  	v62 =	vor.u32 s20, v12;
	v63 =	vor.u32 s20, v13;
	v57 =	vor.u32 s20, v15;
	v28 =	vld.idx.msk [tilespmem:v28+s11+$0x0], $0xffff;
	[tilespmem:v38+s12+$0x0] =	vst.idx.msk $0xffff, v37  }
0x153: {  	v17 =	vshll.u32 v17, $0x4;
	v58 =	vshll.u32 v56, $0x1;
	v56 =	vshll.u32 v56, $0x7;
	[tilespmem:v35+s12+$0x0] =	vst.idx.msk $0xffff, v36  }
0x154: {  	v17 =	vand.u32 $0x400, v17;
	v58 =	vand.u32 $0x7E, v58;
	v54 =	vor.u32 s20, v6;
	[tilespmem:v34+s12+$0x0] =	vst.idx.msk $0xffff, v50  }
0x155: {  	v53 =	vor.u32 s20, v8;
	v52 =	vor.u32 s20, v11;
	v39 =	vshll.u32 v55, $0x1;
	[tilespmem:v33+s12+$0x0] =	vst.idx.msk $0xffff, v31  }
0x156: {  	v51 =	vor.u32 s20, v14;
	v40 =	vshll.u32 v1, $0x1;
	v42 =	vshll.u32 v19, $0x1;
	[tilespmem:v32+s12+$0x0] =	vst.idx.msk $0xffff, v29  }
0x157: {  	v43 =	vshll.u32 v21, $0x1;
	v26 =	vor.u32 $0x30, v0;
	v44 =	vshll.u32 v59, $0x1;
	[tilespmem:v30+s12+$0x0] =	vst.idx.msk $0xffff, v28  }
0x158: {  	v48 =	vshll.u32 v60, $0x1;
	v38 =	vshll.u32 v62, $0x1;
	v1 =	vshll.u32 v63, $0x1;
	v19 =	vld [tilespmem:$0x1FF00]  }
0x159: {  	v46 =	vshll.u32 v54, $0x1;
	v49 =	vor.u32 v26, v56;
	v41 =	vshll.u32 v53, $0x1  }
0x15a: {  	v56 =	vshll.u32 v61, $0x1;
	v37 =	vshll.u32 v52, $0x1;
	v35 =	vand.u32 $0x7E, v39  }
0x15b: {  	v27 =	vld.idx.msk [tilespmem:v27+s11+$0x0], $0xffff;
	v36 =	vshll.u32 v51, $0x1;
	v39 =	vshll.u32 v57, $0x1;
	v17 =	vor.u32 v22, v17  }
0x15c: {  	v47 =	vor.u32 v58, v17;
	v58 =	vor.u32 s20, v9;
	v34 =	vand.u32 $0x7E, v40  }
0x15d: {  	v1 =	vand.u32 $0x7E, v1;
	v45 =	vshll.u32 v58, $0x1;
	v34 =	vor.u32 v34, v17  }
0x15e: {  	v40 =	vand.u32 $0x7E, v42;
	v42 =	vand.u32 $0x7E, v43;
	v31 =	vand.u32 $0x7E, v44  }
0x15f: {  	v33 =	vand.u32 $0x7E, v46;
	v28 =	vand.u32 $0x7E, v37;
	v37 =	vor.u32 v40, v17  }
0x160: {  	v46 =	vand.u32 $0x7E, v48;
	v50 =	vand.u32 $0x7E, v56;
	[tilespmem:v19+s12+$0x0] =	vst.idx.msk $0xffff, v27;
	v27 =	vor.u32 v35, v17  }
0x161: {  	v29 =	vand.u32 $0x7E, v41;
	v32 =	vand.u32 $0x7E, v45;
	v21 =	vor.u32 v50, v17;
	v50 =	vld.idx.msk [tilespmem:v47+s11+$0x0], $0xffff  }
0x162: {  	v30 =	vand.u32 $0x7E, v38;
	v56 =	vand.u32 $0x7E, v39;
	v48 =	vor.u32 v42, v17;
	v43 =	vld.idx.msk [tilespmem:v34+s11+$0x0], $0xffff  }
0x163: {  	v44 =	vor.u32 v29, v17;
	v29 =	vor.u32 v1, v17;
	v1 =	vshll.u32 v55, $0x7;
	v55 =	vld [tilespmem:$0x1FF20]  }
0x164: {  	v31 =	vor.u32 v31, v17;
	v33 =	vor.u32 v33, v17;
	v39 =	vor.u32 v46, v17;
	v42 =	vld.idx.msk [tilespmem:v37+s11+$0x0], $0xffff  }
0x165: {  	v30 =	vor.u32 v30, v17;
	v35 =	vand.u32 $0x7E, v36;
	v19 =	vor.u32 v32, v17;
	v47 =	vld.idx.msk [tilespmem:v27+s11+$0x0], $0xffff  }
0x166: {  	v32 =	vor.u32 v28, v17;
	v28 =	vor.u32 v35, v17;
	v27 =	vor.u32 v56, v17;
	v17 =	vld [tilespmem:$0x1FF10]  }
0x167: {  	v58 =	vshll.u32 v58, $0x7;
	v46 =	vshll.u32 v60, $0x7;
	v60 =	vshll.u32 v61, $0x7;
	v40 =	vld.idx.msk [tilespmem:v48+s11+$0x0], $0xffff  }
0x168: {  	v61 =	vshll.u32 v62, $0x7;
	v62 =	vshll.u32 v63, $0x7;
	v36 =	vshll.u32 v59, $0x7;
	v56 =	vld [tilespmem:$0x1FF30]  }
0x169: {  	v59 =	vshll.u32 v53, $0x7;
	v37 =	vshll.u32 v54, $0x7;
	v38 =	vld.idx.msk [tilespmem:v31+s11+$0x0], $0xffff;
	v31 =	vshll.u32 v52, $0x7  }
0x16a: {  	v54 =	vor.u32 v26, v1;
	v41 =	vld.idx.msk [tilespmem:v33+s11+$0x0], $0xffff;
	v48 =	vor.u32 v26, v46;
	v46 =	vor.u32 v26, v59  }
0x16b: {  	v45 =	vld.idx.msk [tilespmem:v39+s11+$0x0], $0xffff;
	v39 =	vor.u32 v26, v58;
	v33 =	vor.u32 v26, v61;
	v17 =	vshll.u32 v17, $0x7  }
0x16c: {  	v44 =	vld.idx.msk [tilespmem:v44+s11+$0x0], $0xffff;
	v34 =	vshll.u32 v55, $0x7;
	v55 =	vshll.u32 v51, $0x7;
	v53 =	vor.u32 v26, v17  }
0x16d: {  	[tilespmem:v49+s12+$0x0] =	vst.idx.msk $0xffff, v50;
	v50 =	vor.u32 v26, v36;
	v52 =	vor.u32 v26, v34;
	v35 =	vshll.u32 v56, $0x7  }
0x16e: {  	v49 =	vor.u32 v26, v37;
	v37 =	vld.idx.msk [tilespmem:v19+s11+$0x0], $0xffff;
	v34 =	vor.u32 v26, v31;
	v51 =	vor.u32 v26, v35  }
0x16f: {  	v36 =	vld.idx.msk [tilespmem:v21+s11+$0x0], $0xffff;
	v31 =	vor.u32 v26, v62;
	v56 =	vshll.u32 v57, $0x7;
	v35 =	vor.u32 v26, v60  }
.LBB2_10:
0x170: {  	s20 =	sadd.s32 $0x10, s20;
	[tilespmem:v54+s12+$0x0] =	vst.idx.msk $0xffff, v47;
	v1 =	vld.idx.msk [tilespmem:v32+s11+$0x0], $0xffff;
	v17 =	vor.u32 v26, v55;
	v19 =	vor.u32 v26, v56  }
0x171: {  	v21 =	vmov s20;
	v54 =	vor.u32 s20, v0;
	v55 =	vor.u32 s20, v2;
	p3 =	slt.u32 s20, $0x70;
	[tilespmem:v53+s12+$0x0] =	vst.idx.msk $0xffff, v43;
	v30 =	vld.idx.msk [tilespmem:v30+s11+$0x0], $0xffff  }
0x172: {  	v53 =	vor.u32 s20, v3;
	v32 =	vor.u32 s20, v16;
	v21 =	vshll.u32 v21, $0x4;
	[tilespmem:v52+s12+$0x0] =	vst.idx.msk $0xffff, v42;
	v29 =	vld.idx.msk [tilespmem:v29+s11+$0x0], $0xffff  }
0x173: {  	v42 =	vor.u32 s20, v4;
	v43 =	vshll.u32 v32, $0x1;
	v21 =	vand.u32 $0x400, v21;
	[tilespmem:v51+s12+$0x0] =	vst.idx.msk $0xffff, v40;
	v28 =	vld.idx.msk [tilespmem:v28+s11+$0x0], $0xffff  }
0x174: {  	v40 =	vor.u32 s20, v5;
	v43 =	vand.u32 $0x7E, v43;
	v21 =	vor.u32 v22, v21;
	[tilespmem:v50+s12+$0x0] =	vst.idx.msk $0xffff, v38;
	v27 =	vld.idx.msk [tilespmem:v27+s11+$0x0], $0xffff  }
0x175: {  	v38 =	vor.u32 s20, v6;
	v50 =	vor.u32 s20, v7;
	v43 =	vor.u32 v43, v21;
	[tilespmem:v49+s12+$0x0] =	vst.idx.msk $0xffff, v41  }
0x176: {  	v51 =	vor.u32 s20, v10;
	v41 =	vor.u32 s20, v8;
	v49 =	vor.u32 s20, v9;
	[tilespmem:v48+s12+$0x0] =	vst.idx.msk $0xffff, v45  }
0x177: {  	v52 =	vor.u32 s20, v13;
	v45 =	vor.u32 s20, v11;
	v48 =	vor.u32 s20, v12;
	[tilespmem:v46+s12+$0x0] =	vst.idx.msk $0xffff, v44  }
0x178: {  	v56 =	vor.u32 s20, v15;
	v44 =	vshll.u32 v54, $0x1;
	v46 =	vor.u32 s20, v14;
	[tilespmem:v39+s12+$0x0] =	vst.idx.msk $0xffff, v37  }
0x179: {  	v47 =	vshll.u32 v42, $0x1;
	v37 =	vshll.u32 v55, $0x1;
	v39 =	vshll.u32 v53, $0x1;
	[tilespmem:v35+s12+$0x0] =	vst.idx.msk $0xffff, v36  }
0x17a: {  	v32 =	vshll.u32 v32, $0x7;
	v35 =	vshll.u32 v40, $0x1;
	v36 =	vld.idx.msk [tilespmem:v43+s11+$0x0], $0xffff;
	[tilespmem:v34+s12+$0x0] =	vst.idx.msk $0xffff, v1  }
0x17b: {  	v32 =	vor.u32 v26, v32;
	v1 =	vshll.u32 v38, $0x1;
	v34 =	vshll.u32 v50, $0x1;
	[tilespmem:v33+s12+$0x0] =	vst.idx.msk $0xffff, v30  }
0x17c: {  	v43 =	vshll.u32 v51, $0x1;
	v30 =	vshll.u32 v41, $0x1;
	v33 =	vshll.u32 v49, $0x1;
	[tilespmem:v31+s12+$0x0] =	vst.idx.msk $0xffff, v29  }
0x17d: {  	v57 =	vshll.u32 v52, $0x1;
	v29 =	vshll.u32 v45, $0x1;
	v31 =	vshll.u32 v48, $0x1;
	[tilespmem:v17+s12+$0x0] =	vst.idx.msk $0xffff, v28  }
0x17e: {  	v17 =	vand.u32 $0x7E, v44;
	v28 =	vshll.u32 v46, $0x1;
	v44 =	vshll.u32 v56, $0x1;
	[tilespmem:v19+s12+$0x0] =	vst.idx.msk $0xffff, v27  }
0x17f: {  	v19 =	vand.u32 $0x7E, v37;
	v27 =	vand.u32 $0x7E, v39;
	v37 =	vand.u32 $0x7E, v47  }
0x180: {  	v35 =	vand.u32 $0x7E, v35;
	v1 =	vand.u32 $0x7E, v1;
	v34 =	vand.u32 $0x7E, v34;
	[tilespmem:v32+s12+$0x0] =	vst.idx.msk $0xffff, v36  }
0x181: {  	v30 =	vand.u32 $0x7E, v30;
	v32 =	vand.u32 $0x7E, v33;
	v33 =	vand.u32 $0x7E, v43  }
0x182: {  	v29 =	vand.u32 $0x7E, v29;
	v31 =	vand.u32 $0x7E, v31;
	v36 =	vand.u32 $0x7E, v57  }
0x183: {  	v17 =	vor.u32 v17, v21;
	v28 =	vand.u32 $0x7E, v28;
	v39 =	vand.u32 $0x7E, v44  }
0x184: {  	v19 =	vor.u32 v19, v21;
	v44 =	vor.u32 v27, v21;
	v37 =	vor.u32 v37, v21  }
0x185: {  	v35 =	vor.u32 v35, v21;
	v1 =	vor.u32 v1, v21;
	v34 =	vor.u32 v34, v21  }
0x186: {  	v57 =	vor.u32 v30, v21;
	v58 =	vor.u32 v32, v21;
	v33 =	vor.u32 v33, v21  }
0x187: {  	v30 =	vor.u32 v31, v21;
	v32 =	vor.u32 v29, v21;
	v29 =	vor.u32 v36, v21  }
0x188: {  	v28 =	vor.u32 v28, v21;
	v27 =	vor.u32 v39, v21;
	v47 =	vld.idx.msk [tilespmem:v17+s11+$0x0], $0xffff;
	v17 =	vshll.u32 v54, $0x7  }
0x189: {  	v31 =	vshll.u32 v42, $0x7;
	v21 =	vshll.u32 v53, $0x7;
	v43 =	vld.idx.msk [tilespmem:v19+s11+$0x0], $0xffff;
	v19 =	vshll.u32 v55, $0x7  }
0x18a: {  	v39 =	vshll.u32 v38, $0x7;
	v36 =	vshll.u32 v40, $0x7;
	v42 =	vld.idx.msk [tilespmem:v44+s11+$0x0], $0xffff;
	v44 =	vshll.u32 v50, $0x7  }
0x18b: {  	v60 =	vshll.u32 v51, $0x7;
	v59 =	vshll.u32 v49, $0x7;
	v40 =	vld.idx.msk [tilespmem:v37+s11+$0x0], $0xffff;
	v37 =	vshll.u32 v41, $0x7  }
0x18c: {  	v63 =	vshll.u32 v52, $0x7;
	v61 =	vshll.u32 v45, $0x7;
	v62 =	vshll.u32 v48, $0x7;
	v38 =	vld.idx.msk [tilespmem:v35+s11+$0x0], $0xffff  }
.Ltmp8:
0x18d: {  	v56 =	vshll.u32 v56, $0x7;
	v54 =	vor.u32 v26, v17;
	v55 =	vshll.u32 v46, $0x7;
	v41 =	vld.idx.msk [tilespmem:v1+s11+$0x0], $0xffff;
	(pc) =	sbr.rel @p3 .LBB2_10-.Ltmp8, $4  }
0x18e: {  	v51 =	vor.u32 v26, v31;
	v52 =	vor.u32 v26, v21;
	v53 =	vor.u32 v26, v19;
	v45 =	vld.idx.msk [tilespmem:v34+s11+$0x0], $0xffff  }
0x18f: {  	v49 =	vor.u32 v26, v39;
	v50 =	vor.u32 v26, v36;
	v48 =	vor.u32 v26, v44;
	v44 =	vld.idx.msk [tilespmem:v57+s11+$0x0], $0xffff  }
0x190: {  	v39 =	vor.u32 v26, v59;
	v46 =	vor.u32 v26, v37;
	v35 =	vor.u32 v26, v60;
	v37 =	vld.idx.msk [tilespmem:v58+s11+$0x0], $0xffff  }
0x191: {  	v31 =	vor.u32 v26, v63;
	v34 =	vor.u32 v26, v61;
	v36 =	vld.idx.msk [tilespmem:v33+s11+$0x0], $0xffff;
	v33 =	vor.u32 v26, v62  }
0x192: {  	_ =	sdelay $0x1  }
0x193: {  	v1 =	vor.u32 v26, v55  }
0x194: {  	s20 =	simm.s32 $0x0;
	[tilespmem:$0x1FEF0] =	vst v1  }
0x195: {  	v22 =	vor.u32 v26, v56;
	v19 =	vmov s20;
	[tilespmem:v54+s12+$0x0] =	vst.idx.msk $0xffff, v47  }
0x196: {  	v21 =	vor.u32 s20, v0;
	v55 =	vor.u32 s20, v2;
	v56 =	vor.u32 s20, v3;
	[tilespmem:v53+s12+$0x0] =	vst.idx.msk $0xffff, v43  }
0x197: {  	v57 =	vor.u32 s20, v16;
	v58 =	vor.u32 s20, v4;
	v59 =	vor.u32 s20, v5;
	[tilespmem:v52+s12+$0x0] =	vst.idx.msk $0xffff, v42  }
0x198: {  	v60 =	vor.u32 s20, v7;
	v61 =	vor.u32 s20, v9;
	v62 =	vor.u32 s20, v10;
	[tilespmem:v51+s12+$0x0] =	vst.idx.msk $0xffff, v40  }
0x199: {  	v63 =	vor.u32 s20, v12;
	v1 =	vor.u32 s20, v13;
	v17 =	vor.u32 s20, v15;
	[tilespmem:v50+s12+$0x0] =	vst.idx.msk $0xffff, v38  }
0x19a: {  	v19 =	vshll.u32 v19, $0x4;
	v26 =	vshll.u32 v57, $0x1;
	v54 =	vor.u32 s20, v6;
	v32 =	vld.idx.msk [tilespmem:v32+s11+$0x0], $0xffff;
	[tilespmem:v49+s12+$0x0] =	vst.idx.msk $0xffff, v41  }
0x19b: {  	v53 =	vor.u32 s20, v8;
	v52 =	vor.u32 s20, v11;
	v40 =	vshll.u32 v21, $0x1;
	v30 =	vld.idx.msk [tilespmem:v30+s11+$0x0], $0xffff;
	[tilespmem:v48+s12+$0x0] =	vst.idx.msk $0xffff, v45  }
0x19c: {  	v51 =	vor.u32 s20, v14;
	v38 =	vshll.u32 v55, $0x1;
	v42 =	vshll.u32 v56, $0x1;
	v29 =	vld.idx.msk [tilespmem:v29+s11+$0x0], $0xffff;
	[tilespmem:v46+s12+$0x0] =	vst.idx.msk $0xffff, v44  }
0x19d: {  	v43 =	vshll.u32 v58, $0x1;
	v41 =	vshll.u32 v59, $0x1;
	v57 =	vshll.u32 v57, $0x7;
	[tilespmem:v39+s12+$0x0] =	vst.idx.msk $0xffff, v37  }
0x19e: {  	v48 =	vshll.u32 v60, $0x1;
	v46 =	vshll.u32 v61, $0x1;
	v50 =	vshll.u32 v62, $0x1;
	[tilespmem:v35+s12+$0x0] =	vst.idx.msk $0xffff, v36  }
0x19f: {  	v21 =	vshll.u32 v21, $0x7;
	v19 =	vand.u32 $0x400, v19;
	v26 =	vand.u32 $0x7E, v26;
	[tilespmem:v34+s12+$0x0] =	vst.idx.msk $0xffff, v32  }
0x1a0: {  	v45 =	vshll.u32 v54, $0x1;
	v44 =	vshll.u32 v53, $0x1;
	v37 =	vshll.u32 v52, $0x1;
	[tilespmem:v33+s12+$0x0] =	vst.idx.msk $0xffff, v30  }
0x1a1: {  	v27 =	vld.idx.msk [tilespmem:v27+s11+$0x0], $0xffff;
	v39 =	vshll.u32 v63, $0x1;
	v19 =	vor.u32 v23, v19;
	v35 =	vand.u32 $0x7E, v40;
	[tilespmem:v31+s12+$0x0] =	vst.idx.msk $0xffff, v29  }
0x1a2: {  	v47 =	vor.u32 v26, v19;
	v26 =	vor.u32 $0x40, v0;
	v31 =	vand.u32 $0x7E, v46;
	v46 =	vld [tilespmem:$0x1FEF0]  }
0x1a3: {  	v36 =	vshll.u32 v51, $0x1;
	v40 =	vshll.u32 v17, $0x1;
	v49 =	vor.u32 v26, v57  }
0x1a4: {  	v57 =	vshll.u32 v1, $0x1;
	v1 =	vshll.u32 v1, $0x7;
	v32 =	vand.u32 $0x7E, v38  }
0x1a5: {  	v28 =	vld.idx.msk [tilespmem:v28+s11+$0x0], $0xffff;
	v34 =	vand.u32 $0x7E, v42;
	v38 =	vand.u32 $0x7E, v43;
	v30 =	vand.u32 $0x7E, v41  }
0x1a6: {  	v33 =	vand.u32 $0x7E, v45;
	v41 =	vand.u32 $0x7E, v48;
	v29 =	vand.u32 $0x7E, v44  }
0x1a7: {  	v42 =	vand.u32 $0x7E, v50;
	v48 =	vand.u32 $0x7E, v40;
	[tilespmem:v22+s12+$0x0] =	vst.idx.msk $0xffff, v27;
	v27 =	vor.u32 v35, v19  }
0x1a8: {  	v35 =	vand.u32 $0x7E, v36;
	v50 =	vor.u32 v32, v19;
	v34 =	vor.u32 v34, v19  }
0x1a9: {  	v38 =	vor.u32 v38, v19;
	v44 =	vor.u32 v30, v19;
	v33 =	vor.u32 v33, v19  }
0x1aa: {  	v45 =	vor.u32 v41, v19;
	v31 =	vor.u32 v31, v19;
	[tilespmem:v46+s12+$0x0] =	vst.idx.msk $0xffff, v28;
	v28 =	vand.u32 $0x7E, v37  }
0x1ab: {  	v37 =	vand.u32 $0x7E, v39;
	v39 =	vand.u32 $0x7E, v57;
	v46 =	vor.u32 v29, v19  }
0x1ac: {  	v57 =	vor.u32 v42, v19;
	v41 =	vld.idx.msk [tilespmem:v47+s11+$0x0], $0xffff;
	v32 =	vor.u32 v28, v19;
	v30 =	vor.u32 v37, v19  }
0x1ad: {  	v29 =	vor.u32 v39, v19;
	v47 =	vld.idx.msk [tilespmem:v27+s11+$0x0], $0xffff;
	v28 =	vor.u32 v35, v19;
	v27 =	vor.u32 v48, v19  }
0x1ae: {  	v43 =	vld.idx.msk [tilespmem:v50+s11+$0x0], $0xffff;
	v19 =	vshll.u32 v55, $0x7;
	v48 =	vshll.u32 v56, $0x7;
	v50 =	vshll.u32 v58, $0x7  }
0x1af: {  	v42 =	vld.idx.msk [tilespmem:v34+s11+$0x0], $0xffff;
	v34 =	vshll.u32 v59, $0x7;
	v37 =	vshll.u32 v54, $0x7;
	v39 =	vshll.u32 v60, $0x7  }
0x1b0: {  	v40 =	vld.idx.msk [tilespmem:v38+s11+$0x0], $0xffff;
	v58 =	vshll.u32 v53, $0x7;
	v59 =	vshll.u32 v61, $0x7;
	v60 =	vshll.u32 v62, $0x7  }
0x1b1: {  	v38 =	vld.idx.msk [tilespmem:v44+s11+$0x0], $0xffff;
	v61 =	vshll.u32 v52, $0x7;
	v62 =	vshll.u32 v63, $0x7;
	v54 =	vor.u32 v26, v21  }
0x1b2: {  	v55 =	vshll.u32 v51, $0x7;
	v56 =	vshll.u32 v17, $0x7;
	v45 =	vld.idx.msk [tilespmem:v45+s11+$0x0], $0xffff;
	v53 =	vor.u32 v26, v19  }
0x1b3: {  	v52 =	vor.u32 v26, v48;
	v51 =	vor.u32 v26, v50;
	v50 =	vor.u32 v26, v34;
	v44 =	vld.idx.msk [tilespmem:v46+s11+$0x0], $0xffff  }
0x1b4: {  	v48 =	vor.u32 v26, v39;
	v39 =	vor.u32 v26, v59;
	v35 =	vor.u32 v26, v60;
	v36 =	vld.idx.msk [tilespmem:v57+s11+$0x0], $0xffff  }
0x1b5: {  	v34 =	vor.u32 v26, v61;
	v46 =	vor.u32 v26, v58;
	[tilespmem:v49+s12+$0x0] =	vst.idx.msk $0xffff, v41;
	v41 =	vld.idx.msk [tilespmem:v33+s11+$0x0], $0xffff  }
0x1b6: {  	v49 =	vor.u32 v26, v37;
	v37 =	vld.idx.msk [tilespmem:v31+s11+$0x0], $0xffff;
	v33 =	vor.u32 v26, v62;
	v31 =	vor.u32 v26, v1  }
.LBB2_12:
0x1b7: {  	s20 =	sadd.s32 $0x10, s20;
	[tilespmem:v54+s12+$0x0] =	vst.idx.msk $0xffff, v47;
	v1 =	vld.idx.msk [tilespmem:v32+s11+$0x0], $0xffff;
	v17 =	vor.u32 v26, v55;
	v19 =	vor.u32 v26, v56  }
0x1b8: {  	v21 =	vmov s20;
	v54 =	vor.u32 s20, v0;
	v55 =	vor.u32 s20, v2;
	p3 =	slt.u32 s20, $0x70;
	[tilespmem:v53+s12+$0x0] =	vst.idx.msk $0xffff, v43;
	v30 =	vld.idx.msk [tilespmem:v30+s11+$0x0], $0xffff  }
0x1b9: {  	v53 =	vor.u32 s20, v3;
	v32 =	vor.u32 s20, v16;
	v21 =	vshll.u32 v21, $0x4;
	[tilespmem:v52+s12+$0x0] =	vst.idx.msk $0xffff, v42;
	v29 =	vld.idx.msk [tilespmem:v29+s11+$0x0], $0xffff  }
0x1ba: {  	v42 =	vor.u32 s20, v4;
	v43 =	vshll.u32 v32, $0x1;
	v21 =	vand.u32 $0x400, v21;
	[tilespmem:v51+s12+$0x0] =	vst.idx.msk $0xffff, v40;
	v28 =	vld.idx.msk [tilespmem:v28+s11+$0x0], $0xffff  }
0x1bb: {  	v40 =	vor.u32 s20, v5;
	v43 =	vand.u32 $0x7E, v43;
	v21 =	vor.u32 v23, v21;
	[tilespmem:v50+s12+$0x0] =	vst.idx.msk $0xffff, v38;
	v27 =	vld.idx.msk [tilespmem:v27+s11+$0x0], $0xffff  }
0x1bc: {  	v38 =	vor.u32 s20, v6;
	v50 =	vor.u32 s20, v7;
	v43 =	vor.u32 v43, v21;
	[tilespmem:v49+s12+$0x0] =	vst.idx.msk $0xffff, v41  }
0x1bd: {  	v51 =	vor.u32 s20, v10;
	v41 =	vor.u32 s20, v8;
	v49 =	vor.u32 s20, v9;
	[tilespmem:v48+s12+$0x0] =	vst.idx.msk $0xffff, v45  }
0x1be: {  	v52 =	vor.u32 s20, v13;
	v45 =	vor.u32 s20, v11;
	v48 =	vor.u32 s20, v12;
	[tilespmem:v46+s12+$0x0] =	vst.idx.msk $0xffff, v44  }
0x1bf: {  	v56 =	vor.u32 s20, v15;
	v44 =	vshll.u32 v54, $0x1;
	v46 =	vor.u32 s20, v14;
	[tilespmem:v39+s12+$0x0] =	vst.idx.msk $0xffff, v37  }
0x1c0: {  	v47 =	vshll.u32 v42, $0x1;
	v37 =	vshll.u32 v55, $0x1;
	v39 =	vshll.u32 v53, $0x1;
	[tilespmem:v35+s12+$0x0] =	vst.idx.msk $0xffff, v36  }
0x1c1: {  	v32 =	vshll.u32 v32, $0x7;
	v35 =	vshll.u32 v40, $0x1;
	v36 =	vld.idx.msk [tilespmem:v43+s11+$0x0], $0xffff;
	[tilespmem:v34+s12+$0x0] =	vst.idx.msk $0xffff, v1  }
0x1c2: {  	v32 =	vor.u32 v26, v32;
	v1 =	vshll.u32 v38, $0x1;
	v34 =	vshll.u32 v50, $0x1;
	[tilespmem:v33+s12+$0x0] =	vst.idx.msk $0xffff, v30  }
0x1c3: {  	v43 =	vshll.u32 v51, $0x1;
	v30 =	vshll.u32 v41, $0x1;
	v33 =	vshll.u32 v49, $0x1;
	[tilespmem:v31+s12+$0x0] =	vst.idx.msk $0xffff, v29  }
0x1c4: {  	v57 =	vshll.u32 v52, $0x1;
	v29 =	vshll.u32 v45, $0x1;
	v31 =	vshll.u32 v48, $0x1;
	[tilespmem:v17+s12+$0x0] =	vst.idx.msk $0xffff, v28  }
0x1c5: {  	v17 =	vand.u32 $0x7E, v44;
	v28 =	vshll.u32 v46, $0x1;
	v44 =	vshll.u32 v56, $0x1;
	[tilespmem:v19+s12+$0x0] =	vst.idx.msk $0xffff, v27  }
0x1c6: {  	v19 =	vand.u32 $0x7E, v37;
	v27 =	vand.u32 $0x7E, v39;
	v37 =	vand.u32 $0x7E, v47  }
0x1c7: {  	v35 =	vand.u32 $0x7E, v35;
	v1 =	vand.u32 $0x7E, v1;
	v34 =	vand.u32 $0x7E, v34;
	[tilespmem:v32+s12+$0x0] =	vst.idx.msk $0xffff, v36  }
0x1c8: {  	v30 =	vand.u32 $0x7E, v30;
	v32 =	vand.u32 $0x7E, v33;
	v33 =	vand.u32 $0x7E, v43  }
0x1c9: {  	v29 =	vand.u32 $0x7E, v29;
	v31 =	vand.u32 $0x7E, v31;
	v36 =	vand.u32 $0x7E, v57  }
0x1ca: {  	v17 =	vor.u32 v17, v21;
	v28 =	vand.u32 $0x7E, v28;
	v39 =	vand.u32 $0x7E, v44  }
0x1cb: {  	v19 =	vor.u32 v19, v21;
	v44 =	vor.u32 v27, v21;
	v37 =	vor.u32 v37, v21  }
0x1cc: {  	v35 =	vor.u32 v35, v21;
	v1 =	vor.u32 v1, v21;
	v34 =	vor.u32 v34, v21  }
0x1cd: {  	v57 =	vor.u32 v30, v21;
	v58 =	vor.u32 v32, v21;
	v33 =	vor.u32 v33, v21  }
0x1ce: {  	v30 =	vor.u32 v31, v21;
	v32 =	vor.u32 v29, v21;
	v29 =	vor.u32 v36, v21  }
0x1cf: {  	v28 =	vor.u32 v28, v21;
	v27 =	vor.u32 v39, v21;
	v47 =	vld.idx.msk [tilespmem:v17+s11+$0x0], $0xffff;
	v17 =	vshll.u32 v54, $0x7  }
0x1d0: {  	v31 =	vshll.u32 v42, $0x7;
	v21 =	vshll.u32 v53, $0x7;
	v43 =	vld.idx.msk [tilespmem:v19+s11+$0x0], $0xffff;
	v19 =	vshll.u32 v55, $0x7  }
0x1d1: {  	v39 =	vshll.u32 v38, $0x7;
	v36 =	vshll.u32 v40, $0x7;
	v42 =	vld.idx.msk [tilespmem:v44+s11+$0x0], $0xffff;
	v44 =	vshll.u32 v50, $0x7  }
0x1d2: {  	v60 =	vshll.u32 v51, $0x7;
	v59 =	vshll.u32 v49, $0x7;
	v40 =	vld.idx.msk [tilespmem:v37+s11+$0x0], $0xffff;
	v37 =	vshll.u32 v41, $0x7  }
0x1d3: {  	v63 =	vshll.u32 v52, $0x7;
	v61 =	vshll.u32 v45, $0x7;
	v62 =	vshll.u32 v48, $0x7;
	v38 =	vld.idx.msk [tilespmem:v35+s11+$0x0], $0xffff  }
.Ltmp9:
0x1d4: {  	v56 =	vshll.u32 v56, $0x7;
	v54 =	vor.u32 v26, v17;
	v55 =	vshll.u32 v46, $0x7;
	v41 =	vld.idx.msk [tilespmem:v1+s11+$0x0], $0xffff;
	(pc) =	sbr.rel @p3 .LBB2_12-.Ltmp9, $4  }
0x1d5: {  	v51 =	vor.u32 v26, v31;
	v52 =	vor.u32 v26, v21;
	v53 =	vor.u32 v26, v19;
	v45 =	vld.idx.msk [tilespmem:v34+s11+$0x0], $0xffff  }
0x1d6: {  	v49 =	vor.u32 v26, v39;
	v50 =	vor.u32 v26, v36;
	v48 =	vor.u32 v26, v44;
	v44 =	vld.idx.msk [tilespmem:v57+s11+$0x0], $0xffff  }
0x1d7: {  	v39 =	vor.u32 v26, v59;
	v46 =	vor.u32 v26, v37;
	v35 =	vor.u32 v26, v60;
	v37 =	vld.idx.msk [tilespmem:v58+s11+$0x0], $0xffff  }
0x1d8: {  	v31 =	vor.u32 v26, v63;
	v34 =	vor.u32 v26, v61;
	v36 =	vld.idx.msk [tilespmem:v33+s11+$0x0], $0xffff;
	v33 =	vor.u32 v26, v62  }
0x1d9: {  	_ = 	snop  }
0x1da: {  	v1 =	vor.u32 v26, v55  }
0x1db: {  	[tilespmem:$0x1FED0] =	vst v1;
	v1 =	vor.u32 v26, v56  }
0x1dc: {  	[tilespmem:$0x1FEE0] =	vst v1  }
0x1dd: {  	v22 =	vld [tilespmem:$0x1FFC0];
	[tilespmem:v54+s12+$0x0] =	vst.idx.msk $0xffff, v47  }
0x1de: {  	[tilespmem:v53+s12+$0x0] =	vst.idx.msk $0xffff, v43  }
0x1df: {  	[tilespmem:v52+s12+$0x0] =	vst.idx.msk $0xffff, v42  }
0x1e0: {  	[tilespmem:v51+s12+$0x0] =	vst.idx.msk $0xffff, v40  }
0x1e1: {  	[tilespmem:v50+s12+$0x0] =	vst.idx.msk $0xffff, v38  }
0x1e2: {  	v32 =	vld.idx.msk [tilespmem:v32+s11+$0x0], $0xffff;
	[tilespmem:v49+s12+$0x0] =	vst.idx.msk $0xffff, v41  }
0x1e3: {  	v30 =	vld.idx.msk [tilespmem:v30+s11+$0x0], $0xffff;
	[tilespmem:v48+s12+$0x0] =	vst.idx.msk $0xffff, v45  }
0x1e4: {  	v29 =	vld.idx.msk [tilespmem:v29+s11+$0x0], $0xffff;
	[tilespmem:v46+s12+$0x0] =	vst.idx.msk $0xffff, v44  }
0x1e5: {  	s20 =	simm.s32 $0x0;
	[tilespmem:v39+s12+$0x0] =	vst.idx.msk $0xffff, v37  }
0x1e6: {  	v19 =	vmov s20;
	[tilespmem:v35+s12+$0x0] =	vst.idx.msk $0xffff, v36  }
0x1e7: {  	v21 =	vor.u32 s20, v0;
	v55 =	vor.u32 s20, v2;
	v56 =	vor.u32 s20, v3;
	[tilespmem:v34+s12+$0x0] =	vst.idx.msk $0xffff, v32  }
0x1e8: {  	v57 =	vor.u32 s20, v16;
	v58 =	vor.u32 s20, v4;
	v61 =	vor.u32 s20, v9;
	[tilespmem:v33+s12+$0x0] =	vst.idx.msk $0xffff, v30  }
0x1e9: {  	v59 =	vor.u32 s20, v5;
	v60 =	vor.u32 s20, v7;
	v46 =	vshll.u32 v61, $0x1;
	[tilespmem:v31+s12+$0x0] =	vst.idx.msk $0xffff, v29  }
0x1ea: {  	v62 =	vor.u32 s20, v10;
	v63 =	vor.u32 s20, v12;
	v31 =	vand.u32 $0x7E, v46;
	v46 =	vld [tilespmem:$0x1FED0]  }
0x1eb: {  	v17 =	vor.u32 s20, v15;
	v19 =	vshll.u32 v19, $0x4;
	v26 =	vshll.u32 v57, $0x1  }
0x1ec: {  	v1 =	vor.u32 s20, v13;
	v57 =	vshll.u32 v57, $0x7;
	v19 =	vand.u32 $0x400, v19  }
0x1ed: {  	v26 =	vand.u32 $0x7E, v26;
	v54 =	vor.u32 s20, v6;
	v53 =	vor.u32 s20, v8;
	v28 =	vld.idx.msk [tilespmem:v28+s11+$0x0], $0xffff  }
0x1ee: {  	v52 =	vor.u32 s20, v11;
	v40 =	vshll.u32 v21, $0x1;
	v51 =	vor.u32 s20, v14  }
0x1ef: {  	v38 =	vshll.u32 v55, $0x1;
	v42 =	vshll.u32 v56, $0x1;
	v43 =	vshll.u32 v58, $0x1  }
0x1f0: {  	v41 =	vshll.u32 v59, $0x1;
	v48 =	vshll.u32 v60, $0x1;
	v50 =	vshll.u32 v62, $0x1  }
0x1f1: {  	v39 =	vshll.u32 v63, $0x1;
	v21 =	vshll.u32 v21, $0x7;
	v45 =	vshll.u32 v54, $0x1  }
0x1f2: {  	v44 =	vshll.u32 v53, $0x1;
	v37 =	vshll.u32 v52, $0x1;
	v35 =	vand.u32 $0x7E, v40;
	[tilespmem:v46+s12+$0x0] =	vst.idx.msk $0xffff, v28  }
0x1f3: {  	v19 =	vor.u32 v22, v19;
	v32 =	vand.u32 $0x7E, v38;
	v38 =	vand.u32 $0x7E, v43;
	v43 =	vld [tilespmem:$0x1FEE0]  }
0x1f4: {  	v36 =	vshll.u32 v51, $0x1;
	v47 =	vor.u32 v26, v19;
	v26 =	vor.u32 $0x50, v0  }
0x1f5: {  	v40 =	vshll.u32 v17, $0x1;
	v49 =	vor.u32 v26, v57;
	v57 =	vshll.u32 v1, $0x1  }
0x1f6: {  	v27 =	vld.idx.msk [tilespmem:v27+s11+$0x0], $0xffff;
	v1 =	vshll.u32 v1, $0x7;
	v34 =	vand.u32 $0x7E, v42;
	v30 =	vand.u32 $0x7E, v41  }
0x1f7: {  	v33 =	vand.u32 $0x7E, v45;
	v41 =	vand.u32 $0x7E, v48;
	v29 =	vand.u32 $0x7E, v44  }
0x1f8: {  	v42 =	vand.u32 $0x7E, v50;
	v48 =	vand.u32 $0x7E, v40;
	v50 =	vor.u32 v32, v19  }
0x1f9: {  	v34 =	vor.u32 v34, v19;
	v38 =	vor.u32 v38, v19;
	v44 =	vor.u32 v30, v19  }
0x1fa: {  	v33 =	vor.u32 v33, v19;
	v45 =	vor.u32 v41, v19;
	v31 =	vor.u32 v31, v19  }
0x1fb: {  	v28 =	vand.u32 $0x7E, v37;
	v37 =	vand.u32 $0x7E, v39;
	v39 =	vand.u32 $0x7E, v57;
	[tilespmem:v43+s12+$0x0] =	vst.idx.msk $0xffff, v27  }
0x1fc: {  	v46 =	vor.u32 v29, v19;
	v57 =	vor.u32 v42, v19;
	v32 =	vor.u32 v28, v19;
	v41 =	vld.idx.msk [tilespmem:v47+s11+$0x0], $0xffff  }
0x1fd: {  	v30 =	vor.u32 v37, v19;
	v29 =	vor.u32 v39, v19;
	v27 =	vor.u32 v35, v19;
	v43 =	vld.idx.msk [tilespmem:v50+s11+$0x0], $0xffff  }
0x1fe: {  	v37 =	vshll.u32 v54, $0x7;
	v39 =	vshll.u32 v60, $0x7;
	v60 =	vshll.u32 v62, $0x7;
	v42 =	vld.idx.msk [tilespmem:v34+s11+$0x0], $0xffff  }
0x1ff: {  	v62 =	vshll.u32 v63, $0x7;
	v54 =	vor.u32 v26, v21;
	v35 =	vand.u32 $0x7E, v36;
	v40 =	vld.idx.msk [tilespmem:v38+s11+$0x0], $0xffff  }
0x200: {  	v28 =	vor.u32 v35, v19;
	v50 =	vshll.u32 v58, $0x7;
	v34 =	vshll.u32 v59, $0x7;
	v38 =	vld.idx.msk [tilespmem:v44+s11+$0x0], $0xffff  }
0x201: {  	v58 =	vshll.u32 v53, $0x7;
	v59 =	vshll.u32 v61, $0x7;
	v61 =	vshll.u32 v52, $0x7;
	v44 =	vld.idx.msk [tilespmem:v46+s11+$0x0], $0xffff  }
0x202: {  	v35 =	vor.u32 v26, v60;
	v46 =	vor.u32 v26, v58;
	v47 =	vld.idx.msk [tilespmem:v27+s11+$0x0], $0xffff;
	v27 =	vor.u32 v48, v19  }
0x203: {  	v19 =	vshll.u32 v55, $0x7;
	v48 =	vshll.u32 v56, $0x7;
	v55 =	vshll.u32 v51, $0x7  }
0x204: {  	v45 =	vld.idx.msk [tilespmem:v45+s11+$0x0], $0xffff;
	v56 =	vshll.u32 v17, $0x7;
	v51 =	vor.u32 v26, v50;
	v53 =	vor.u32 v26, v19  }
0x205: {  	v36 =	vld.idx.msk [tilespmem:v57+s11+$0x0], $0xffff;
	v50 =	vor.u32 v26, v34;
	v34 =	vor.u32 v26, v61;
	v52 =	vor.u32 v26, v48  }
0x206: {  	[tilespmem:v49+s12+$0x0] =	vst.idx.msk $0xffff, v41;
	v41 =	vld.idx.msk [tilespmem:v33+s11+$0x0], $0xffff;
	v49 =	vor.u32 v26, v37;
	v48 =	vor.u32 v26, v39  }
0x207: {  	v37 =	vld.idx.msk [tilespmem:v31+s11+$0x0], $0xffff;
	v39 =	vor.u32 v26, v59;
	v33 =	vor.u32 v26, v62;
	v31 =	vor.u32 v26, v1  }
.LBB2_14:
0x208: {  	s20 =	sadd.s32 $0x10, s20;
	[tilespmem:v54+s12+$0x0] =	vst.idx.msk $0xffff, v47;
	v1 =	vld.idx.msk [tilespmem:v32+s11+$0x0], $0xffff;
	v17 =	vor.u32 v26, v55;
	v19 =	vor.u32 v26, v56  }
0x209: {  	v21 =	vmov s20;
	v54 =	vor.u32 s20, v0;
	v55 =	vor.u32 s20, v2;
	p3 =	slt.u32 s20, $0x70;
	[tilespmem:v53+s12+$0x0] =	vst.idx.msk $0xffff, v43;
	v30 =	vld.idx.msk [tilespmem:v30+s11+$0x0], $0xffff  }
0x20a: {  	v53 =	vor.u32 s20, v3;
	v32 =	vor.u32 s20, v16;
	v21 =	vshll.u32 v21, $0x4;
	[tilespmem:v52+s12+$0x0] =	vst.idx.msk $0xffff, v42;
	v29 =	vld.idx.msk [tilespmem:v29+s11+$0x0], $0xffff  }
0x20b: {  	v42 =	vor.u32 s20, v4;
	v43 =	vshll.u32 v32, $0x1;
	v21 =	vand.u32 $0x400, v21;
	[tilespmem:v51+s12+$0x0] =	vst.idx.msk $0xffff, v40;
	v28 =	vld.idx.msk [tilespmem:v28+s11+$0x0], $0xffff  }
0x20c: {  	v40 =	vor.u32 s20, v5;
	v43 =	vand.u32 $0x7E, v43;
	v21 =	vor.u32 v22, v21;
	[tilespmem:v50+s12+$0x0] =	vst.idx.msk $0xffff, v38;
	v27 =	vld.idx.msk [tilespmem:v27+s11+$0x0], $0xffff  }
0x20d: {  	v38 =	vor.u32 s20, v6;
	v50 =	vor.u32 s20, v7;
	v43 =	vor.u32 v43, v21;
	[tilespmem:v49+s12+$0x0] =	vst.idx.msk $0xffff, v41  }
0x20e: {  	v51 =	vor.u32 s20, v10;
	v41 =	vor.u32 s20, v8;
	v49 =	vor.u32 s20, v9;
	[tilespmem:v48+s12+$0x0] =	vst.idx.msk $0xffff, v45  }
0x20f: {  	v52 =	vor.u32 s20, v13;
	v45 =	vor.u32 s20, v11;
	v48 =	vor.u32 s20, v12;
	[tilespmem:v46+s12+$0x0] =	vst.idx.msk $0xffff, v44  }
0x210: {  	v56 =	vor.u32 s20, v15;
	v44 =	vshll.u32 v54, $0x1;
	v46 =	vor.u32 s20, v14;
	[tilespmem:v39+s12+$0x0] =	vst.idx.msk $0xffff, v37  }
0x211: {  	v47 =	vshll.u32 v42, $0x1;
	v37 =	vshll.u32 v55, $0x1;
	v39 =	vshll.u32 v53, $0x1;
	[tilespmem:v35+s12+$0x0] =	vst.idx.msk $0xffff, v36  }
0x212: {  	v32 =	vshll.u32 v32, $0x7;
	v35 =	vshll.u32 v40, $0x1;
	v36 =	vld.idx.msk [tilespmem:v43+s11+$0x0], $0xffff;
	[tilespmem:v34+s12+$0x0] =	vst.idx.msk $0xffff, v1  }
0x213: {  	v32 =	vor.u32 v26, v32;
	v1 =	vshll.u32 v38, $0x1;
	v34 =	vshll.u32 v50, $0x1;
	[tilespmem:v33+s12+$0x0] =	vst.idx.msk $0xffff, v30  }
0x214: {  	v43 =	vshll.u32 v51, $0x1;
	v30 =	vshll.u32 v41, $0x1;
	v33 =	vshll.u32 v49, $0x1;
	[tilespmem:v31+s12+$0x0] =	vst.idx.msk $0xffff, v29  }
0x215: {  	v57 =	vshll.u32 v52, $0x1;
	v29 =	vshll.u32 v45, $0x1;
	v31 =	vshll.u32 v48, $0x1;
	[tilespmem:v17+s12+$0x0] =	vst.idx.msk $0xffff, v28  }
0x216: {  	v17 =	vand.u32 $0x7E, v44;
	v28 =	vshll.u32 v46, $0x1;
	v44 =	vshll.u32 v56, $0x1;
	[tilespmem:v19+s12+$0x0] =	vst.idx.msk $0xffff, v27  }
0x217: {  	v19 =	vand.u32 $0x7E, v37;
	v27 =	vand.u32 $0x7E, v39;
	v37 =	vand.u32 $0x7E, v47  }
0x218: {  	v35 =	vand.u32 $0x7E, v35;
	v1 =	vand.u32 $0x7E, v1;
	v34 =	vand.u32 $0x7E, v34;
	[tilespmem:v32+s12+$0x0] =	vst.idx.msk $0xffff, v36  }
0x219: {  	v30 =	vand.u32 $0x7E, v30;
	v32 =	vand.u32 $0x7E, v33;
	v33 =	vand.u32 $0x7E, v43  }
0x21a: {  	v29 =	vand.u32 $0x7E, v29;
	v31 =	vand.u32 $0x7E, v31;
	v36 =	vand.u32 $0x7E, v57  }
0x21b: {  	v17 =	vor.u32 v17, v21;
	v28 =	vand.u32 $0x7E, v28;
	v39 =	vand.u32 $0x7E, v44  }
0x21c: {  	v19 =	vor.u32 v19, v21;
	v44 =	vor.u32 v27, v21;
	v37 =	vor.u32 v37, v21  }
0x21d: {  	v35 =	vor.u32 v35, v21;
	v1 =	vor.u32 v1, v21;
	v34 =	vor.u32 v34, v21  }
0x21e: {  	v57 =	vor.u32 v30, v21;
	v58 =	vor.u32 v32, v21;
	v33 =	vor.u32 v33, v21  }
0x21f: {  	v30 =	vor.u32 v31, v21;
	v32 =	vor.u32 v29, v21;
	v29 =	vor.u32 v36, v21  }
0x220: {  	v28 =	vor.u32 v28, v21;
	v27 =	vor.u32 v39, v21;
	v47 =	vld.idx.msk [tilespmem:v17+s11+$0x0], $0xffff;
	v17 =	vshll.u32 v54, $0x7  }
0x221: {  	v31 =	vshll.u32 v42, $0x7;
	v21 =	vshll.u32 v53, $0x7;
	v43 =	vld.idx.msk [tilespmem:v19+s11+$0x0], $0xffff;
	v19 =	vshll.u32 v55, $0x7  }
0x222: {  	v39 =	vshll.u32 v38, $0x7;
	v36 =	vshll.u32 v40, $0x7;
	v42 =	vld.idx.msk [tilespmem:v44+s11+$0x0], $0xffff;
	v44 =	vshll.u32 v50, $0x7  }
0x223: {  	v60 =	vshll.u32 v51, $0x7;
	v59 =	vshll.u32 v49, $0x7;
	v40 =	vld.idx.msk [tilespmem:v37+s11+$0x0], $0xffff;
	v37 =	vshll.u32 v41, $0x7  }
0x224: {  	v63 =	vshll.u32 v52, $0x7;
	v61 =	vshll.u32 v45, $0x7;
	v62 =	vshll.u32 v48, $0x7;
	v38 =	vld.idx.msk [tilespmem:v35+s11+$0x0], $0xffff  }
.Ltmp10:
0x225: {  	v56 =	vshll.u32 v56, $0x7;
	v54 =	vor.u32 v26, v17;
	v55 =	vshll.u32 v46, $0x7;
	v41 =	vld.idx.msk [tilespmem:v1+s11+$0x0], $0xffff;
	(pc) =	sbr.rel @p3 .LBB2_14-.Ltmp10, $4  }
0x226: {  	v51 =	vor.u32 v26, v31;
	v52 =	vor.u32 v26, v21;
	v53 =	vor.u32 v26, v19;
	v45 =	vld.idx.msk [tilespmem:v34+s11+$0x0], $0xffff  }
0x227: {  	v49 =	vor.u32 v26, v39;
	v50 =	vor.u32 v26, v36;
	v48 =	vor.u32 v26, v44;
	v44 =	vld.idx.msk [tilespmem:v57+s11+$0x0], $0xffff  }
0x228: {  	v39 =	vor.u32 v26, v59;
	v46 =	vor.u32 v26, v37;
	v35 =	vor.u32 v26, v60;
	v37 =	vld.idx.msk [tilespmem:v58+s11+$0x0], $0xffff  }
0x229: {  	v31 =	vor.u32 v26, v63;
	v34 =	vor.u32 v26, v61;
	v36 =	vld.idx.msk [tilespmem:v33+s11+$0x0], $0xffff;
	v33 =	vor.u32 v26, v62  }
0x22a: {  	_ =	sdelay $0x1  }
0x22b: {  	v1 =	vor.u32 v26, v55  }
0x22c: {  	s20 =	simm.s32 $0x0;
	[tilespmem:$0x1FEC0] =	vst v1  }
0x22d: {  	v22 =	vor.u32 v26, v56;
	v19 =	vmov s20;
	[tilespmem:v54+s12+$0x0] =	vst.idx.msk $0xffff, v47  }
0x22e: {  	v21 =	vor.u32 s20, v0;
	v55 =	vor.u32 s20, v2;
	v56 =	vor.u32 s20, v3;
	[tilespmem:v53+s12+$0x0] =	vst.idx.msk $0xffff, v43  }
0x22f: {  	v57 =	vor.u32 s20, v16;
	v58 =	vor.u32 s20, v4;
	v59 =	vor.u32 s20, v5;
	[tilespmem:v52+s12+$0x0] =	vst.idx.msk $0xffff, v42  }
0x230: {  	v60 =	vor.u32 s20, v7;
	v61 =	vor.u32 s20, v9;
	v62 =	vor.u32 s20, v10;
	[tilespmem:v51+s12+$0x0] =	vst.idx.msk $0xffff, v40  }
0x231: {  	v63 =	vor.u32 s20, v12;
	v1 =	vor.u32 s20, v13;
	v17 =	vor.u32 s20, v15;
	[tilespmem:v50+s12+$0x0] =	vst.idx.msk $0xffff, v38  }
0x232: {  	v19 =	vshll.u32 v19, $0x4;
	v26 =	vshll.u32 v57, $0x1;
	v54 =	vor.u32 s20, v6;
	v32 =	vld.idx.msk [tilespmem:v32+s11+$0x0], $0xffff;
	[tilespmem:v49+s12+$0x0] =	vst.idx.msk $0xffff, v41  }
0x233: {  	v53 =	vor.u32 s20, v8;
	v52 =	vor.u32 s20, v11;
	v40 =	vshll.u32 v21, $0x1;
	v30 =	vld.idx.msk [tilespmem:v30+s11+$0x0], $0xffff;
	[tilespmem:v48+s12+$0x0] =	vst.idx.msk $0xffff, v45  }
0x234: {  	v51 =	vor.u32 s20, v14;
	v38 =	vshll.u32 v55, $0x1;
	v42 =	vshll.u32 v56, $0x1;
	v29 =	vld.idx.msk [tilespmem:v29+s11+$0x0], $0xffff;
	[tilespmem:v46+s12+$0x0] =	vst.idx.msk $0xffff, v44  }
0x235: {  	v43 =	vshll.u32 v58, $0x1;
	v41 =	vshll.u32 v59, $0x1;
	v57 =	vshll.u32 v57, $0x7;
	[tilespmem:v39+s12+$0x0] =	vst.idx.msk $0xffff, v37  }
0x236: {  	v48 =	vshll.u32 v60, $0x1;
	v46 =	vshll.u32 v61, $0x1;
	v50 =	vshll.u32 v62, $0x1;
	[tilespmem:v35+s12+$0x0] =	vst.idx.msk $0xffff, v36  }
0x237: {  	v21 =	vshll.u32 v21, $0x7;
	v19 =	vand.u32 $0x400, v19;
	v26 =	vand.u32 $0x7E, v26;
	[tilespmem:v34+s12+$0x0] =	vst.idx.msk $0xffff, v32  }
0x238: {  	v45 =	vshll.u32 v54, $0x1;
	v44 =	vshll.u32 v53, $0x1;
	v37 =	vshll.u32 v52, $0x1;
	[tilespmem:v33+s12+$0x0] =	vst.idx.msk $0xffff, v30  }
0x239: {  	v27 =	vld.idx.msk [tilespmem:v27+s11+$0x0], $0xffff;
	v39 =	vshll.u32 v63, $0x1;
	v19 =	vor.u32 v24, v19;
	v35 =	vand.u32 $0x7E, v40;
	[tilespmem:v31+s12+$0x0] =	vst.idx.msk $0xffff, v29  }
0x23a: {  	v47 =	vor.u32 v26, v19;
	v26 =	vor.u32 $0x60, v0;
	v31 =	vand.u32 $0x7E, v46;
	v46 =	vld [tilespmem:$0x1FEC0]  }
0x23b: {  	v36 =	vshll.u32 v51, $0x1;
	v40 =	vshll.u32 v17, $0x1;
	v49 =	vor.u32 v26, v57  }
0x23c: {  	v57 =	vshll.u32 v1, $0x1;
	v1 =	vshll.u32 v1, $0x7;
	v32 =	vand.u32 $0x7E, v38  }
0x23d: {  	v28 =	vld.idx.msk [tilespmem:v28+s11+$0x0], $0xffff;
	v34 =	vand.u32 $0x7E, v42;
	v38 =	vand.u32 $0x7E, v43;
	v30 =	vand.u32 $0x7E, v41  }
0x23e: {  	v33 =	vand.u32 $0x7E, v45;
	v41 =	vand.u32 $0x7E, v48;
	v29 =	vand.u32 $0x7E, v44  }
0x23f: {  	v42 =	vand.u32 $0x7E, v50;
	v48 =	vand.u32 $0x7E, v40;
	[tilespmem:v22+s12+$0x0] =	vst.idx.msk $0xffff, v27;
	v27 =	vor.u32 v35, v19  }
0x240: {  	v35 =	vand.u32 $0x7E, v36;
	v50 =	vor.u32 v32, v19;
	v34 =	vor.u32 v34, v19  }
0x241: {  	v38 =	vor.u32 v38, v19;
	v44 =	vor.u32 v30, v19;
	v33 =	vor.u32 v33, v19  }
0x242: {  	v45 =	vor.u32 v41, v19;
	v31 =	vor.u32 v31, v19;
	[tilespmem:v46+s12+$0x0] =	vst.idx.msk $0xffff, v28;
	v28 =	vand.u32 $0x7E, v37  }
0x243: {  	v37 =	vand.u32 $0x7E, v39;
	v39 =	vand.u32 $0x7E, v57;
	v46 =	vor.u32 v29, v19  }
0x244: {  	v57 =	vor.u32 v42, v19;
	v41 =	vld.idx.msk [tilespmem:v47+s11+$0x0], $0xffff;
	v32 =	vor.u32 v28, v19;
	v30 =	vor.u32 v37, v19  }
0x245: {  	v29 =	vor.u32 v39, v19;
	v47 =	vld.idx.msk [tilespmem:v27+s11+$0x0], $0xffff;
	v28 =	vor.u32 v35, v19;
	v27 =	vor.u32 v48, v19  }
0x246: {  	v43 =	vld.idx.msk [tilespmem:v50+s11+$0x0], $0xffff;
	v19 =	vshll.u32 v55, $0x7;
	v48 =	vshll.u32 v56, $0x7;
	v50 =	vshll.u32 v58, $0x7  }
0x247: {  	v42 =	vld.idx.msk [tilespmem:v34+s11+$0x0], $0xffff;
	v34 =	vshll.u32 v59, $0x7;
	v37 =	vshll.u32 v54, $0x7;
	v39 =	vshll.u32 v60, $0x7  }
0x248: {  	v40 =	vld.idx.msk [tilespmem:v38+s11+$0x0], $0xffff;
	v58 =	vshll.u32 v53, $0x7;
	v59 =	vshll.u32 v61, $0x7;
	v60 =	vshll.u32 v62, $0x7  }
0x249: {  	v38 =	vld.idx.msk [tilespmem:v44+s11+$0x0], $0xffff;
	v61 =	vshll.u32 v52, $0x7;
	v62 =	vshll.u32 v63, $0x7;
	v54 =	vor.u32 v26, v21  }
0x24a: {  	v55 =	vshll.u32 v51, $0x7;
	v56 =	vshll.u32 v17, $0x7;
	v45 =	vld.idx.msk [tilespmem:v45+s11+$0x0], $0xffff;
	v53 =	vor.u32 v26, v19  }
0x24b: {  	v52 =	vor.u32 v26, v48;
	v51 =	vor.u32 v26, v50;
	v50 =	vor.u32 v26, v34;
	v44 =	vld.idx.msk [tilespmem:v46+s11+$0x0], $0xffff  }
0x24c: {  	v48 =	vor.u32 v26, v39;
	v39 =	vor.u32 v26, v59;
	v35 =	vor.u32 v26, v60;
	v36 =	vld.idx.msk [tilespmem:v57+s11+$0x0], $0xffff  }
0x24d: {  	v34 =	vor.u32 v26, v61;
	v46 =	vor.u32 v26, v58;
	[tilespmem:v49+s12+$0x0] =	vst.idx.msk $0xffff, v41;
	v41 =	vld.idx.msk [tilespmem:v33+s11+$0x0], $0xffff  }
0x24e: {  	v49 =	vor.u32 v26, v37;
	v37 =	vld.idx.msk [tilespmem:v31+s11+$0x0], $0xffff;
	v33 =	vor.u32 v26, v62;
	v31 =	vor.u32 v26, v1  }
.LBB2_16:
0x24f: {  	s20 =	sadd.s32 $0x10, s20;
	[tilespmem:v54+s12+$0x0] =	vst.idx.msk $0xffff, v47;
	v1 =	vld.idx.msk [tilespmem:v32+s11+$0x0], $0xffff;
	v17 =	vor.u32 v26, v55;
	v19 =	vor.u32 v26, v56  }
0x250: {  	v21 =	vmov s20;
	v54 =	vor.u32 s20, v0;
	v55 =	vor.u32 s20, v2;
	p3 =	slt.u32 s20, $0x70;
	[tilespmem:v53+s12+$0x0] =	vst.idx.msk $0xffff, v43;
	v30 =	vld.idx.msk [tilespmem:v30+s11+$0x0], $0xffff  }
0x251: {  	v53 =	vor.u32 s20, v3;
	v32 =	vor.u32 s20, v16;
	v21 =	vshll.u32 v21, $0x4;
	[tilespmem:v52+s12+$0x0] =	vst.idx.msk $0xffff, v42;
	v29 =	vld.idx.msk [tilespmem:v29+s11+$0x0], $0xffff  }
0x252: {  	v42 =	vor.u32 s20, v4;
	v43 =	vshll.u32 v32, $0x1;
	v21 =	vand.u32 $0x400, v21;
	[tilespmem:v51+s12+$0x0] =	vst.idx.msk $0xffff, v40;
	v28 =	vld.idx.msk [tilespmem:v28+s11+$0x0], $0xffff  }
0x253: {  	v40 =	vor.u32 s20, v5;
	v43 =	vand.u32 $0x7E, v43;
	v21 =	vor.u32 v24, v21;
	[tilespmem:v50+s12+$0x0] =	vst.idx.msk $0xffff, v38;
	v27 =	vld.idx.msk [tilespmem:v27+s11+$0x0], $0xffff  }
0x254: {  	v38 =	vor.u32 s20, v6;
	v50 =	vor.u32 s20, v7;
	v43 =	vor.u32 v43, v21;
	[tilespmem:v49+s12+$0x0] =	vst.idx.msk $0xffff, v41  }
0x255: {  	v51 =	vor.u32 s20, v10;
	v41 =	vor.u32 s20, v8;
	v49 =	vor.u32 s20, v9;
	[tilespmem:v48+s12+$0x0] =	vst.idx.msk $0xffff, v45  }
0x256: {  	v52 =	vor.u32 s20, v13;
	v45 =	vor.u32 s20, v11;
	v48 =	vor.u32 s20, v12;
	[tilespmem:v46+s12+$0x0] =	vst.idx.msk $0xffff, v44  }
0x257: {  	v56 =	vor.u32 s20, v15;
	v44 =	vshll.u32 v54, $0x1;
	v46 =	vor.u32 s20, v14;
	[tilespmem:v39+s12+$0x0] =	vst.idx.msk $0xffff, v37  }
0x258: {  	v47 =	vshll.u32 v42, $0x1;
	v37 =	vshll.u32 v55, $0x1;
	v39 =	vshll.u32 v53, $0x1;
	[tilespmem:v35+s12+$0x0] =	vst.idx.msk $0xffff, v36  }
0x259: {  	v32 =	vshll.u32 v32, $0x7;
	v35 =	vshll.u32 v40, $0x1;
	v36 =	vld.idx.msk [tilespmem:v43+s11+$0x0], $0xffff;
	[tilespmem:v34+s12+$0x0] =	vst.idx.msk $0xffff, v1  }
0x25a: {  	v32 =	vor.u32 v26, v32;
	v1 =	vshll.u32 v38, $0x1;
	v34 =	vshll.u32 v50, $0x1;
	[tilespmem:v33+s12+$0x0] =	vst.idx.msk $0xffff, v30  }
0x25b: {  	v43 =	vshll.u32 v51, $0x1;
	v30 =	vshll.u32 v41, $0x1;
	v33 =	vshll.u32 v49, $0x1;
	[tilespmem:v31+s12+$0x0] =	vst.idx.msk $0xffff, v29  }
0x25c: {  	v57 =	vshll.u32 v52, $0x1;
	v29 =	vshll.u32 v45, $0x1;
	v31 =	vshll.u32 v48, $0x1;
	[tilespmem:v17+s12+$0x0] =	vst.idx.msk $0xffff, v28  }
0x25d: {  	v17 =	vand.u32 $0x7E, v44;
	v28 =	vshll.u32 v46, $0x1;
	v44 =	vshll.u32 v56, $0x1;
	[tilespmem:v19+s12+$0x0] =	vst.idx.msk $0xffff, v27  }
0x25e: {  	v19 =	vand.u32 $0x7E, v37;
	v27 =	vand.u32 $0x7E, v39;
	v37 =	vand.u32 $0x7E, v47  }
0x25f: {  	v35 =	vand.u32 $0x7E, v35;
	v1 =	vand.u32 $0x7E, v1;
	v34 =	vand.u32 $0x7E, v34;
	[tilespmem:v32+s12+$0x0] =	vst.idx.msk $0xffff, v36  }
0x260: {  	v30 =	vand.u32 $0x7E, v30;
	v32 =	vand.u32 $0x7E, v33;
	v33 =	vand.u32 $0x7E, v43  }
0x261: {  	v29 =	vand.u32 $0x7E, v29;
	v31 =	vand.u32 $0x7E, v31;
	v36 =	vand.u32 $0x7E, v57  }
0x262: {  	v17 =	vor.u32 v17, v21;
	v28 =	vand.u32 $0x7E, v28;
	v39 =	vand.u32 $0x7E, v44  }
0x263: {  	v19 =	vor.u32 v19, v21;
	v44 =	vor.u32 v27, v21;
	v37 =	vor.u32 v37, v21  }
0x264: {  	v35 =	vor.u32 v35, v21;
	v1 =	vor.u32 v1, v21;
	v34 =	vor.u32 v34, v21  }
0x265: {  	v57 =	vor.u32 v30, v21;
	v58 =	vor.u32 v32, v21;
	v33 =	vor.u32 v33, v21  }
0x266: {  	v30 =	vor.u32 v31, v21;
	v32 =	vor.u32 v29, v21;
	v29 =	vor.u32 v36, v21  }
0x267: {  	v28 =	vor.u32 v28, v21;
	v27 =	vor.u32 v39, v21;
	v47 =	vld.idx.msk [tilespmem:v17+s11+$0x0], $0xffff;
	v17 =	vshll.u32 v54, $0x7  }
0x268: {  	v31 =	vshll.u32 v42, $0x7;
	v21 =	vshll.u32 v53, $0x7;
	v43 =	vld.idx.msk [tilespmem:v19+s11+$0x0], $0xffff;
	v19 =	vshll.u32 v55, $0x7  }
0x269: {  	v39 =	vshll.u32 v38, $0x7;
	v36 =	vshll.u32 v40, $0x7;
	v42 =	vld.idx.msk [tilespmem:v44+s11+$0x0], $0xffff;
	v44 =	vshll.u32 v50, $0x7  }
0x26a: {  	v60 =	vshll.u32 v51, $0x7;
	v59 =	vshll.u32 v49, $0x7;
	v40 =	vld.idx.msk [tilespmem:v37+s11+$0x0], $0xffff;
	v37 =	vshll.u32 v41, $0x7  }
0x26b: {  	v63 =	vshll.u32 v52, $0x7;
	v61 =	vshll.u32 v45, $0x7;
	v62 =	vshll.u32 v48, $0x7;
	v38 =	vld.idx.msk [tilespmem:v35+s11+$0x0], $0xffff  }
.Ltmp11:
0x26c: {  	v56 =	vshll.u32 v56, $0x7;
	v54 =	vor.u32 v26, v17;
	v55 =	vshll.u32 v46, $0x7;
	v41 =	vld.idx.msk [tilespmem:v1+s11+$0x0], $0xffff;
	(pc) =	sbr.rel @p3 .LBB2_16-.Ltmp11, $4  }
0x26d: {  	v51 =	vor.u32 v26, v31;
	v52 =	vor.u32 v26, v21;
	v53 =	vor.u32 v26, v19;
	v45 =	vld.idx.msk [tilespmem:v34+s11+$0x0], $0xffff  }
0x26e: {  	v49 =	vor.u32 v26, v39;
	v50 =	vor.u32 v26, v36;
	v48 =	vor.u32 v26, v44;
	v44 =	vld.idx.msk [tilespmem:v57+s11+$0x0], $0xffff  }
0x26f: {  	v39 =	vor.u32 v26, v59;
	v46 =	vor.u32 v26, v37;
	v35 =	vor.u32 v26, v60;
	v37 =	vld.idx.msk [tilespmem:v58+s11+$0x0], $0xffff  }
0x270: {  	v31 =	vor.u32 v26, v63;
	v34 =	vor.u32 v26, v61;
	v36 =	vld.idx.msk [tilespmem:v33+s11+$0x0], $0xffff;
	v33 =	vor.u32 v26, v62  }
0x271: {  	s20 =	simm.s32 $0x0  }
0x272: {  	v19 =	vmov s20  }
0x273: {  	v22 =	vor.u32 v26, v55;
	v57 =	vor.u32 s20, v16;
	v19 =	vshll.u32 v19, $0x4  }
0x274: {  	v21 =	vor.u32 v26, v56;
	v26 =	vshll.u32 v57, $0x1;
	v19 =	vand.u32 $0x400, v19  }
0x275: {  	v26 =	vand.u32 $0x7E, v26;
	v19 =	vor.u32 v25, v19  }
0x276: {  	[tilespmem:v54+s12+$0x0] =	vst.idx.msk $0xffff, v47;
	v55 =	vor.u32 s20, v0;
	v60 =	vor.u32 s20, v2;
	v1 =	vor.u32 v26, v19  }
0x277: {  	v56 =	vor.u32 s20, v3;
	v58 =	vor.u32 s20, v4;
	v59 =	vor.u32 s20, v5;
	[tilespmem:$0x1FEB0] =	vst v1  }
0x278: {  	v47 =	vor.u32 s20, v6;
	v54 =	vor.u32 s20, v7;
	v61 =	vor.u32 s20, v10;
	[tilespmem:v53+s12+$0x0] =	vst.idx.msk $0xffff, v43  }
0x279: {  	v62 =	vor.u32 s20, v13;
	v63 =	vor.u32 s20, v15;
	v17 =	vshll.u32 v58, $0x1;
	[tilespmem:v52+s12+$0x0] =	vst.idx.msk $0xffff, v42  }
0x27a: {  	v57 =	vshll.u32 v57, $0x7;
	v17 =	vand.u32 $0x7E, v17;
	v26 =	vor.u32 $0x70, v0;
	[tilespmem:v51+s12+$0x0] =	vst.idx.msk $0xffff, v40  }
0x27b: {  	v17 =	vor.u32 v17, v19;
	v1 =	vshll.u32 v62, $0x1;
	v62 =	vshll.u32 v62, $0x7;
	[tilespmem:v50+s12+$0x0] =	vst.idx.msk $0xffff, v38  }
0x27c: {  	v43 =	vor.u32 s20, v8;
	v53 =	vor.u32 s20, v9;
	v42 =	vor.u32 s20, v11;
	v32 =	vld.idx.msk [tilespmem:v32+s11+$0x0], $0xffff;
	[tilespmem:v49+s12+$0x0] =	vst.idx.msk $0xffff, v41  }
0x27d: {  	v52 =	vor.u32 s20, v12;
	v40 =	vshll.u32 v55, $0x1;
	v51 =	vor.u32 s20, v14;
	v30 =	vld.idx.msk [tilespmem:v30+s11+$0x0], $0xffff;
	[tilespmem:v48+s12+$0x0] =	vst.idx.msk $0xffff, v45  }
0x27e: {  	v38 =	vshll.u32 v60, $0x1;
	v50 =	vshll.u32 v56, $0x1;
	v41 =	vshll.u32 v59, $0x1;
	v29 =	vld.idx.msk [tilespmem:v29+s11+$0x0], $0xffff;
	[tilespmem:v46+s12+$0x0] =	vst.idx.msk $0xffff, v44  }
0x27f: {  	v45 =	vshll.u32 v47, $0x1;
	v48 =	vshll.u32 v54, $0x1;
	v49 =	vor.u32 v26, v57;
	v28 =	vld.idx.msk [tilespmem:v28+s11+$0x0], $0xffff;
	[tilespmem:v39+s12+$0x0] =	vst.idx.msk $0xffff, v37  }
0x280: {  	v57 =	vshll.u32 v61, $0x1;
	v27 =	vld.idx.msk [tilespmem:v27+s11+$0x0], $0xffff;
	[tilespmem:v35+s12+$0x0] =	vst.idx.msk $0xffff, v36;
	v1 =	vand.u32 $0x7E, v1;
	v47 =	vshll.u32 v47, $0x7  }
0x281: {  	v44 =	vshll.u32 v43, $0x1;
	v46 =	vshll.u32 v53, $0x1;
	v37 =	vshll.u32 v42, $0x1;
	[tilespmem:v34+s12+$0x0] =	vst.idx.msk $0xffff, v32  }
0x282: {  	v39 =	vshll.u32 v52, $0x1;
	v35 =	vand.u32 $0x7E, v40;
	v36 =	vshll.u32 v51, $0x1;
	[tilespmem:v33+s12+$0x0] =	vst.idx.msk $0xffff, v30  }
0x283: {  	v40 =	vshll.u32 v63, $0x1;
	v32 =	vand.u32 $0x7E, v38;
	v34 =	vand.u32 $0x7E, v50;
	[tilespmem:v31+s12+$0x0] =	vst.idx.msk $0xffff, v29  }
0x284: {  	v30 =	vand.u32 $0x7E, v41;
	v33 =	vand.u32 $0x7E, v45;
	v45 =	vand.u32 $0x7E, v48;
	[tilespmem:v22+s12+$0x0] =	vst.idx.msk $0xffff, v28  }
0x285: {  	v29 =	vand.u32 $0x7E, v44;
	v31 =	vand.u32 $0x7E, v46;
	v41 =	vand.u32 $0x7E, v57;
	[tilespmem:v21+s12+$0x0] =	vst.idx.msk $0xffff, v27  }
0x286: {  	v28 =	vand.u32 $0x7E, v37;
	v37 =	vand.u32 $0x7E, v39;
	v27 =	vor.u32 v35, v19;
	v22 =	vld [tilespmem:$0x1FEB0]  }
0x287: {  	v48 =	vand.u32 $0x7E, v36;
	v50 =	vand.u32 $0x7E, v40;
	v32 =	vor.u32 v32, v19  }
0x288: {  	v35 =	vshll.u32 v56, $0x7;
	v44 =	vshll.u32 v58, $0x7;
	v34 =	vor.u32 v34, v19  }
0x289: {  	v46 =	vshll.u32 v59, $0x7;
	v58 =	vshll.u32 v53, $0x7;
	v59 =	vshll.u32 v61, $0x7  }
0x28a: {  	v61 =	vshll.u32 v52, $0x7;
	v53 =	vshll.u32 v51, $0x7;
	v39 =	vor.u32 v30, v19;
	v36 =	vld.idx.msk [tilespmem:v17+s11+$0x0], $0xffff  }
0x28b: {  	v51 =	vshll.u32 v63, $0x7;
	v40 =	vor.u32 v33, v19;
	v38 =	vor.u32 v45, v19;
	v33 =	vld.idx.msk [tilespmem:v27+s11+$0x0], $0xffff  }
0x28c: {  	v45 =	vor.u32 v29, v19;
	v57 =	vor.u32 v31, v19;
	v21 =	vor.u32 v41, v19;
	v32 =	vld.idx.msk [tilespmem:v32+s11+$0x0], $0xffff  }
0x28d: {  	v31 =	vor.u32 v28, v19;
	v30 =	vor.u32 v37, v19;
	v29 =	vor.u32 v1, v19;
	v34 =	vld.idx.msk [tilespmem:v34+s11+$0x0], $0xffff  }
0x28e: {  	v1 =	vshll.u32 v55, $0x7;
	v28 =	vor.u32 v48, v19;
	v48 =	vshll.u32 v54, $0x7;
	v41 =	vld.idx.msk [tilespmem:v22+s11+$0x0], $0xffff  }
0x28f: {  	v17 =	vshll.u32 v43, $0x7;
	v54 =	vor.u32 v26, v35;
	v52 =	vor.u32 v26, v44;
	v37 =	vld.idx.msk [tilespmem:v39+s11+$0x0], $0xffff  }
0x290: {  	v56 =	vor.u32 v26, v1;
	v27 =	vor.u32 v50, v19;
	v19 =	vshll.u32 v60, $0x7;
	v39 =	vld.idx.msk [tilespmem:v40+s11+$0x0], $0xffff  }
0x291: {  	v35 =	vor.u32 v26, v62;
	v48 =	vor.u32 v26, v48;
	v55 =	vor.u32 v26, v19;
	v44 =	vld.idx.msk [tilespmem:v38+s11+$0x0], $0xffff  }
0x292: {  	v60 =	vshll.u32 v42, $0x7;
	v50 =	vor.u32 v26, v46;
	v46 =	vld.idx.msk [tilespmem:v45+s11+$0x0], $0xffff;
	v45 =	vor.u32 v26, v58  }
0x293: {  	v43 =	vld.idx.msk [tilespmem:v57+s11+$0x0], $0xffff;
	v40 =	vor.u32 v26, v60;
	v38 =	vor.u32 v26, v61;
	[tilespmem:v49+s12+$0x0] =	vst.idx.msk $0xffff, v41  }
0x294: {  	v42 =	vld.idx.msk [tilespmem:v21+s11+$0x0], $0xffff;
	v49 =	vor.u32 v26, v47;
	v47 =	vor.u32 v26, v17;
	v41 =	vor.u32 v26, v59  }
.LBB2_18:
0x295: {  	s20 =	sadd.s32 $0x10, s20;
	[tilespmem:v56+s12+$0x0] =	vst.idx.msk $0xffff, v33;
	v1 =	vld.idx.msk [tilespmem:v31+s11+$0x0], $0xffff;
	v17 =	vor.u32 v26, v53;
	v19 =	vor.u32 v26, v51  }
0x296: {  	v21 =	vmov s20;
	v51 =	vor.u32 s20, v0;
	v53 =	vor.u32 s20, v2;
	p3 =	slt.u32 s20, $0x70;
	[tilespmem:v55+s12+$0x0] =	vst.idx.msk $0xffff, v32;
	v30 =	vld.idx.msk [tilespmem:v30+s11+$0x0], $0xffff  }
0x297: {  	v55 =	vor.u32 s20, v3;
	v31 =	vor.u32 s20, v16;
	v21 =	vshll.u32 v21, $0x4;
	[tilespmem:v54+s12+$0x0] =	vst.idx.msk $0xffff, v34;
	v29 =	vld.idx.msk [tilespmem:v29+s11+$0x0], $0xffff  }
0x298: {  	v34 =	vor.u32 s20, v4;
	v32 =	vshll.u32 v31, $0x1;
	v21 =	vand.u32 $0x400, v21;
	[tilespmem:v52+s12+$0x0] =	vst.idx.msk $0xffff, v36;
	v28 =	vld.idx.msk [tilespmem:v28+s11+$0x0], $0xffff  }
0x299: {  	v36 =	vor.u32 s20, v5;
	v32 =	vand.u32 $0x7E, v32;
	v21 =	vor.u32 v25, v21;
	[tilespmem:v50+s12+$0x0] =	vst.idx.msk $0xffff, v37;
	v27 =	vld.idx.msk [tilespmem:v27+s11+$0x0], $0xffff  }
0x29a: {  	v37 =	vor.u32 s20, v6;
	v50 =	vor.u32 s20, v7;
	v32 =	vor.u32 v32, v21;
	[tilespmem:v49+s12+$0x0] =	vst.idx.msk $0xffff, v39  }
0x29b: {  	v52 =	vor.u32 s20, v10;
	v39 =	vor.u32 s20, v8;
	v49 =	vor.u32 s20, v9;
	[tilespmem:v48+s12+$0x0] =	vst.idx.msk $0xffff, v44  }
0x29c: {  	v54 =	vor.u32 s20, v13;
	v44 =	vor.u32 s20, v11;
	v48 =	vor.u32 s20, v12;
	[tilespmem:v47+s12+$0x0] =	vst.idx.msk $0xffff, v46  }
0x29d: {  	v33 =	vshll.u32 v51, $0x1;
	v46 =	vor.u32 s20, v14;
	v47 =	vor.u32 s20, v15;
	[tilespmem:v45+s12+$0x0] =	vst.idx.msk $0xffff, v43  }
0x29e: {  	v56 =	vshll.u32 v34, $0x1;
	v43 =	vshll.u32 v53, $0x1;
	v45 =	vshll.u32 v55, $0x1;
	[tilespmem:v41+s12+$0x0] =	vst.idx.msk $0xffff, v42  }
0x29f: {  	v31 =	vshll.u32 v31, $0x7;
	v41 =	vshll.u32 v36, $0x1;
	v32 =	vld.idx.msk [tilespmem:v32+s11+$0x0], $0xffff;
	[tilespmem:v40+s12+$0x0] =	vst.idx.msk $0xffff, v1  }
0x2a0: {  	v31 =	vor.u32 v26, v31;
	v1 =	vshll.u32 v37, $0x1;
	v40 =	vshll.u32 v50, $0x1;
	[tilespmem:v38+s12+$0x0] =	vst.idx.msk $0xffff, v30  }
0x2a1: {  	v42 =	vshll.u32 v52, $0x1;
	v30 =	vshll.u32 v39, $0x1;
	v38 =	vshll.u32 v49, $0x1;
	[tilespmem:v35+s12+$0x0] =	vst.idx.msk $0xffff, v29  }
0x2a2: {  	v57 =	vshll.u32 v54, $0x1;
	v29 =	vshll.u32 v44, $0x1;
	v35 =	vshll.u32 v48, $0x1;
	[tilespmem:v17+s12+$0x0] =	vst.idx.msk $0xffff, v28  }
0x2a3: {  	v17 =	vand.u32 $0x7E, v33;
	v28 =	vshll.u32 v46, $0x1;
	v33 =	vshll.u32 v47, $0x1;
	[tilespmem:v19+s12+$0x0] =	vst.idx.msk $0xffff, v27  }
0x2a4: {  	v19 =	vand.u32 $0x7E, v43;
	v27 =	vand.u32 $0x7E, v45;
	v43 =	vand.u32 $0x7E, v56  }
0x2a5: {  	v41 =	vand.u32 $0x7E, v41;
	v1 =	vand.u32 $0x7E, v1;
	v40 =	vand.u32 $0x7E, v40;
	[tilespmem:v31+s12+$0x0] =	vst.idx.msk $0xffff, v32  }
0x2a6: {  	v30 =	vand.u32 $0x7E, v30;
	v31 =	vand.u32 $0x7E, v38;
	v32 =	vand.u32 $0x7E, v42  }
0x2a7: {  	v29 =	vand.u32 $0x7E, v29;
	v35 =	vand.u32 $0x7E, v35;
	v38 =	vand.u32 $0x7E, v57  }
0x2a8: {  	v17 =	vor.u32 v17, v21;
	v28 =	vand.u32 $0x7E, v28;
	v42 =	vand.u32 $0x7E, v33  }
0x2a9: {  	v19 =	vor.u32 v19, v21;
	v45 =	vor.u32 v27, v21;
	v43 =	vor.u32 v43, v21  }
0x2aa: {  	v41 =	vor.u32 v41, v21;
	v1 =	vor.u32 v1, v21;
	v40 =	vor.u32 v40, v21  }
0x2ab: {  	v57 =	vor.u32 v30, v21;
	v58 =	vor.u32 v31, v21;
	v59 =	vor.u32 v32, v21  }
0x2ac: {  	v30 =	vor.u32 v35, v21;
	v31 =	vor.u32 v29, v21;
	v29 =	vor.u32 v38, v21  }
0x2ad: {  	v28 =	vor.u32 v28, v21;
	v27 =	vor.u32 v42, v21;
	v33 =	vld.idx.msk [tilespmem:v17+s11+$0x0], $0xffff;
	v17 =	vshll.u32 v51, $0x7  }
0x2ae: {  	v35 =	vshll.u32 v34, $0x7;
	v21 =	vshll.u32 v55, $0x7;
	v32 =	vld.idx.msk [tilespmem:v19+s11+$0x0], $0xffff;
	v19 =	vshll.u32 v53, $0x7  }
0x2af: {  	v38 =	vshll.u32 v36, $0x7;
	v42 =	vshll.u32 v37, $0x7;
	v34 =	vld.idx.msk [tilespmem:v45+s11+$0x0], $0xffff;
	v45 =	vshll.u32 v50, $0x7  }
0x2b0: {  	v61 =	vshll.u32 v52, $0x7;
	v60 =	vshll.u32 v49, $0x7;
	v36 =	vld.idx.msk [tilespmem:v43+s11+$0x0], $0xffff;
	v43 =	vshll.u32 v39, $0x7  }
0x2b1: {  	v22 =	vshll.u32 v54, $0x7;
	v62 =	vshll.u32 v44, $0x7;
	v63 =	vshll.u32 v48, $0x7;
	v37 =	vld.idx.msk [tilespmem:v41+s11+$0x0], $0xffff  }
.Ltmp12:
0x2b2: {  	v51 =	vshll.u32 v47, $0x7;
	v56 =	vor.u32 v26, v17;
	v53 =	vshll.u32 v46, $0x7;
	v39 =	vld.idx.msk [tilespmem:v1+s11+$0x0], $0xffff;
	(pc) =	sbr.rel @p3 .LBB2_18-.Ltmp12, $4  }
0x2b3: {  	v52 =	vor.u32 v26, v35;
	v54 =	vor.u32 v26, v21;
	v55 =	vor.u32 v26, v19;
	v44 =	vld.idx.msk [tilespmem:v40+s11+$0x0], $0xffff  }
0x2b4: {  	v49 =	vor.u32 v26, v42;
	v50 =	vor.u32 v26, v38;
	v48 =	vor.u32 v26, v45;
	v46 =	vld.idx.msk [tilespmem:v57+s11+$0x0], $0xffff  }
0x2b5: {  	v45 =	vor.u32 v26, v60;
	v47 =	vor.u32 v26, v43;
	v41 =	vor.u32 v26, v61;
	v43 =	vld.idx.msk [tilespmem:v58+s11+$0x0], $0xffff  }
0x2b6: {  	v35 =	vor.u32 v26, v22;
	v38 =	vor.u32 v26, v63;
	v40 =	vor.u32 v26, v62;
	v42 =	vld.idx.msk [tilespmem:v59+s11+$0x0], $0xffff  }
0x2b7: {  	_ =	sdelay $0x3  }
0x2b8: {  	[tilespmem:v56+s12+$0x0] =	vst.idx.msk $0xffff, v33  }
0x2b9: {  	[tilespmem:v55+s12+$0x0] =	vst.idx.msk $0xffff, v32  }
0x2ba: {  	[tilespmem:v54+s12+$0x0] =	vst.idx.msk $0xffff, v34  }
0x2bb: {  	[tilespmem:v52+s12+$0x0] =	vst.idx.msk $0xffff, v36  }
0x2bc: {  	[tilespmem:v50+s12+$0x0] =	vst.idx.msk $0xffff, v37  }
0x2bd: {  	v1 =	vld.idx.msk [tilespmem:v31+s11+$0x0], $0xffff;
	[tilespmem:v49+s12+$0x0] =	vst.idx.msk $0xffff, v39  }
0x2be: {  	v17 =	vld.idx.msk [tilespmem:v30+s11+$0x0], $0xffff;
	[tilespmem:v48+s12+$0x0] =	vst.idx.msk $0xffff, v44  }
0x2bf: {  	v19 =	vld.idx.msk [tilespmem:v29+s11+$0x0], $0xffff;
	[tilespmem:v47+s12+$0x0] =	vst.idx.msk $0xffff, v46  }
0x2c0: {  	v21 =	vor.u32 v26, v53;
	v22 =	vld.idx.msk [tilespmem:v28+s11+$0x0], $0xffff;
	[tilespmem:v45+s12+$0x0] =	vst.idx.msk $0xffff, v43  }
0x2c1: {  	v26 =	vor.u32 v26, v51;
	v27 =	vld.idx.msk [tilespmem:v27+s11+$0x0], $0xffff;
	[tilespmem:v41+s12+$0x0] =	vst.idx.msk $0xffff, v42  }
0x2c2: {  	[tilespmem:v40+s12+$0x0] =	vst.idx.msk $0xffff, v1  }
0x2c3: {  	[tilespmem:v38+s12+$0x0] =	vst.idx.msk $0xffff, v17  }
0x2c4: {  	s19 =	sshll.u32 s19, $0xB;
	[tilespmem:v35+s12+$0x0] =	vst.idx.msk $0xffff, v19  }
0x2c5: {  	s19 =	sand.u32 $0x1FFFF800, s19;
	[tilespmem:v21+s12+$0x0] =	vst.idx.msk $0xffff, v22  }
0x2c6: {  	s19 =	sadd.s32 s3, s19;
	[tilespmem:v26+s12+$0x0] =	vst.idx.msk $0xffff, v27  }
0x2c7: {  	[hbm4b:s19+s5] =	stream.linear.scatter [tilespmem:s12], [sflag:$0x3], $0x4000, $0x38;
	v22 =	vld [tilespmem:$0x1FFD0]  }
.LBB2_20:
.Ltmp13:
0x2c8: {  	s19 =	sor.u32 $0x20, s18;
	(pc) =	sbr.rel @p2 .LBB2_38-.Ltmp13, $4  }
0x2c9: {  	p3 =	sgt.u32 s19, $0xF41  }
0x2ca: {  	s19 =	sshll.u32 @!p3 s19, $0x8;
	s20 =	simm.s32 @!p3 $0x800  }
0x2cb: {  	s21 =	simm.s32 @!p3 $0x7A1400;
	s22 =	simm.s32 @!p3 $0x4000;
	s19 =	sadd.s32 @!p3 s0, s19  }
0x2cc: {  	[tilespmem:s22], [sflag:$0x2] =	stream.strided.gather @!p3 [hbm4b:s19+s20], $0x4000, s21, s20, $0x38;
	[tilespmem:$0x11000] =	vst v63  }
0x2cd: {  	s19 =	simm.s32 $0x0  }
0x2ce: {  	v1 =	vmov s19;
	v17 =	vor.u32 s19, v0;
	v19 =	vor.u32 s19, v2  }
0x2cf: {  	v63 =	vmovc v22;
	v21 =	vor.u32 s19, v3;
	v22 =	vor.u32 s19, v16;
	v29 =	vor.u32 s19, v4  }
0x2d0: {  	v31 =	vor.u32 s19, v5;
	v33 =	vor.u32 s19, v6;
	v34 =	vor.u32 s19, v7  }
0x2d1: {  	v35 =	vor.u32 s19, v8;
	v36 =	vor.u32 s19, v9;
	v37 =	vor.u32 s19, v10  }
0x2d2: {  	v38 =	vor.u32 s19, v11;
	v41 =	vor.u32 s19, v12;
	v44 =	vor.u32 s19, v13  }
0x2d3: {  	v45 =	vor.u32 s19, v14;
	v46 =	vor.u32 s19, v15;
	v1 =	vshll.u32 v1, $0x4  }
0x2d4: {  	v26 =	vshll.u32 v22, $0x1;
	v27 =	vshll.u32 v17, $0x1;
	v28 =	vshll.u32 v19, $0x1  }
0x2d5: {  	v30 =	vshll.u32 v21, $0x1;
	v32 =	vshll.u32 v29, $0x1;
	v39 =	vshll.u32 v31, $0x1  }
0x2d6: {  	v40 =	vshll.u32 v33, $0x1;
	v22 =	vshll.u32 v22, $0x7;
	v42 =	vshll.u32 v34, $0x1  }
0x2d7: {  	v43 =	vshll.u32 v35, $0x1;
	v47 =	vshll.u32 v36, $0x1;
	v48 =	vshll.u32 v37, $0x1  }
0x2d8: {  	v49 =	vshll.u32 v38, $0x1;
	v50 =	vshll.u32 v41, $0x1;
	v51 =	vshll.u32 v44, $0x1  }
0x2d9: {  	v52 =	vshll.u32 v45, $0x1;
	v53 =	vshll.u32 v46, $0x1;
	v1 =	vand.u32 $0x400, v1  }
0x2da: {  	_ =	swait.ge [sflag:s13], $0x4000;
	v26 =	vand.u32 $0x7E, v26;
	v22 =	vor.u32 v0, v22;
	v1 =	vor.u32 v63, v1  }
0x2db: {  	[sflag:s13] =	ssyncset.done $0x0;
	v27 =	vand.u32 $0x7E, v27;
	v28 =	vand.u32 $0x7E, v28;
	v26 =	vor.u32 v26, v1  }
0x2dc: {  	s20 =	simm.s32 @!p1 $0x3;
	[sflag:s13] =	ssyncadd.s32 $0xFFFFC000;
	v30 =	vand.u32 $0x7E, v30;
	v32 =	vand.u32 $0x7E, v32;
	v39 =	vand.u32 $0x7E, v39  }
0x2dd: {  	v40 =	vand.u32 $0x7E, v40;
	v42 =	vand.u32 $0x7E, v42;
	v48 =	vand.u32 $0x7E, v48;
	_ =	swait.ge @!p1 [sflag:s20], $0x4000  }
0x2de: {  	v43 =	vand.u32 $0x7E, v43;
	[sflag:s20] =	ssyncset.done @!p1 $0x0;
	v54 =	vor.u32 v27, v1;
	v27 =	vor.u32 v48, v1  }
0x2df: {  	v47 =	vand.u32 $0x7E, v47;
	v49 =	vand.u32 $0x7E, v49;
	v50 =	vand.u32 $0x7E, v50;
	[sflag:s20] =	ssyncadd.s32 @!p1 $0xFFFFC000;
	[tilespmem:$0x1FEA0] =	vst v27  }
0x2e0: {  	v55 =	vor.u32 v28, v1;
	v57 =	vor.u32 v32, v1;
	v32 =	vor.u32 v49, v1;
	v49 =	vld.idx.msk [tilespmem:v26+s5+$0x0], $0xffff  }
0x2e1: {  	v51 =	vand.u32 $0x7E, v51;
	v52 =	vand.u32 $0x7E, v52;
	v53 =	vand.u32 $0x7E, v53  }
0x2e2: {  	v56 =	vor.u32 v30, v1;
	v58 =	vor.u32 v39, v1;
	v59 =	vor.u32 v40, v1  }
0x2e3: {  	v60 =	vor.u32 v42, v1;
	v61 =	vor.u32 v43, v1;
	v62 =	vor.u32 v47, v1  }
0x2e4: {  	v30 =	vor.u32 v50, v1;
	v28 =	vor.u32 v51, v1;
	v27 =	vor.u32 v52, v1;
	v47 =	vld.idx.msk [tilespmem:v54+s5+$0x0], $0xffff  }
0x2e5: {  	v17 =	vshll.u32 v17, $0x7;
	v26 =	vor.u32 v53, v1;
	v43 =	vld.idx.msk [tilespmem:v55+s5+$0x0], $0xffff;
	v1 =	vshll.u32 v21, $0x7;
	[tilespmem:v22+s14+$0x0] =	vst.idx.msk $0xffff, v49  }
0x2e6: {  	v19 =	vshll.u32 v19, $0x7;
	v37 =	vshll.u32 v37, $0x7;
	v52 =	vor.u32 v0, v1;
	v1 =	vld [tilespmem:$0x1FEA0]  }
0x2e7: {  	v21 =	vshll.u32 v29, $0x7;
	v29 =	vshll.u32 v31, $0x7;
	v42 =	vld.idx.msk [tilespmem:v56+s5+$0x0], $0xffff;
	v31 =	vshll.u32 v33, $0x7  }
0x2e8: {  	v33 =	vshll.u32 v34, $0x7;
	v34 =	vshll.u32 v35, $0x7;
	v39 =	vld.idx.msk [tilespmem:v57+s5+$0x0], $0xffff;
	v35 =	vshll.u32 v36, $0x7  }
0x2e9: {  	v56 =	vshll.u32 v38, $0x7;
	v40 =	vld.idx.msk [tilespmem:v58+s5+$0x0], $0xffff;
	v57 =	vshll.u32 v44, $0x7;
	v58 =	vshll.u32 v45, $0x7  }
0x2ea: {  	v54 =	vor.u32 v0, v17;
	v53 =	vor.u32 v0, v19;
	v44 =	vld.idx.msk [tilespmem:v59+s5+$0x0], $0xffff;
	v55 =	vshll.u32 v46, $0x7  }
0x2eb: {  	v46 =	vld.idx.msk [tilespmem:v60+s5+$0x0], $0xffff;
	v51 =	vor.u32 v0, v21;
	v50 =	vor.u32 v0, v29;
	v48 =	vor.u32 v0, v33  }
0x2ec: {  	v36 =	vld.idx.msk [tilespmem:v62+s5+$0x0], $0xffff;
	v45 =	vor.u32 v0, v34;
	v38 =	vor.u32 v0, v35;
	v35 =	vor.u32 v0, v37  }
0x2ed: {  	v34 =	vor.u32 v0, v56;
	v29 =	vor.u32 v0, v58;
	v22 =	vshll.u32 v41, $0x7;
	v41 =	vld.idx.msk [tilespmem:v61+s5+$0x0], $0xffff  }
0x2ee: {  	v49 =	vor.u32 v0, v31;
	v31 =	vor.u32 v0, v57;
	v33 =	vor.u32 v0, v22;
	v37 =	vld.idx.msk [tilespmem:v1+s5+$0x0], $0xffff  }
.LBB2_22:
0x2ef: {  	s19 =	sadd.s32 $0x10, s19;
	[tilespmem:v54+s14+$0x0] =	vst.idx.msk $0xffff, v47;
	v1 =	vld.idx.msk [tilespmem:v32+s5+$0x0], $0xffff;
	v17 =	vor.u32 v0, v55  }
0x2f0: {  	v19 =	vmov s19;
	v21 =	vor.u32 s19, v0;
	v22 =	vor.u32 s19, v2;
	p1 =	slt.u32 s19, $0x70;
	[tilespmem:v53+s14+$0x0] =	vst.idx.msk $0xffff, v43;
	v30 =	vld.idx.msk [tilespmem:v30+s5+$0x0], $0xffff  }
0x2f1: {  	v53 =	vor.u32 s19, v3;
	v32 =	vor.u32 s19, v16;
	v19 =	vshll.u32 v19, $0x4;
	[tilespmem:v52+s14+$0x0] =	vst.idx.msk $0xffff, v42;
	v28 =	vld.idx.msk [tilespmem:v28+s5+$0x0], $0xffff  }
0x2f2: {  	v42 =	vor.u32 s19, v4;
	v43 =	vshll.u32 v32, $0x1;
	v19 =	vand.u32 $0x400, v19;
	[tilespmem:v51+s14+$0x0] =	vst.idx.msk $0xffff, v39;
	v27 =	vld.idx.msk [tilespmem:v27+s5+$0x0], $0xffff  }
0x2f3: {  	v39 =	vor.u32 s19, v5;
	v43 =	vand.u32 $0x7E, v43;
	v19 =	vor.u32 v63, v19;
	[tilespmem:v50+s14+$0x0] =	vst.idx.msk $0xffff, v40;
	v26 =	vld.idx.msk [tilespmem:v26+s5+$0x0], $0xffff  }
0x2f4: {  	v40 =	vor.u32 s19, v6;
	v50 =	vor.u32 s19, v7;
	v43 =	vor.u32 v43, v19;
	[tilespmem:v49+s14+$0x0] =	vst.idx.msk $0xffff, v44  }
0x2f5: {  	v51 =	vor.u32 s19, v10;
	v44 =	vor.u32 s19, v8;
	v49 =	vor.u32 s19, v9;
	[tilespmem:v48+s14+$0x0] =	vst.idx.msk $0xffff, v46  }
0x2f6: {  	v52 =	vor.u32 s19, v13;
	v46 =	vor.u32 s19, v11;
	v48 =	vor.u32 s19, v12;
	[tilespmem:v45+s14+$0x0] =	vst.idx.msk $0xffff, v41  }
0x2f7: {  	v55 =	vor.u32 s19, v15;
	v41 =	vshll.u32 v21, $0x1;
	v45 =	vor.u32 s19, v14;
	[tilespmem:v38+s14+$0x0] =	vst.idx.msk $0xffff, v36  }
0x2f8: {  	v47 =	vshll.u32 v42, $0x1;
	v36 =	vshll.u32 v22, $0x1;
	v38 =	vshll.u32 v53, $0x1;
	[tilespmem:v35+s14+$0x0] =	vst.idx.msk $0xffff, v37  }
0x2f9: {  	v32 =	vshll.u32 v32, $0x7;
	v35 =	vshll.u32 v39, $0x1;
	v37 =	vshll.u32 v40, $0x1;
	v43 =	vld.idx.msk [tilespmem:v43+s5+$0x0], $0xffff;
	[tilespmem:v34+s14+$0x0] =	vst.idx.msk $0xffff, v1  }
0x2fa: {  	v32 =	vor.u32 v0, v32;
	v1 =	vshll.u32 v50, $0x1;
	v34 =	vshll.u32 v44, $0x1;
	[tilespmem:v33+s14+$0x0] =	vst.idx.msk $0xffff, v30  }
0x2fb: {  	v54 =	vshll.u32 v46, $0x1;
	v30 =	vshll.u32 v49, $0x1;
	v33 =	vshll.u32 v51, $0x1;
	[tilespmem:v31+s14+$0x0] =	vst.idx.msk $0xffff, v28  }
0x2fc: {  	v56 =	vshll.u32 v45, $0x1;
	v28 =	vshll.u32 v48, $0x1;
	v31 =	vshll.u32 v52, $0x1;
	[tilespmem:v29+s14+$0x0] =	vst.idx.msk $0xffff, v27  }
0x2fd: {  	v27 =	vand.u32 $0x7E, v41;
	v29 =	vand.u32 $0x7E, v36;
	v36 =	vshll.u32 v55, $0x1;
	[tilespmem:v17+s14+$0x0] =	vst.idx.msk $0xffff, v26  }
0x2fe: {  	v35 =	vand.u32 $0x7E, v35;
	v17 =	vand.u32 $0x7E, v38;
	v26 =	vand.u32 $0x7E, v47  }
0x2ff: {  	v37 =	vand.u32 $0x7E, v37;
	v1 =	vand.u32 $0x7E, v1;
	v34 =	vand.u32 $0x7E, v34;
	[tilespmem:v32+s14+$0x0] =	vst.idx.msk $0xffff, v43  }
0x300: {  	v30 =	vand.u32 $0x7E, v30;
	v32 =	vand.u32 $0x7E, v33;
	v33 =	vand.u32 $0x7E, v54  }
0x301: {  	v28 =	vand.u32 $0x7E, v28;
	v31 =	vand.u32 $0x7E, v31;
	v38 =	vand.u32 $0x7E, v56  }
0x302: {  	v41 =	vor.u32 v27, v19;
	v29 =	vor.u32 v29, v19;
	v36 =	vand.u32 $0x7E, v36  }
0x303: {  	v35 =	vor.u32 v35, v19;
	v17 =	vor.u32 v17, v19;
	v54 =	vor.u32 v26, v19  }
0x304: {  	v37 =	vor.u32 v37, v19;
	v1 =	vor.u32 v1, v19;
	v34 =	vor.u32 v34, v19  }
0x305: {  	v56 =	vor.u32 v30, v19;
	v57 =	vor.u32 v32, v19;
	v32 =	vor.u32 v33, v19  }
0x306: {  	v30 =	vor.u32 v28, v19;
	v28 =	vor.u32 v31, v19;
	v27 =	vor.u32 v38, v19  }
0x307: {  	v21 =	vshll.u32 v21, $0x7;
	v22 =	vshll.u32 v22, $0x7;
	v26 =	vor.u32 v36, v19;
	v47 =	vld.idx.msk [tilespmem:v41+s5+$0x0], $0xffff  }
0x308: {  	v31 =	vshll.u32 v39, $0x7;
	v19 =	vshll.u32 v53, $0x7;
	v43 =	vld.idx.msk [tilespmem:v29+s5+$0x0], $0xffff;
	v29 =	vshll.u32 v42, $0x7  }
0x309: {  	v36 =	vshll.u32 v44, $0x7;
	v33 =	vshll.u32 v50, $0x7;
	v42 =	vld.idx.msk [tilespmem:v17+s5+$0x0], $0xffff;
	v17 =	vshll.u32 v40, $0x7  }
0x30a: {  	v58 =	vshll.u32 v51, $0x7;
	v59 =	vshll.u32 v46, $0x7;
	v38 =	vshll.u32 v49, $0x7;
	v39 =	vld.idx.msk [tilespmem:v54+s5+$0x0], $0xffff  }
0x30b: {  	v61 =	vshll.u32 v52, $0x7;
	v60 =	vshll.u32 v48, $0x7;
	v62 =	vshll.u32 v45, $0x7;
	v40 =	vld.idx.msk [tilespmem:v35+s5+$0x0], $0xffff  }
.Ltmp14:
0x30c: {  	v55 =	vshll.u32 v55, $0x7;
	v53 =	vor.u32 v0, v22;
	v54 =	vor.u32 v0, v21;
	v44 =	vld.idx.msk [tilespmem:v37+s5+$0x0], $0xffff;
	(pc) =	sbr.rel @p1 .LBB2_22-.Ltmp14, $4  }
0x30d: {  	v50 =	vor.u32 v0, v31;
	v52 =	vor.u32 v0, v19;
	v51 =	vor.u32 v0, v29;
	v46 =	vld.idx.msk [tilespmem:v1+s5+$0x0], $0xffff  }
0x30e: {  	v45 =	vor.u32 v0, v36;
	v48 =	vor.u32 v0, v33;
	v49 =	vor.u32 v0, v17;
	v41 =	vld.idx.msk [tilespmem:v34+s5+$0x0], $0xffff  }
0x30f: {  	v38 =	vor.u32 v0, v38;
	v35 =	vor.u32 v0, v58;
	v34 =	vor.u32 v0, v59;
	v36 =	vld.idx.msk [tilespmem:v56+s5+$0x0], $0xffff  }
0x310: {  	v31 =	vor.u32 v0, v61;
	v33 =	vor.u32 v0, v60;
	v29 =	vor.u32 v0, v62;
	v37 =	vld.idx.msk [tilespmem:v57+s5+$0x0], $0xffff  }
0x311: {  	_ = 	snop  }
0x312: {  	v1 =	vor.u32 v0, v55;
	s19 =	simm.s32 $0x0  }
0x313: {  	[tilespmem:$0x1FE70] =	vst v1;
	v1 =	vor.u32 s19, v3  }
0x314: {  	[tilespmem:$0x1FE80] =	vst v1  }
0x315: {  	v63 =	vld [tilespmem:$0x1FF90];
	[tilespmem:v54+s14+$0x0] =	vst.idx.msk $0xffff, v47  }
0x316: {  	[tilespmem:v53+s14+$0x0] =	vst.idx.msk $0xffff, v43  }
0x317: {  	[tilespmem:v52+s14+$0x0] =	vst.idx.msk $0xffff, v42  }
0x318: {  	[tilespmem:v51+s14+$0x0] =	vst.idx.msk $0xffff, v39  }
0x319: {  	v55 =	vor.u32 s19, v16;
	[tilespmem:v50+s14+$0x0] =	vst.idx.msk $0xffff, v40  }
0x31a: {  	v57 =	vshll.u32 v55, $0x1;
	v55 =	vshll.u32 v55, $0x7;
	[tilespmem:v49+s14+$0x0] =	vst.idx.msk $0xffff, v44  }
0x31b: {  	v42 =	vshll.u32 v1, $0x1;
	v32 =	vld.idx.msk [tilespmem:v32+s5+$0x0], $0xffff;
	[tilespmem:v48+s14+$0x0] =	vst.idx.msk $0xffff, v46;
	v1 =	vor.u32 v18, v55  }
0x31c: {  	v17 =	vmov s19;
	v22 =	vor.u32 s19, v0;
	v21 =	vor.u32 s19, v2;
	v30 =	vld.idx.msk [tilespmem:v30+s5+$0x0], $0xffff;
	[tilespmem:$0x1FE90] =	vst v1  }
0x31d: {  	v56 =	vor.u32 s19, v4;
	v58 =	vor.u32 s19, v5;
	v59 =	vor.u32 s19, v7;
	v28 =	vld.idx.msk [tilespmem:v28+s5+$0x0], $0xffff;
	[tilespmem:v45+s14+$0x0] =	vst.idx.msk $0xffff, v41  }
0x31e: {  	v60 =	vor.u32 s19, v10;
	v61 =	vor.u32 s19, v12;
	v17 =	vshll.u32 v17, $0x4;
	v27 =	vld.idx.msk [tilespmem:v27+s5+$0x0], $0xffff;
	[tilespmem:v38+s14+$0x0] =	vst.idx.msk $0xffff, v36  }
0x31f: {  	v62 =	vor.u32 s19, v13;
	v19 =	vor.u32 s19, v15;
	v17 =	vand.u32 $0x400, v17;
	[tilespmem:v35+s14+$0x0] =	vst.idx.msk $0xffff, v37  }
0x320: {  	v57 =	vand.u32 $0x7E, v57;
	v54 =	vor.u32 s19, v6;
	v53 =	vor.u32 s19, v8;
	[tilespmem:v34+s14+$0x0] =	vst.idx.msk $0xffff, v32  }
0x321: {  	v52 =	vor.u32 s19, v11;
	v39 =	vshll.u32 v22, $0x1;
	v51 =	vor.u32 s19, v14;
	[tilespmem:v33+s14+$0x0] =	vst.idx.msk $0xffff, v30  }
0x322: {  	v40 =	vshll.u32 v21, $0x1;
	v43 =	vshll.u32 v56, $0x1;
	v44 =	vshll.u32 v58, $0x1;
	[tilespmem:v31+s14+$0x0] =	vst.idx.msk $0xffff, v28  }
0x323: {  	v46 =	vshll.u32 v59, $0x1;
	v21 =	vshll.u32 v21, $0x7;
	v49 =	vshll.u32 v54, $0x1;
	[tilespmem:v29+s14+$0x0] =	vst.idx.msk $0xffff, v27  }
0x324: {  	v50 =	vmovc v19;
	v48 =	vshll.u32 v53, $0x1;
	v35 =	vand.u32 $0x7E, v39;
	v39 =	vshll.u32 v19, $0x1;
	v19 =	vld [tilespmem:$0x1FE70]  }
0x325: {  	v55 =	vshll.u32 v52, $0x1;
	v1 =	vshll.u32 v51, $0x1;
	v17 =	vor.u32 v63, v17  }
0x326: {  	v45 =	vshll.u32 v60, $0x1;
	v36 =	vshll.u32 v61, $0x1;
	v38 =	vshll.u32 v62, $0x1  }
0x327: {  	v26 =	vld.idx.msk [tilespmem:v26+s5+$0x0], $0xffff;
	v37 =	vand.u32 $0x7E, v40;
	v40 =	vand.u32 $0x7E, v44;
	v1 =	vand.u32 $0x7E, v1  }
0x328: {  	v47 =	vor.u32 v57, v17;
	v32 =	vand.u32 $0x7E, v42;
	v34 =	vand.u32 $0x7E, v43  }
0x329: {  	v30 =	vand.u32 $0x7E, v49;
	v49 =	vand.u32 $0x7E, v55;
	v55 =	vor.u32 v32, v17  }
0x32a: {  	v57 =	vor.u32 s19, v9;
	v33 =	vand.u32 $0x7E, v46;
	v34 =	vor.u32 v34, v17  }
0x32b: {  	v42 =	vand.u32 $0x7E, v48;
	v48 =	vor.u32 v30, v17;
	v33 =	vor.u32 v33, v17  }
0x32c: {  	v41 =	vshll.u32 v57, $0x1;
	v32 =	vor.u32 v49, v17;
	[tilespmem:v19+s14+$0x0] =	vst.idx.msk $0xffff, v26;
	v26 =	vor.u32 v35, v17  }
0x32d: {  	v28 =	vand.u32 $0x7E, v41;
	v31 =	vand.u32 $0x7E, v45;
	v27 =	vand.u32 $0x7E, v36;
	v49 =	vld.idx.msk [tilespmem:v47+s5+$0x0], $0xffff  }
0x32e: {  	v29 =	vand.u32 $0x7E, v38;
	v38 =	vor.u32 v40, v17;
	v45 =	vor.u32 v42, v17;
	v42 =	vld.idx.msk [tilespmem:v55+s5+$0x0], $0xffff  }
0x32f: {  	v36 =	vand.u32 $0x7E, v39;
	v30 =	vor.u32 v27, v17;
	v27 =	vor.u32 v1, v17;
	v39 =	vld.idx.msk [tilespmem:v34+s5+$0x0], $0xffff  }
0x330: {  	v1 =	vshll.u32 v22, $0x7;
	v22 =	vshll.u32 v56, $0x7;
	v56 =	vshll.u32 v60, $0x7;
	v60 =	vld [tilespmem:$0x1FE90]  }
0x331: {  	v31 =	vor.u32 v31, v17;
	v35 =	vor.u32 v37, v17;
	v19 =	vor.u32 v28, v17;
	v47 =	vld.idx.msk [tilespmem:v26+s5+$0x0], $0xffff  }
0x332: {  	v28 =	vor.u32 v29, v17;
	v29 =	vshll.u32 v58, $0x7;
	v26 =	vor.u32 v36, v17;
	v17 =	vld [tilespmem:$0x1FE80]  }
0x333: {  	v37 =	vshll.u32 v53, $0x7;
	v58 =	vshll.u32 v61, $0x7;
	v53 =	vor.u32 v18, v21;
	v40 =	vld.idx.msk [tilespmem:v38+s5+$0x0], $0xffff  }
0x334: {  	v34 =	vshll.u32 v57, $0x7;
	v57 =	vshll.u32 v52, $0x7;
	v55 =	vshll.u32 v50, $0x7;
	v46 =	vld.idx.msk [tilespmem:v33+s5+$0x0], $0xffff  }
0x335: {  	v50 =	vor.u32 v18, v29;
	v41 =	vld.idx.msk [tilespmem:v45+s5+$0x0], $0xffff;
	v45 =	vor.u32 v18, v37;
	v33 =	vor.u32 v18, v58  }
0x336: {  	v38 =	vor.u32 v18, v34;
	v43 =	vld.idx.msk [tilespmem:v35+s5+$0x0], $0xffff;
	v35 =	vshll.u32 v54, $0x7;
	v54 =	vor.u32 v18, v1  }
0x337: {  	v44 =	vld.idx.msk [tilespmem:v48+s5+$0x0], $0xffff;
	v34 =	vor.u32 v18, v57;
	v36 =	vshll.u32 v59, $0x7;
	v17 =	vshll.u32 v17, $0x7  }
0x338: {  	v37 =	vld.idx.msk [tilespmem:v31+s5+$0x0], $0xffff;
	v59 =	vshll.u32 v62, $0x7;
	v48 =	vor.u32 v18, v36;
	v52 =	vor.u32 v18, v17  }
0x339: {  	v31 =	vor.u32 v18, v59;
	[tilespmem:v60+s14+$0x0] =	vst.idx.msk $0xffff, v49;
	v60 =	vshll.u32 v51, $0x7;
	v51 =	vor.u32 v18, v22  }
0x33a: {  	v36 =	vld.idx.msk [tilespmem:v19+s5+$0x0], $0xffff;
	v49 =	vor.u32 v18, v35;
	v35 =	vor.u32 v18, v56;
	v29 =	vor.u32 v18, v60  }
.LBB2_24:
0x33b: {  	s19 =	sadd.s32 $0x10, s19;
	[tilespmem:v54+s14+$0x0] =	vst.idx.msk $0xffff, v47;
	v1 =	vld.idx.msk [tilespmem:v32+s5+$0x0], $0xffff;
	v17 =	vor.u32 v18, v55  }
0x33c: {  	v19 =	vmov s19;
	v21 =	vor.u32 s19, v0;
	v22 =	vor.u32 s19, v2;
	p1 =	slt.u32 s19, $0x70;
	[tilespmem:v53+s14+$0x0] =	vst.idx.msk $0xffff, v43;
	v30 =	vld.idx.msk [tilespmem:v30+s5+$0x0], $0xffff  }
0x33d: {  	v53 =	vor.u32 s19, v3;
	v32 =	vor.u32 s19, v16;
	v19 =	vshll.u32 v19, $0x4;
	[tilespmem:v52+s14+$0x0] =	vst.idx.msk $0xffff, v42;
	v28 =	vld.idx.msk [tilespmem:v28+s5+$0x0], $0xffff  }
0x33e: {  	v42 =	vor.u32 s19, v4;
	v43 =	vshll.u32 v32, $0x1;
	v19 =	vand.u32 $0x400, v19;
	[tilespmem:v51+s14+$0x0] =	vst.idx.msk $0xffff, v39;
	v27 =	vld.idx.msk [tilespmem:v27+s5+$0x0], $0xffff  }
0x33f: {  	v39 =	vor.u32 s19, v5;
	v43 =	vand.u32 $0x7E, v43;
	v19 =	vor.u32 v63, v19;
	[tilespmem:v50+s14+$0x0] =	vst.idx.msk $0xffff, v40;
	v26 =	vld.idx.msk [tilespmem:v26+s5+$0x0], $0xffff  }
0x340: {  	v40 =	vor.u32 s19, v6;
	v50 =	vor.u32 s19, v7;
	v43 =	vor.u32 v43, v19;
	[tilespmem:v49+s14+$0x0] =	vst.idx.msk $0xffff, v44  }
0x341: {  	v51 =	vor.u32 s19, v10;
	v44 =	vor.u32 s19, v8;
	v49 =	vor.u32 s19, v9;
	[tilespmem:v48+s14+$0x0] =	vst.idx.msk $0xffff, v46  }
0x342: {  	v52 =	vor.u32 s19, v13;
	v46 =	vor.u32 s19, v11;
	v48 =	vor.u32 s19, v12;
	[tilespmem:v45+s14+$0x0] =	vst.idx.msk $0xffff, v41  }
0x343: {  	v55 =	vor.u32 s19, v15;
	v41 =	vshll.u32 v21, $0x1;
	v45 =	vor.u32 s19, v14;
	[tilespmem:v38+s14+$0x0] =	vst.idx.msk $0xffff, v36  }
0x344: {  	v47 =	vshll.u32 v42, $0x1;
	v36 =	vshll.u32 v22, $0x1;
	v38 =	vshll.u32 v53, $0x1;
	[tilespmem:v35+s14+$0x0] =	vst.idx.msk $0xffff, v37  }
0x345: {  	v32 =	vshll.u32 v32, $0x7;
	v35 =	vshll.u32 v39, $0x1;
	v37 =	vshll.u32 v40, $0x1;
	v43 =	vld.idx.msk [tilespmem:v43+s5+$0x0], $0xffff;
	[tilespmem:v34+s14+$0x0] =	vst.idx.msk $0xffff, v1  }
0x346: {  	v32 =	vor.u32 v18, v32;
	v1 =	vshll.u32 v50, $0x1;
	v34 =	vshll.u32 v44, $0x1;
	[tilespmem:v33+s14+$0x0] =	vst.idx.msk $0xffff, v30  }
0x347: {  	v54 =	vshll.u32 v46, $0x1;
	v30 =	vshll.u32 v49, $0x1;
	v33 =	vshll.u32 v51, $0x1;
	[tilespmem:v31+s14+$0x0] =	vst.idx.msk $0xffff, v28  }
0x348: {  	v56 =	vshll.u32 v45, $0x1;
	v28 =	vshll.u32 v48, $0x1;
	v31 =	vshll.u32 v52, $0x1;
	[tilespmem:v29+s14+$0x0] =	vst.idx.msk $0xffff, v27  }
0x349: {  	v27 =	vand.u32 $0x7E, v41;
	v29 =	vand.u32 $0x7E, v36;
	v36 =	vshll.u32 v55, $0x1;
	[tilespmem:v17+s14+$0x0] =	vst.idx.msk $0xffff, v26  }
0x34a: {  	v35 =	vand.u32 $0x7E, v35;
	v17 =	vand.u32 $0x7E, v38;
	v26 =	vand.u32 $0x7E, v47  }
0x34b: {  	v37 =	vand.u32 $0x7E, v37;
	v1 =	vand.u32 $0x7E, v1;
	v34 =	vand.u32 $0x7E, v34;
	[tilespmem:v32+s14+$0x0] =	vst.idx.msk $0xffff, v43  }
0x34c: {  	v30 =	vand.u32 $0x7E, v30;
	v32 =	vand.u32 $0x7E, v33;
	v33 =	vand.u32 $0x7E, v54  }
0x34d: {  	v28 =	vand.u32 $0x7E, v28;
	v31 =	vand.u32 $0x7E, v31;
	v38 =	vand.u32 $0x7E, v56  }
0x34e: {  	v41 =	vor.u32 v27, v19;
	v29 =	vor.u32 v29, v19;
	v36 =	vand.u32 $0x7E, v36  }
0x34f: {  	v35 =	vor.u32 v35, v19;
	v17 =	vor.u32 v17, v19;
	v54 =	vor.u32 v26, v19  }
0x350: {  	v37 =	vor.u32 v37, v19;
	v1 =	vor.u32 v1, v19;
	v34 =	vor.u32 v34, v19  }
0x351: {  	v56 =	vor.u32 v30, v19;
	v57 =	vor.u32 v32, v19;
	v32 =	vor.u32 v33, v19  }
0x352: {  	v30 =	vor.u32 v28, v19;
	v28 =	vor.u32 v31, v19;
	v27 =	vor.u32 v38, v19  }
0x353: {  	v21 =	vshll.u32 v21, $0x7;
	v22 =	vshll.u32 v22, $0x7;
	v26 =	vor.u32 v36, v19;
	v47 =	vld.idx.msk [tilespmem:v41+s5+$0x0], $0xffff  }
0x354: {  	v31 =	vshll.u32 v39, $0x7;
	v19 =	vshll.u32 v53, $0x7;
	v43 =	vld.idx.msk [tilespmem:v29+s5+$0x0], $0xffff;
	v29 =	vshll.u32 v42, $0x7  }
0x355: {  	v36 =	vshll.u32 v44, $0x7;
	v33 =	vshll.u32 v50, $0x7;
	v42 =	vld.idx.msk [tilespmem:v17+s5+$0x0], $0xffff;
	v17 =	vshll.u32 v40, $0x7  }
0x356: {  	v58 =	vshll.u32 v51, $0x7;
	v59 =	vshll.u32 v46, $0x7;
	v38 =	vshll.u32 v49, $0x7;
	v39 =	vld.idx.msk [tilespmem:v54+s5+$0x0], $0xffff  }
0x357: {  	v61 =	vshll.u32 v52, $0x7;
	v60 =	vshll.u32 v48, $0x7;
	v62 =	vshll.u32 v45, $0x7;
	v40 =	vld.idx.msk [tilespmem:v35+s5+$0x0], $0xffff  }
.Ltmp15:
0x358: {  	v55 =	vshll.u32 v55, $0x7;
	v53 =	vor.u32 v18, v22;
	v54 =	vor.u32 v18, v21;
	v44 =	vld.idx.msk [tilespmem:v37+s5+$0x0], $0xffff;
	(pc) =	sbr.rel @p1 .LBB2_24-.Ltmp15, $4  }
0x359: {  	v50 =	vor.u32 v18, v31;
	v52 =	vor.u32 v18, v19;
	v51 =	vor.u32 v18, v29;
	v46 =	vld.idx.msk [tilespmem:v1+s5+$0x0], $0xffff  }
0x35a: {  	v45 =	vor.u32 v18, v36;
	v48 =	vor.u32 v18, v33;
	v49 =	vor.u32 v18, v17;
	v41 =	vld.idx.msk [tilespmem:v34+s5+$0x0], $0xffff  }
0x35b: {  	v38 =	vor.u32 v18, v38;
	v35 =	vor.u32 v18, v58;
	v34 =	vor.u32 v18, v59;
	v36 =	vld.idx.msk [tilespmem:v56+s5+$0x0], $0xffff  }
0x35c: {  	v31 =	vor.u32 v18, v61;
	v33 =	vor.u32 v18, v60;
	v29 =	vor.u32 v18, v62;
	v37 =	vld.idx.msk [tilespmem:v57+s5+$0x0], $0xffff  }
0x35d: {  	_ = 	snop  }
0x35e: {  	s19 =	simm.s32 $0x0  }
0x35f: {  	v21 =	vor.u32 v18, v55;
	v1 =	vor.u32 s19, v2  }
0x360: {  	v17 =	vmov s19;
	v22 =	vor.u32 s19, v0;
	v23 =	vor.u32 s19, v3;
	[tilespmem:$0x1FE50] =	vst v1  }
0x361: {  	v63 =	vld [tilespmem:$0x1FFA0];
	v55 =	vor.u32 s19, v16;
	v56 =	vor.u32 s19, v4;
	v58 =	vor.u32 s19, v5;
	[tilespmem:v54+s14+$0x0] =	vst.idx.msk $0xffff, v47  }
0x362: {  	v59 =	vor.u32 s19, v7;
	v60 =	vor.u32 s19, v10;
	v61 =	vor.u32 s19, v12;
	[tilespmem:v53+s14+$0x0] =	vst.idx.msk $0xffff, v43  }
0x363: {  	v62 =	vor.u32 s19, v13;
	v19 =	vor.u32 s19, v15;
	v17 =	vshll.u32 v17, $0x4;
	[tilespmem:v52+s14+$0x0] =	vst.idx.msk $0xffff, v42  }
0x364: {  	v57 =	vshll.u32 v55, $0x1;
	v55 =	vshll.u32 v55, $0x7;
	v17 =	vand.u32 $0x400, v17;
	[tilespmem:v51+s14+$0x0] =	vst.idx.msk $0xffff, v39  }
0x365: {  	v57 =	vand.u32 $0x7E, v57;
	v54 =	vor.u32 s19, v6;
	v53 =	vor.u32 s19, v8;
	[tilespmem:v50+s14+$0x0] =	vst.idx.msk $0xffff, v40  }
0x366: {  	v52 =	vor.u32 s19, v11;
	v39 =	vshll.u32 v22, $0x1;
	v51 =	vor.u32 s19, v14;
	[tilespmem:v49+s14+$0x0] =	vst.idx.msk $0xffff, v44  }
0x367: {  	v40 =	vshll.u32 v1, $0x1;
	v42 =	vshll.u32 v23, $0x1;
	v32 =	vld.idx.msk [tilespmem:v32+s5+$0x0], $0xffff;
	[tilespmem:v48+s14+$0x0] =	vst.idx.msk $0xffff, v46;
	v1 =	vor.u32 v20, v55  }
0x368: {  	v43 =	vshll.u32 v56, $0x1;
	v44 =	vshll.u32 v58, $0x1;
	v30 =	vld.idx.msk [tilespmem:v30+s5+$0x0], $0xffff;
	v46 =	vshll.u32 v59, $0x1;
	[tilespmem:$0x1FE60] =	vst v1  }
0x369: {  	v49 =	vshll.u32 v54, $0x1;
	v48 =	vshll.u32 v53, $0x1;
	v55 =	vshll.u32 v52, $0x1;
	[tilespmem:v45+s14+$0x0] =	vst.idx.msk $0xffff, v41  }
0x36a: {  	v1 =	vshll.u32 v51, $0x1;
	v17 =	vor.u32 v63, v17;
	v45 =	vshll.u32 v60, $0x1;
	[tilespmem:v38+s14+$0x0] =	vst.idx.msk $0xffff, v36  }
0x36b: {  	v36 =	vshll.u32 v61, $0x1;
	v38 =	vshll.u32 v62, $0x1;
	[tilespmem:v35+s14+$0x0] =	vst.idx.msk $0xffff, v37;
	v35 =	vand.u32 $0x7E, v39  }
0x36c: {  	v28 =	vld.idx.msk [tilespmem:v28+s5+$0x0], $0xffff;
	v37 =	vand.u32 $0x7E, v40;
	v39 =	vshll.u32 v19, $0x1;
	v40 =	vand.u32 $0x7E, v44  }
0x36d: {  	v27 =	vld.idx.msk [tilespmem:v27+s5+$0x0], $0xffff;
	v1 =	vand.u32 $0x7E, v1;
	v47 =	vor.u32 v57, v17;
	v57 =	vor.u32 s19, v9  }
0x36e: {  	v26 =	vld.idx.msk [tilespmem:v26+s5+$0x0], $0xffff;
	v35 =	vor.u32 v35, v17;
	v41 =	vshll.u32 v57, $0x1;
	[tilespmem:v34+s14+$0x0] =	vst.idx.msk $0xffff, v32;
	v32 =	vand.u32 $0x7E, v42  }
0x36f: {  	v34 =	vand.u32 $0x7E, v43;
	[tilespmem:v33+s14+$0x0] =	vst.idx.msk $0xffff, v30;
	v30 =	vand.u32 $0x7E, v49;
	v33 =	vand.u32 $0x7E, v46  }
0x370: {  	v46 =	vand.u32 $0x7E, v48;
	v48 =	vand.u32 $0x7E, v55;
	v49 =	vor.u32 v37, v17  }
0x371: {  	v55 =	vand.u32 $0x7E, v39;
	v32 =	vor.u32 v32, v17;
	v34 =	vor.u32 v34, v17;
	[tilespmem:v31+s14+$0x0] =	vst.idx.msk $0xffff, v28  }
0x372: {  	v37 =	vshll.u32 v59, $0x7;
	v30 =	vor.u32 v30, v17;
	v33 =	vor.u32 v33, v17;
	[tilespmem:v29+s14+$0x0] =	vst.idx.msk $0xffff, v27  }
0x373: {  	v28 =	vand.u32 $0x7E, v41;
	v31 =	vand.u32 $0x7E, v45;
	v27 =	vand.u32 $0x7E, v36;
	[tilespmem:v21+s14+$0x0] =	vst.idx.msk $0xffff, v26  }
0x374: {  	v50 =	vmovc v19;
	v29 =	vand.u32 $0x7E, v38;
	v38 =	vor.u32 v40, v17;
	v26 =	vor.u32 v48, v17;
	v48 =	vld.idx.msk [tilespmem:v47+s5+$0x0], $0xffff  }
0x375: {  	v45 =	vor.u32 v46, v17;
	v19 =	vor.u32 v28, v17;
	v21 =	vor.u32 v31, v17;
	v47 =	vld.idx.msk [tilespmem:v35+s5+$0x0], $0xffff  }
0x376: {  	v31 =	vor.u32 v27, v17;
	v28 =	vor.u32 v1, v17;
	v1 =	vshll.u32 v22, $0x7;
	v22 =	vld [tilespmem:$0x1FE50]  }
0x377: {  	v29 =	vor.u32 v29, v17;
	v27 =	vor.u32 v55, v17;
	v17 =	vshll.u32 v23, $0x7;
	v23 =	vld [tilespmem:$0x1FE60]  }
0x378: {  	v59 =	vshll.u32 v61, $0x7;
	v61 =	vshll.u32 v51, $0x7;
	v36 =	vshll.u32 v58, $0x7;
	v43 =	vld.idx.msk [tilespmem:v49+s5+$0x0], $0xffff  }
0x379: {  	v58 =	vshll.u32 v52, $0x7;
	v55 =	vshll.u32 v50, $0x7;
	v50 =	vor.u32 v20, v36;
	v42 =	vld.idx.msk [tilespmem:v32+s5+$0x0], $0xffff  }
0x37a: {  	v52 =	vor.u32 v20, v17;
	v49 =	vshll.u32 v56, $0x7;
	v56 =	vshll.u32 v53, $0x7;
	v39 =	vld.idx.msk [tilespmem:v34+s5+$0x0], $0xffff  }
0x37b: {  	v32 =	vshll.u32 v54, $0x7;
	v34 =	vshll.u32 v57, $0x7;
	v57 =	vshll.u32 v60, $0x7;
	v44 =	vld.idx.msk [tilespmem:v30+s5+$0x0], $0xffff  }
0x37c: {  	v60 =	vshll.u32 v62, $0x7;
	v54 =	vor.u32 v20, v1;
	v46 =	vld.idx.msk [tilespmem:v33+s5+$0x0], $0xffff;
	v22 =	vshll.u32 v22, $0x7  }
0x37d: {  	v51 =	vor.u32 v20, v49;
	v33 =	vor.u32 v20, v59;
	v40 =	vld.idx.msk [tilespmem:v38+s5+$0x0], $0xffff;
	v53 =	vor.u32 v20, v22  }
0x37e: {  	v30 =	vor.u32 v20, v61;
	v49 =	vor.u32 v20, v32;
	v41 =	vld.idx.msk [tilespmem:v45+s5+$0x0], $0xffff;
	v45 =	vor.u32 v20, v56  }
0x37f: {  	v38 =	vor.u32 v20, v34;
	v35 =	vor.u32 v20, v57;
	v34 =	vor.u32 v20, v58;
	v36 =	vld.idx.msk [tilespmem:v21+s5+$0x0], $0xffff  }
0x380: {  	v32 =	vor.u32 v20, v60;
	[tilespmem:v23+s14+$0x0] =	vst.idx.msk $0xffff, v48;
	v48 =	vor.u32 v20, v37;
	v37 =	vld.idx.msk [tilespmem:v19+s5+$0x0], $0xffff  }
.LBB2_26:
0x381: {  	s19 =	sadd.s32 $0x10, s19;
	[tilespmem:v54+s14+$0x0] =	vst.idx.msk $0xffff, v47;
	v1 =	vld.idx.msk [tilespmem:v26+s5+$0x0], $0xffff;
	v17 =	vor.u32 v20, v55  }
0x382: {  	v19 =	vmov s19;
	v21 =	vor.u32 s19, v0;
	v22 =	vor.u32 s19, v2;
	p1 =	slt.u32 s19, $0x70;
	[tilespmem:v53+s14+$0x0] =	vst.idx.msk $0xffff, v43;
	v26 =	vld.idx.msk [tilespmem:v31+s5+$0x0], $0xffff  }
0x383: {  	v53 =	vor.u32 s19, v3;
	v31 =	vor.u32 s19, v16;
	v19 =	vshll.u32 v19, $0x4;
	[tilespmem:v52+s14+$0x0] =	vst.idx.msk $0xffff, v42;
	v29 =	vld.idx.msk [tilespmem:v29+s5+$0x0], $0xffff  }
0x384: {  	v42 =	vor.u32 s19, v4;
	v43 =	vshll.u32 v31, $0x1;
	v19 =	vand.u32 $0x400, v19;
	[tilespmem:v51+s14+$0x0] =	vst.idx.msk $0xffff, v39;
	v28 =	vld.idx.msk [tilespmem:v28+s5+$0x0], $0xffff  }
0x385: {  	v39 =	vor.u32 s19, v5;
	v43 =	vand.u32 $0x7E, v43;
	v19 =	vor.u32 v63, v19;
	[tilespmem:v50+s14+$0x0] =	vst.idx.msk $0xffff, v40;
	v27 =	vld.idx.msk [tilespmem:v27+s5+$0x0], $0xffff  }
0x386: {  	v40 =	vor.u32 s19, v6;
	v50 =	vor.u32 s19, v7;
	v43 =	vor.u32 v43, v19;
	[tilespmem:v49+s14+$0x0] =	vst.idx.msk $0xffff, v44  }
0x387: {  	v51 =	vor.u32 s19, v10;
	v44 =	vor.u32 s19, v8;
	v49 =	vor.u32 s19, v9;
	[tilespmem:v48+s14+$0x0] =	vst.idx.msk $0xffff, v46  }
0x388: {  	v52 =	vor.u32 s19, v13;
	v46 =	vor.u32 s19, v11;
	v48 =	vor.u32 s19, v12;
	[tilespmem:v45+s14+$0x0] =	vst.idx.msk $0xffff, v41  }
0x389: {  	v55 =	vor.u32 s19, v15;
	v41 =	vshll.u32 v21, $0x1;
	v45 =	vor.u32 s19, v14;
	[tilespmem:v38+s14+$0x0] =	vst.idx.msk $0xffff, v37  }
0x38a: {  	v47 =	vshll.u32 v42, $0x1;
	v37 =	vshll.u32 v22, $0x1;
	v38 =	vshll.u32 v53, $0x1;
	[tilespmem:v35+s14+$0x0] =	vst.idx.msk $0xffff, v36  }
0x38b: {  	v31 =	vshll.u32 v31, $0x7;
	v35 =	vshll.u32 v39, $0x1;
	v36 =	vshll.u32 v40, $0x1;
	v43 =	vld.idx.msk [tilespmem:v43+s5+$0x0], $0xffff;
	[tilespmem:v34+s14+$0x0] =	vst.idx.msk $0xffff, v1  }
0x38c: {  	v31 =	vor.u32 v20, v31;
	v1 =	vshll.u32 v50, $0x1;
	v34 =	vshll.u32 v44, $0x1;
	[tilespmem:v33+s14+$0x0] =	vst.idx.msk $0xffff, v26  }
0x38d: {  	v54 =	vshll.u32 v46, $0x1;
	v26 =	vshll.u32 v49, $0x1;
	v33 =	vshll.u32 v51, $0x1;
	[tilespmem:v32+s14+$0x0] =	vst.idx.msk $0xffff, v29  }
0x38e: {  	v56 =	vshll.u32 v45, $0x1;
	v29 =	vshll.u32 v48, $0x1;
	v32 =	vshll.u32 v52, $0x1;
	[tilespmem:v30+s14+$0x0] =	vst.idx.msk $0xffff, v28  }
0x38f: {  	v28 =	vand.u32 $0x7E, v41;
	v30 =	vand.u32 $0x7E, v37;
	v37 =	vshll.u32 v55, $0x1;
	[tilespmem:v17+s14+$0x0] =	vst.idx.msk $0xffff, v27  }
0x390: {  	v35 =	vand.u32 $0x7E, v35;
	v17 =	vand.u32 $0x7E, v38;
	v27 =	vand.u32 $0x7E, v47  }
0x391: {  	v36 =	vand.u32 $0x7E, v36;
	v1 =	vand.u32 $0x7E, v1;
	v34 =	vand.u32 $0x7E, v34;
	[tilespmem:v31+s14+$0x0] =	vst.idx.msk $0xffff, v43  }
0x392: {  	v26 =	vand.u32 $0x7E, v26;
	v31 =	vand.u32 $0x7E, v33;
	v33 =	vand.u32 $0x7E, v54  }
0x393: {  	v29 =	vand.u32 $0x7E, v29;
	v32 =	vand.u32 $0x7E, v32;
	v38 =	vand.u32 $0x7E, v56  }
0x394: {  	v41 =	vor.u32 v28, v19;
	v30 =	vor.u32 v30, v19;
	v37 =	vand.u32 $0x7E, v37  }
0x395: {  	v35 =	vor.u32 v35, v19;
	v17 =	vor.u32 v17, v19;
	v54 =	vor.u32 v27, v19  }
0x396: {  	v36 =	vor.u32 v36, v19;
	v1 =	vor.u32 v1, v19;
	v34 =	vor.u32 v34, v19  }
0x397: {  	v56 =	vor.u32 v26, v19;
	v57 =	vor.u32 v31, v19;
	v26 =	vor.u32 v33, v19  }
0x398: {  	v28 =	vor.u32 v38, v19;
	v31 =	vor.u32 v29, v19;
	v29 =	vor.u32 v32, v19  }
0x399: {  	v21 =	vshll.u32 v21, $0x7;
	v22 =	vshll.u32 v22, $0x7;
	v27 =	vor.u32 v37, v19;
	v47 =	vld.idx.msk [tilespmem:v41+s5+$0x0], $0xffff  }
0x39a: {  	v19 =	vshll.u32 v53, $0x7;
	v32 =	vshll.u32 v39, $0x7;
	v43 =	vld.idx.msk [tilespmem:v30+s5+$0x0], $0xffff;
	v30 =	vshll.u32 v42, $0x7  }
0x39b: {  	v37 =	vshll.u32 v44, $0x7;
	v33 =	vshll.u32 v50, $0x7;
	v42 =	vld.idx.msk [tilespmem:v17+s5+$0x0], $0xffff;
	v17 =	vshll.u32 v40, $0x7  }
0x39c: {  	v58 =	vshll.u32 v51, $0x7;
	v59 =	vshll.u32 v46, $0x7;
	v38 =	vshll.u32 v49, $0x7;
	v39 =	vld.idx.msk [tilespmem:v54+s5+$0x0], $0xffff  }
0x39d: {  	v61 =	vshll.u32 v52, $0x7;
	v60 =	vshll.u32 v48, $0x7;
	v62 =	vshll.u32 v45, $0x7;
	v40 =	vld.idx.msk [tilespmem:v35+s5+$0x0], $0xffff  }
.Ltmp16:
0x39e: {  	v55 =	vshll.u32 v55, $0x7;
	v53 =	vor.u32 v20, v22;
	v54 =	vor.u32 v20, v21;
	v44 =	vld.idx.msk [tilespmem:v36+s5+$0x0], $0xffff;
	(pc) =	sbr.rel @p1 .LBB2_26-.Ltmp16, $4  }
0x39f: {  	v52 =	vor.u32 v20, v19;
	v50 =	vor.u32 v20, v32;
	v51 =	vor.u32 v20, v30;
	v46 =	vld.idx.msk [tilespmem:v1+s5+$0x0], $0xffff  }
0x3a0: {  	v45 =	vor.u32 v20, v37;
	v48 =	vor.u32 v20, v33;
	v49 =	vor.u32 v20, v17;
	v41 =	vld.idx.msk [tilespmem:v34+s5+$0x0], $0xffff  }
0x3a1: {  	v38 =	vor.u32 v20, v38;
	v35 =	vor.u32 v20, v58;
	v34 =	vor.u32 v20, v59;
	v37 =	vld.idx.msk [tilespmem:v56+s5+$0x0], $0xffff  }
0x3a2: {  	v33 =	vor.u32 v20, v60;
	v32 =	vor.u32 v20, v61;
	v30 =	vor.u32 v20, v62;
	v36 =	vld.idx.msk [tilespmem:v57+s5+$0x0], $0xffff  }
0x3a3: {  	s19 =	simm.s32 $0x0  }
0x3a4: {  	v21 =	vor.u32 v20, v55;
	v1 =	vor.u32 s19, v2  }
0x3a5: {  	v17 =	vmov s19;
	v22 =	vor.u32 s19, v0;
	v19 =	vor.u32 s19, v3;
	[tilespmem:$0x1FE30] =	vst v1  }
0x3a6: {  	v55 =	vor.u32 s19, v16;
	v56 =	vor.u32 s19, v4;
	v58 =	vor.u32 s19, v5;
	[tilespmem:$0x1FE40] =	vst v19  }
0x3a7: {  	v23 =	vld [tilespmem:$0x1FFB0];
	v59 =	vor.u32 s19, v7;
	v60 =	vor.u32 s19, v10;
	v61 =	vor.u32 s19, v12;
	[tilespmem:v54+s14+$0x0] =	vst.idx.msk $0xffff, v47  }
0x3a8: {  	v62 =	vor.u32 s19, v13;
	v63 =	vor.u32 s19, v15;
	v17 =	vshll.u32 v17, $0x4;
	[tilespmem:v53+s14+$0x0] =	vst.idx.msk $0xffff, v43  }
0x3a9: {  	v57 =	vshll.u32 v55, $0x1;
	v55 =	vshll.u32 v55, $0x7;
	v17 =	vand.u32 $0x400, v17;
	[tilespmem:v52+s14+$0x0] =	vst.idx.msk $0xffff, v42  }
0x3aa: {  	v57 =	vand.u32 $0x7E, v57;
	v54 =	vor.u32 s19, v6;
	v53 =	vor.u32 s19, v8;
	[tilespmem:v51+s14+$0x0] =	vst.idx.msk $0xffff, v39  }
0x3ab: {  	v52 =	vor.u32 s19, v11;
	v39 =	vshll.u32 v22, $0x1;
	v51 =	vor.u32 s19, v14;
	[tilespmem:v50+s14+$0x0] =	vst.idx.msk $0xffff, v40  }
0x3ac: {  	v40 =	vshll.u32 v1, $0x1;
	v42 =	vshll.u32 v19, $0x1;
	v43 =	vshll.u32 v56, $0x1;
	[tilespmem:v49+s14+$0x0] =	vst.idx.msk $0xffff, v44  }
0x3ad: {  	v50 =	vld.idx.msk [tilespmem:v26+s5+$0x0], $0xffff;
	v26 =	vor.u32 $0x30, v0;
	v44 =	vshll.u32 v58, $0x1;
	[tilespmem:v48+s14+$0x0] =	vst.idx.msk $0xffff, v46;
	v48 =	vshll.u32 v59, $0x1  }
0x3ae: {  	v31 =	vld.idx.msk [tilespmem:v31+s5+$0x0], $0xffff;
	[tilespmem:v38+s14+$0x0] =	vst.idx.msk $0xffff, v37;
	v38 =	vshll.u32 v61, $0x1;
	v1 =	vshll.u32 v62, $0x1;
	v46 =	vshll.u32 v54, $0x1  }
0x3af: {  	v29 =	vld.idx.msk [tilespmem:v29+s5+$0x0], $0xffff;
	[tilespmem:v45+s14+$0x0] =	vst.idx.msk $0xffff, v41;
	v49 =	vor.u32 v26, v55;
	v41 =	vshll.u32 v53, $0x1;
	v55 =	vshll.u32 v60, $0x1  }
0x3b0: {  	v28 =	vld.idx.msk [tilespmem:v28+s5+$0x0], $0xffff;
	v37 =	vshll.u32 v52, $0x1;
	[tilespmem:v35+s14+$0x0] =	vst.idx.msk $0xffff, v36;
	v35 =	vand.u32 $0x7E, v39;
	v17 =	vor.u32 v23, v17  }
0x3b1: {  	v27 =	vld.idx.msk [tilespmem:v27+s5+$0x0], $0xffff;
	v36 =	vshll.u32 v51, $0x1;
	v47 =	vor.u32 v57, v17;
	v57 =	vor.u32 s19, v9  }
0x3b2: {  	v39 =	vshll.u32 v63, $0x1;
	v1 =	vand.u32 $0x7E, v1;
	v45 =	vshll.u32 v57, $0x1;
	[tilespmem:v34+s14+$0x0] =	vst.idx.msk $0xffff, v50  }
0x3b3: {  	v57 =	vshll.u32 v57, $0x7;
	v34 =	vand.u32 $0x7E, v40;
	v40 =	vand.u32 $0x7E, v42;
	[tilespmem:v33+s14+$0x0] =	vst.idx.msk $0xffff, v31  }
0x3b4: {  	v42 =	vand.u32 $0x7E, v43;
	v31 =	vand.u32 $0x7E, v44;
	v33 =	vand.u32 $0x7E, v46;
	[tilespmem:v32+s14+$0x0] =	vst.idx.msk $0xffff, v29  }
0x3b5: {  	v46 =	vand.u32 $0x7E, v48;
	v29 =	vand.u32 $0x7E, v41;
	v32 =	vand.u32 $0x7E, v45;
	[tilespmem:v30+s14+$0x0] =	vst.idx.msk $0xffff, v28  }
0x3b6: {  	v48 =	vand.u32 $0x7E, v55;
	v28 =	vand.u32 $0x7E, v37;
	[tilespmem:v21+s14+$0x0] =	vst.idx.msk $0xffff, v27;
	v27 =	vor.u32 v35, v17  }
0x3b7: {  	v30 =	vand.u32 $0x7E, v38;
	v35 =	vand.u32 $0x7E, v36;
	v50 =	vand.u32 $0x7E, v39  }
0x3b8: {  	v34 =	vor.u32 v34, v17;
	v37 =	vor.u32 v40, v17;
	v55 =	vor.u32 v42, v17  }
0x3b9: {  	v44 =	vor.u32 v29, v17;
	v29 =	vor.u32 v1, v17;
	v1 =	vshll.u32 v22, $0x7;
	v22 =	vld [tilespmem:$0x1FE40]  }
0x3ba: {  	v31 =	vor.u32 v31, v17;
	v33 =	vor.u32 v33, v17;
	v21 =	vor.u32 v48, v17;
	v48 =	vld.idx.msk [tilespmem:v47+s5+$0x0], $0xffff  }
0x3bb: {  	v39 =	vor.u32 v46, v17;
	v19 =	vor.u32 v32, v17;
	v32 =	vor.u32 v28, v17;
	v47 =	vld.idx.msk [tilespmem:v27+s5+$0x0], $0xffff  }
0x3bc: {  	v30 =	vor.u32 v30, v17;
	v28 =	vor.u32 v35, v17;
	v27 =	vor.u32 v50, v17;
	v17 =	vld [tilespmem:$0x1FE30]  }
0x3bd: {  	v36 =	vshll.u32 v54, $0x7;
	v35 =	vshll.u32 v58, $0x7;
	v46 =	vshll.u32 v53, $0x7;
	v43 =	vld.idx.msk [tilespmem:v34+s5+$0x0], $0xffff  }
0x3be: {  	v58 =	vshll.u32 v60, $0x7;
	v60 =	vshll.u32 v62, $0x7;
	v54 =	vor.u32 v26, v1;
	v42 =	vld.idx.msk [tilespmem:v37+s5+$0x0], $0xffff  }
0x3bf: {  	v46 =	vor.u32 v26, v46;
	v50 =	vshll.u32 v56, $0x7;
	v56 =	vshll.u32 v63, $0x7;
	v40 =	vld.idx.msk [tilespmem:v55+s5+$0x0], $0xffff  }
0x3c0: {  	v22 =	vshll.u32 v22, $0x7;
	v37 =	vshll.u32 v59, $0x7;
	v38 =	vld.idx.msk [tilespmem:v31+s5+$0x0], $0xffff;
	v31 =	vshll.u32 v52, $0x7  }
0x3c1: {  	v59 =	vshll.u32 v61, $0x7;
	v41 =	vld.idx.msk [tilespmem:v33+s5+$0x0], $0xffff;
	v55 =	vshll.u32 v51, $0x7;
	v17 =	vshll.u32 v17, $0x7  }
0x3c2: {  	v51 =	vor.u32 v26, v50;
	v45 =	vld.idx.msk [tilespmem:v39+s5+$0x0], $0xffff;
	v50 =	vor.u32 v26, v35;
	v53 =	vor.u32 v26, v17  }
0x3c3: {  	v44 =	vld.idx.msk [tilespmem:v44+s5+$0x0], $0xffff;
	v39 =	vor.u32 v26, v57;
	v35 =	vor.u32 v26, v58;
	v52 =	vor.u32 v26, v22  }
0x3c4: {  	v34 =	vor.u32 v26, v31;
	[tilespmem:v49+s14+$0x0] =	vst.idx.msk $0xffff, v48;
	v48 =	vor.u32 v26, v37;
	v37 =	vld.idx.msk [tilespmem:v19+s5+$0x0], $0xffff  }
0x3c5: {  	v33 =	vor.u32 v26, v59;
	v31 =	vor.u32 v26, v60;
	v49 =	vor.u32 v26, v36;
	v36 =	vld.idx.msk [tilespmem:v21+s5+$0x0], $0xffff  }
.LBB2_28:
0x3c6: {  	s19 =	sadd.s32 $0x10, s19;
	[tilespmem:v54+s14+$0x0] =	vst.idx.msk $0xffff, v47;
	v1 =	vld.idx.msk [tilespmem:v32+s5+$0x0], $0xffff;
	v17 =	vor.u32 v26, v55;
	v19 =	vor.u32 v26, v56  }
0x3c7: {  	v21 =	vmov s19;
	v22 =	vor.u32 s19, v0;
	v54 =	vor.u32 s19, v2;
	p1 =	slt.u32 s19, $0x70;
	[tilespmem:v53+s14+$0x0] =	vst.idx.msk $0xffff, v43;
	v30 =	vld.idx.msk [tilespmem:v30+s5+$0x0], $0xffff  }
0x3c8: {  	v53 =	vor.u32 s19, v3;
	v32 =	vor.u32 s19, v16;
	v21 =	vshll.u32 v21, $0x4;
	[tilespmem:v52+s14+$0x0] =	vst.idx.msk $0xffff, v42;
	v29 =	vld.idx.msk [tilespmem:v29+s5+$0x0], $0xffff  }
0x3c9: {  	v42 =	vor.u32 s19, v4;
	v43 =	vshll.u32 v32, $0x1;
	v21 =	vand.u32 $0x400, v21;
	[tilespmem:v51+s14+$0x0] =	vst.idx.msk $0xffff, v40;
	v28 =	vld.idx.msk [tilespmem:v28+s5+$0x0], $0xffff  }
0x3ca: {  	v40 =	vor.u32 s19, v5;
	v43 =	vand.u32 $0x7E, v43;
	v21 =	vor.u32 v23, v21;
	[tilespmem:v50+s14+$0x0] =	vst.idx.msk $0xffff, v38;
	v27 =	vld.idx.msk [tilespmem:v27+s5+$0x0], $0xffff  }
0x3cb: {  	v38 =	vor.u32 s19, v6;
	v50 =	vor.u32 s19, v7;
	v43 =	vor.u32 v43, v21;
	[tilespmem:v49+s14+$0x0] =	vst.idx.msk $0xffff, v41  }
0x3cc: {  	v51 =	vor.u32 s19, v10;
	v41 =	vor.u32 s19, v8;
	v49 =	vor.u32 s19, v9;
	[tilespmem:v48+s14+$0x0] =	vst.idx.msk $0xffff, v45  }
0x3cd: {  	v52 =	vor.u32 s19, v13;
	v45 =	vor.u32 s19, v11;
	v48 =	vor.u32 s19, v12;
	[tilespmem:v46+s14+$0x0] =	vst.idx.msk $0xffff, v44  }
0x3ce: {  	v56 =	vor.u32 s19, v15;
	v44 =	vshll.u32 v22, $0x1;
	v46 =	vor.u32 s19, v14;
	[tilespmem:v39+s14+$0x0] =	vst.idx.msk $0xffff, v37  }
0x3cf: {  	v47 =	vshll.u32 v42, $0x1;
	v37 =	vshll.u32 v54, $0x1;
	v39 =	vshll.u32 v53, $0x1;
	[tilespmem:v35+s14+$0x0] =	vst.idx.msk $0xffff, v36  }
0x3d0: {  	v32 =	vshll.u32 v32, $0x7;
	v35 =	vshll.u32 v40, $0x1;
	v36 =	vld.idx.msk [tilespmem:v43+s5+$0x0], $0xffff;
	[tilespmem:v34+s14+$0x0] =	vst.idx.msk $0xffff, v1  }
0x3d1: {  	v32 =	vor.u32 v26, v32;
	v1 =	vshll.u32 v38, $0x1;
	v34 =	vshll.u32 v50, $0x1;
	[tilespmem:v33+s14+$0x0] =	vst.idx.msk $0xffff, v30  }
0x3d2: {  	v43 =	vshll.u32 v51, $0x1;
	v30 =	vshll.u32 v41, $0x1;
	v33 =	vshll.u32 v49, $0x1;
	[tilespmem:v31+s14+$0x0] =	vst.idx.msk $0xffff, v29  }
0x3d3: {  	v55 =	vshll.u32 v52, $0x1;
	v29 =	vshll.u32 v45, $0x1;
	v31 =	vshll.u32 v48, $0x1;
	[tilespmem:v17+s14+$0x0] =	vst.idx.msk $0xffff, v28  }
0x3d4: {  	v17 =	vand.u32 $0x7E, v44;
	v28 =	vshll.u32 v46, $0x1;
	v44 =	vshll.u32 v56, $0x1;
	[tilespmem:v19+s14+$0x0] =	vst.idx.msk $0xffff, v27  }
0x3d5: {  	v19 =	vand.u32 $0x7E, v37;
	v27 =	vand.u32 $0x7E, v39;
	v37 =	vand.u32 $0x7E, v47  }
0x3d6: {  	v35 =	vand.u32 $0x7E, v35;
	v1 =	vand.u32 $0x7E, v1;
	v34 =	vand.u32 $0x7E, v34;
	[tilespmem:v32+s14+$0x0] =	vst.idx.msk $0xffff, v36  }
0x3d7: {  	v30 =	vand.u32 $0x7E, v30;
	v32 =	vand.u32 $0x7E, v33;
	v33 =	vand.u32 $0x7E, v43  }
0x3d8: {  	v29 =	vand.u32 $0x7E, v29;
	v31 =	vand.u32 $0x7E, v31;
	v36 =	vand.u32 $0x7E, v55  }
0x3d9: {  	v17 =	vor.u32 v17, v21;
	v28 =	vand.u32 $0x7E, v28;
	v39 =	vand.u32 $0x7E, v44  }
0x3da: {  	v19 =	vor.u32 v19, v21;
	v44 =	vor.u32 v27, v21;
	v37 =	vor.u32 v37, v21  }
0x3db: {  	v35 =	vor.u32 v35, v21;
	v1 =	vor.u32 v1, v21;
	v34 =	vor.u32 v34, v21  }
0x3dc: {  	v57 =	vor.u32 v30, v21;
	v58 =	vor.u32 v32, v21;
	v33 =	vor.u32 v33, v21  }
0x3dd: {  	v30 =	vor.u32 v31, v21;
	v32 =	vor.u32 v29, v21;
	v29 =	vor.u32 v36, v21  }
0x3de: {  	v28 =	vor.u32 v28, v21;
	v27 =	vor.u32 v39, v21;
	v47 =	vld.idx.msk [tilespmem:v17+s5+$0x0], $0xffff;
	v17 =	vshll.u32 v22, $0x7  }
0x3df: {  	v21 =	vshll.u32 v53, $0x7;
	v22 =	vshll.u32 v42, $0x7;
	v43 =	vld.idx.msk [tilespmem:v19+s5+$0x0], $0xffff;
	v19 =	vshll.u32 v54, $0x7  }
0x3e0: {  	v31 =	vshll.u32 v40, $0x7;
	v39 =	vshll.u32 v50, $0x7;
	v36 =	vshll.u32 v38, $0x7;
	v42 =	vld.idx.msk [tilespmem:v44+s5+$0x0], $0xffff  }
0x3e1: {  	v60 =	vshll.u32 v51, $0x7;
	v59 =	vshll.u32 v49, $0x7;
	v40 =	vld.idx.msk [tilespmem:v37+s5+$0x0], $0xffff;
	v37 =	vshll.u32 v41, $0x7  }
0x3e2: {  	v63 =	vshll.u32 v52, $0x7;
	v61 =	vshll.u32 v45, $0x7;
	v62 =	vshll.u32 v48, $0x7;
	v38 =	vld.idx.msk [tilespmem:v35+s5+$0x0], $0xffff  }
.Ltmp17:
0x3e3: {  	v56 =	vshll.u32 v56, $0x7;
	v55 =	vshll.u32 v46, $0x7;
	v54 =	vor.u32 v26, v17;
	v41 =	vld.idx.msk [tilespmem:v1+s5+$0x0], $0xffff;
	(pc) =	sbr.rel @p1 .LBB2_28-.Ltmp17, $4  }
0x3e4: {  	v52 =	vor.u32 v26, v21;
	v51 =	vor.u32 v26, v22;
	v53 =	vor.u32 v26, v19;
	v45 =	vld.idx.msk [tilespmem:v34+s5+$0x0], $0xffff  }
0x3e5: {  	v50 =	vor.u32 v26, v31;
	v48 =	vor.u32 v26, v39;
	v49 =	vor.u32 v26, v36;
	v44 =	vld.idx.msk [tilespmem:v57+s5+$0x0], $0xffff  }
0x3e6: {  	v39 =	vor.u32 v26, v59;
	v46 =	vor.u32 v26, v37;
	v35 =	vor.u32 v26, v60;
	v37 =	vld.idx.msk [tilespmem:v58+s5+$0x0], $0xffff  }
0x3e7: {  	v31 =	vor.u32 v26, v63;
	v34 =	vor.u32 v26, v61;
	v36 =	vld.idx.msk [tilespmem:v33+s5+$0x0], $0xffff;
	v33 =	vor.u32 v26, v62  }
0x3e8: {  	_ = 	snop  }
0x3e9: {  	s19 =	simm.s32 $0x0  }
0x3ea: {  	v17 =	vor.u32 v26, v55;
	v1 =	vor.u32 v26, v56;
	v19 =	vmov s19  }
0x3eb: {  	v22 =	vor.u32 s19, v0;
	v24 =	vor.u32 s19, v2;
	v55 =	vor.u32 s19, v3  }
0x3ec: {  	v23 =	vld [tilespmem:$0x1FFE0];
	[tilespmem:v54+s14+$0x0] =	vst.idx.msk $0xffff, v47;
	v56 =	vor.u32 s19, v16;
	v57 =	vor.u32 s19, v4;
	v58 =	vor.u32 s19, v5  }
0x3ed: {  	[tilespmem:v53+s14+$0x0] =	vst.idx.msk $0xffff, v43;
	v54 =	vor.u32 s19, v6;
	v59 =	vor.u32 s19, v7;
	v53 =	vor.u32 s19, v8  }
0x3ee: {  	[tilespmem:v52+s14+$0x0] =	vst.idx.msk $0xffff, v42;
	v60 =	vor.u32 s19, v9;
	v61 =	vor.u32 s19, v10;
	v52 =	vor.u32 s19, v11  }
0x3ef: {  	[tilespmem:v51+s14+$0x0] =	vst.idx.msk $0xffff, v40;
	v62 =	vor.u32 s19, v12;
	v63 =	vor.u32 s19, v13;
	v51 =	vor.u32 s19, v14  }
0x3f0: {  	[tilespmem:v50+s14+$0x0] =	vst.idx.msk $0xffff, v38;
	v21 =	vor.u32 s19, v15;
	v19 =	vshll.u32 v19, $0x4;
	v26 =	vshll.u32 v56, $0x1  }
0x3f1: {  	[tilespmem:v49+s14+$0x0] =	vst.idx.msk $0xffff, v41;
	v40 =	vshll.u32 v22, $0x1;
	v38 =	vshll.u32 v24, $0x1;
	v42 =	vshll.u32 v55, $0x1  }
0x3f2: {  	v32 =	vld.idx.msk [tilespmem:v32+s5+$0x0], $0xffff;
	[tilespmem:v48+s14+$0x0] =	vst.idx.msk $0xffff, v45;
	v43 =	vshll.u32 v57, $0x1;
	v41 =	vshll.u32 v58, $0x1;
	v56 =	vshll.u32 v56, $0x7  }
0x3f3: {  	v30 =	vld.idx.msk [tilespmem:v30+s5+$0x0], $0xffff;
	v45 =	vshll.u32 v54, $0x1;
	v48 =	vshll.u32 v59, $0x1;
	[tilespmem:v46+s14+$0x0] =	vst.idx.msk $0xffff, v44;
	v44 =	vshll.u32 v53, $0x1  }
0x3f4: {  	v29 =	vld.idx.msk [tilespmem:v29+s5+$0x0], $0xffff;
	v46 =	vshll.u32 v60, $0x1;
	v50 =	vshll.u32 v61, $0x1;
	v19 =	vand.u32 $0x400, v19  }
0x3f5: {  	v28 =	vld.idx.msk [tilespmem:v28+s5+$0x0], $0xffff;
	v26 =	vand.u32 $0x7E, v26;
	[tilespmem:v39+s14+$0x0] =	vst.idx.msk $0xffff, v37;
	v37 =	vshll.u32 v52, $0x1;
	v39 =	vshll.u32 v62, $0x1  }
0x3f6: {  	[tilespmem:v35+s14+$0x0] =	vst.idx.msk $0xffff, v36;
	v35 =	vand.u32 $0x7E, v40;
	v36 =	vshll.u32 v51, $0x1;
	v40 =	vshll.u32 v21, $0x1  }
0x3f7: {  	v27 =	vld.idx.msk [tilespmem:v27+s5+$0x0], $0xffff;
	v19 =	vor.u32 v23, v19;
	[tilespmem:v34+s14+$0x0] =	vst.idx.msk $0xffff, v32;
	v32 =	vand.u32 $0x7E, v38;
	v34 =	vand.u32 $0x7E, v42  }
0x3f8: {  	v38 =	vand.u32 $0x7E, v43;
	[tilespmem:v33+s14+$0x0] =	vst.idx.msk $0xffff, v30;
	v30 =	vand.u32 $0x7E, v41;
	v33 =	vand.u32 $0x7E, v45  }
0x3f9: {  	v41 =	vand.u32 $0x7E, v48;
	[tilespmem:v31+s14+$0x0] =	vst.idx.msk $0xffff, v29;
	v29 =	vand.u32 $0x7E, v44;
	v31 =	vand.u32 $0x7E, v46  }
0x3fa: {  	v48 =	vand.u32 $0x7E, v50;
	[tilespmem:v17+s14+$0x0] =	vst.idx.msk $0xffff, v28;
	v17 =	vand.u32 $0x7E, v37;
	v28 =	vand.u32 $0x7E, v39  }
0x3fb: {  	v50 =	vand.u32 $0x7E, v40;
	v39 =	vshll.u32 v53, $0x7;
	v47 =	vor.u32 v26, v19  }
0x3fc: {  	[tilespmem:v1+s14+$0x0] =	vst.idx.msk $0xffff, v27;
	v26 =	vor.u32 $0x40, v0;
	v27 =	vor.u32 v35, v19;
	v35 =	vand.u32 $0x7E, v36  }
0x3fd: {  	v34 =	vor.u32 v34, v19;
	v38 =	vor.u32 v38, v19;
	v44 =	vor.u32 v30, v19  }
0x3fe: {  	v33 =	vor.u32 v33, v19;
	v45 =	vor.u32 v41, v19;
	v46 =	vor.u32 v29, v19  }
0x3ff: {  	v31 =	vor.u32 v31, v19;
	v1 =	vor.u32 v48, v19;
	v30 =	vor.u32 v28, v19  }
0x400: {  	v36 =	vshll.u32 v54, $0x7;
	v49 =	vor.u32 v26, v56;
	v56 =	vshll.u32 v63, $0x1  }
0x401: {  	v28 =	vor.u32 v35, v19;
	v37 =	vand.u32 $0x7E, v56;
	v56 =	vor.u32 v32, v19;
	v48 =	vld.idx.msk [tilespmem:v47+s5+$0x0], $0xffff  }
0x402: {  	v32 =	vor.u32 v17, v19;
	v17 =	vshll.u32 v22, $0x7;
	v22 =	vshll.u32 v55, $0x7;
	v47 =	vld.idx.msk [tilespmem:v27+s5+$0x0], $0xffff  }
0x403: {  	v55 =	vshll.u32 v51, $0x7;
	v29 =	vor.u32 v37, v19;
	v37 =	vshll.u32 v59, $0x7;
	v42 =	vld.idx.msk [tilespmem:v34+s5+$0x0], $0xffff  }
0x404: {  	v59 =	vshll.u32 v52, $0x7;
	v54 =	vor.u32 v26, v17;
	v52 =	vor.u32 v26, v22;
	v40 =	vld.idx.msk [tilespmem:v38+s5+$0x0], $0xffff  }
0x405: {  	v27 =	vor.u32 v50, v19;
	v19 =	vshll.u32 v24, $0x7;
	v50 =	vshll.u32 v57, $0x7;
	v38 =	vld.idx.msk [tilespmem:v44+s5+$0x0], $0xffff  }
0x406: {  	v34 =	vshll.u32 v58, $0x7;
	v57 =	vshll.u32 v60, $0x7;
	v58 =	vshll.u32 v61, $0x7;
	v41 =	vld.idx.msk [tilespmem:v33+s5+$0x0], $0xffff  }
0x407: {  	v60 =	vshll.u32 v62, $0x7;
	v61 =	vshll.u32 v63, $0x7;
	v44 =	vld.idx.msk [tilespmem:v46+s5+$0x0], $0xffff;
	v46 =	vor.u32 v26, v39  }
0x408: {  	v53 =	vor.u32 v26, v19;
	v51 =	vor.u32 v26, v50;
	v50 =	vor.u32 v26, v34;
	v43 =	vld.idx.msk [tilespmem:v56+s5+$0x0], $0xffff  }
0x409: {  	v45 =	vld.idx.msk [tilespmem:v45+s5+$0x0], $0xffff;
	v39 =	vor.u32 v26, v57;
	v35 =	vor.u32 v26, v58;
	v34 =	vor.u32 v26, v59  }
0x40a: {  	v33 =	vor.u32 v26, v60;
	[tilespmem:v49+s14+$0x0] =	vst.idx.msk $0xffff, v48;
	v48 =	vor.u32 v26, v37;
	v37 =	vld.idx.msk [tilespmem:v31+s5+$0x0], $0xffff  }
0x40b: {  	v56 =	vshll.u32 v21, $0x7;
	v49 =	vor.u32 v26, v36;
	v36 =	vld.idx.msk [tilespmem:v1+s5+$0x0], $0xffff;
	v31 =	vor.u32 v26, v61  }
.LBB2_30:
0x40c: {  	s19 =	sadd.s32 $0x10, s19;
	[tilespmem:v54+s14+$0x0] =	vst.idx.msk $0xffff, v47;
	v1 =	vld.idx.msk [tilespmem:v32+s5+$0x0], $0xffff;
	v17 =	vor.u32 v26, v55;
	v19 =	vor.u32 v26, v56  }
0x40d: {  	v21 =	vmov s19;
	v22 =	vor.u32 s19, v0;
	v54 =	vor.u32 s19, v2;
	p1 =	slt.u32 s19, $0x70;
	[tilespmem:v53+s14+$0x0] =	vst.idx.msk $0xffff, v43;
	v30 =	vld.idx.msk [tilespmem:v30+s5+$0x0], $0xffff  }
0x40e: {  	v53 =	vor.u32 s19, v3;
	v32 =	vor.u32 s19, v16;
	v21 =	vshll.u32 v21, $0x4;
	[tilespmem:v52+s14+$0x0] =	vst.idx.msk $0xffff, v42;
	v29 =	vld.idx.msk [tilespmem:v29+s5+$0x0], $0xffff  }
0x40f: {  	v42 =	vor.u32 s19, v4;
	v43 =	vshll.u32 v32, $0x1;
	v21 =	vand.u32 $0x400, v21;
	[tilespmem:v51+s14+$0x0] =	vst.idx.msk $0xffff, v40;
	v28 =	vld.idx.msk [tilespmem:v28+s5+$0x0], $0xffff  }
0x410: {  	v40 =	vor.u32 s19, v5;
	v43 =	vand.u32 $0x7E, v43;
	v21 =	vor.u32 v23, v21;
	[tilespmem:v50+s14+$0x0] =	vst.idx.msk $0xffff, v38;
	v27 =	vld.idx.msk [tilespmem:v27+s5+$0x0], $0xffff  }
0x411: {  	v38 =	vor.u32 s19, v6;
	v50 =	vor.u32 s19, v7;
	v43 =	vor.u32 v43, v21;
	[tilespmem:v49+s14+$0x0] =	vst.idx.msk $0xffff, v41  }
0x412: {  	v51 =	vor.u32 s19, v10;
	v41 =	vor.u32 s19, v8;
	v49 =	vor.u32 s19, v9;
	[tilespmem:v48+s14+$0x0] =	vst.idx.msk $0xffff, v45  }
0x413: {  	v52 =	vor.u32 s19, v13;
	v45 =	vor.u32 s19, v11;
	v48 =	vor.u32 s19, v12;
	[tilespmem:v46+s14+$0x0] =	vst.idx.msk $0xffff, v44  }
0x414: {  	v56 =	vor.u32 s19, v15;
	v44 =	vshll.u32 v22, $0x1;
	v46 =	vor.u32 s19, v14;
	[tilespmem:v39+s14+$0x0] =	vst.idx.msk $0xffff, v37  }
0x415: {  	v47 =	vshll.u32 v42, $0x1;
	v37 =	vshll.u32 v54, $0x1;
	v39 =	vshll.u32 v53, $0x1;
	[tilespmem:v35+s14+$0x0] =	vst.idx.msk $0xffff, v36  }
0x416: {  	v32 =	vshll.u32 v32, $0x7;
	v35 =	vshll.u32 v40, $0x1;
	v36 =	vld.idx.msk [tilespmem:v43+s5+$0x0], $0xffff;
	[tilespmem:v34+s14+$0x0] =	vst.idx.msk $0xffff, v1  }
0x417: {  	v32 =	vor.u32 v26, v32;
	v1 =	vshll.u32 v38, $0x1;
	v34 =	vshll.u32 v50, $0x1;
	[tilespmem:v33+s14+$0x0] =	vst.idx.msk $0xffff, v30  }
0x418: {  	v43 =	vshll.u32 v51, $0x1;
	v30 =	vshll.u32 v41, $0x1;
	v33 =	vshll.u32 v49, $0x1;
	[tilespmem:v31+s14+$0x0] =	vst.idx.msk $0xffff, v29  }
0x419: {  	v55 =	vshll.u32 v52, $0x1;
	v29 =	vshll.u32 v45, $0x1;
	v31 =	vshll.u32 v48, $0x1;
	[tilespmem:v17+s14+$0x0] =	vst.idx.msk $0xffff, v28  }
0x41a: {  	v17 =	vand.u32 $0x7E, v44;
	v28 =	vshll.u32 v46, $0x1;
	v44 =	vshll.u32 v56, $0x1;
	[tilespmem:v19+s14+$0x0] =	vst.idx.msk $0xffff, v27  }
0x41b: {  	v19 =	vand.u32 $0x7E, v37;
	v27 =	vand.u32 $0x7E, v39;
	v37 =	vand.u32 $0x7E, v47  }
0x41c: {  	v35 =	vand.u32 $0x7E, v35;
	v1 =	vand.u32 $0x7E, v1;
	v34 =	vand.u32 $0x7E, v34;
	[tilespmem:v32+s14+$0x0] =	vst.idx.msk $0xffff, v36  }
0x41d: {  	v30 =	vand.u32 $0x7E, v30;
	v32 =	vand.u32 $0x7E, v33;
	v33 =	vand.u32 $0x7E, v43  }
0x41e: {  	v29 =	vand.u32 $0x7E, v29;
	v31 =	vand.u32 $0x7E, v31;
	v36 =	vand.u32 $0x7E, v55  }
0x41f: {  	v17 =	vor.u32 v17, v21;
	v28 =	vand.u32 $0x7E, v28;
	v39 =	vand.u32 $0x7E, v44  }
0x420: {  	v19 =	vor.u32 v19, v21;
	v44 =	vor.u32 v27, v21;
	v37 =	vor.u32 v37, v21  }
0x421: {  	v35 =	vor.u32 v35, v21;
	v1 =	vor.u32 v1, v21;
	v34 =	vor.u32 v34, v21  }
0x422: {  	v57 =	vor.u32 v30, v21;
	v58 =	vor.u32 v32, v21;
	v33 =	vor.u32 v33, v21  }
0x423: {  	v30 =	vor.u32 v31, v21;
	v32 =	vor.u32 v29, v21;
	v29 =	vor.u32 v36, v21  }
0x424: {  	v28 =	vor.u32 v28, v21;
	v27 =	vor.u32 v39, v21;
	v47 =	vld.idx.msk [tilespmem:v17+s5+$0x0], $0xffff;
	v17 =	vshll.u32 v22, $0x7  }
0x425: {  	v21 =	vshll.u32 v53, $0x7;
	v22 =	vshll.u32 v42, $0x7;
	v43 =	vld.idx.msk [tilespmem:v19+s5+$0x0], $0xffff;
	v19 =	vshll.u32 v54, $0x7  }
0x426: {  	v31 =	vshll.u32 v40, $0x7;
	v39 =	vshll.u32 v50, $0x7;
	v36 =	vshll.u32 v38, $0x7;
	v42 =	vld.idx.msk [tilespmem:v44+s5+$0x0], $0xffff  }
0x427: {  	v60 =	vshll.u32 v51, $0x7;
	v59 =	vshll.u32 v49, $0x7;
	v40 =	vld.idx.msk [tilespmem:v37+s5+$0x0], $0xffff;
	v37 =	vshll.u32 v41, $0x7  }
0x428: {  	v63 =	vshll.u32 v52, $0x7;
	v61 =	vshll.u32 v45, $0x7;
	v62 =	vshll.u32 v48, $0x7;
	v38 =	vld.idx.msk [tilespmem:v35+s5+$0x0], $0xffff  }
.Ltmp18:
0x429: {  	v56 =	vshll.u32 v56, $0x7;
	v55 =	vshll.u32 v46, $0x7;
	v54 =	vor.u32 v26, v17;
	v41 =	vld.idx.msk [tilespmem:v1+s5+$0x0], $0xffff;
	(pc) =	sbr.rel @p1 .LBB2_30-.Ltmp18, $4  }
0x42a: {  	v52 =	vor.u32 v26, v21;
	v51 =	vor.u32 v26, v22;
	v53 =	vor.u32 v26, v19;
	v45 =	vld.idx.msk [tilespmem:v34+s5+$0x0], $0xffff  }
0x42b: {  	v50 =	vor.u32 v26, v31;
	v48 =	vor.u32 v26, v39;
	v49 =	vor.u32 v26, v36;
	v44 =	vld.idx.msk [tilespmem:v57+s5+$0x0], $0xffff  }
0x42c: {  	v39 =	vor.u32 v26, v59;
	v46 =	vor.u32 v26, v37;
	v35 =	vor.u32 v26, v60;
	v37 =	vld.idx.msk [tilespmem:v58+s5+$0x0], $0xffff  }
0x42d: {  	v31 =	vor.u32 v26, v63;
	v34 =	vor.u32 v26, v61;
	v36 =	vld.idx.msk [tilespmem:v33+s5+$0x0], $0xffff;
	v33 =	vor.u32 v26, v62  }
0x42e: {  	_ = 	snop  }
0x42f: {  	v1 =	vor.u32 v26, v56;
	s19 =	simm.s32 $0x0  }
0x430: {  	[tilespmem:$0x1FE10] =	vst v1;
	v1 =	vor.u32 s19, v2  }
0x431: {  	[tilespmem:$0x1FE20] =	vst v1  }
0x432: {  	v24 =	vld [tilespmem:$0x1FFC0];
	[tilespmem:v54+s14+$0x0] =	vst.idx.msk $0xffff, v47  }
0x433: {  	[tilespmem:v53+s14+$0x0] =	vst.idx.msk $0xffff, v43  }
0x434: {  	[tilespmem:v52+s14+$0x0] =	vst.idx.msk $0xffff, v42  }
0x435: {  	[tilespmem:v51+s14+$0x0] =	vst.idx.msk $0xffff, v40  }
0x436: {  	[tilespmem:v50+s14+$0x0] =	vst.idx.msk $0xffff, v38  }
0x437: {  	v17 =	vor.u32 v26, v55;
	v19 =	vmov s19;
	v22 =	vor.u32 s19, v0;
	v32 =	vld.idx.msk [tilespmem:v32+s5+$0x0], $0xffff;
	[tilespmem:v49+s14+$0x0] =	vst.idx.msk $0xffff, v41  }
0x438: {  	v55 =	vor.u32 s19, v3;
	v56 =	vor.u32 s19, v16;
	v57 =	vor.u32 s19, v4;
	v30 =	vld.idx.msk [tilespmem:v30+s5+$0x0], $0xffff;
	[tilespmem:v48+s14+$0x0] =	vst.idx.msk $0xffff, v45  }
0x439: {  	v58 =	vor.u32 s19, v5;
	v59 =	vor.u32 s19, v7;
	v60 =	vor.u32 s19, v9;
	v29 =	vld.idx.msk [tilespmem:v29+s5+$0x0], $0xffff;
	[tilespmem:v46+s14+$0x0] =	vst.idx.msk $0xffff, v44  }
0x43a: {  	v61 =	vor.u32 s19, v10;
	v62 =	vor.u32 s19, v12;
	v63 =	vor.u32 s19, v13;
	v28 =	vld.idx.msk [tilespmem:v28+s5+$0x0], $0xffff;
	[tilespmem:v39+s14+$0x0] =	vst.idx.msk $0xffff, v37  }
0x43b: {  	v21 =	vor.u32 s19, v15;
	v19 =	vshll.u32 v19, $0x4;
	v26 =	vshll.u32 v56, $0x1;
	[tilespmem:v35+s14+$0x0] =	vst.idx.msk $0xffff, v36  }
0x43c: {  	v56 =	vshll.u32 v56, $0x7;
	v19 =	vand.u32 $0x400, v19;
	v26 =	vand.u32 $0x7E, v26;
	[tilespmem:v34+s14+$0x0] =	vst.idx.msk $0xffff, v32  }
0x43d: {  	v54 =	vor.u32 s19, v6;
	v53 =	vor.u32 s19, v8;
	v52 =	vor.u32 s19, v11;
	[tilespmem:v33+s14+$0x0] =	vst.idx.msk $0xffff, v30  }
0x43e: {  	v40 =	vshll.u32 v22, $0x1;
	v51 =	vor.u32 s19, v14;
	v38 =	vshll.u32 v1, $0x1;
	[tilespmem:v31+s14+$0x0] =	vst.idx.msk $0xffff, v29  }
0x43f: {  	v42 =	vshll.u32 v55, $0x1;
	v43 =	vshll.u32 v57, $0x1;
	v41 =	vshll.u32 v58, $0x1;
	[tilespmem:v17+s14+$0x0] =	vst.idx.msk $0xffff, v28  }
0x440: {  	v48 =	vshll.u32 v59, $0x1;
	v46 =	vshll.u32 v60, $0x1;
	v50 =	vshll.u32 v61, $0x1;
	v1 =	vld [tilespmem:$0x1FE10]  }
0x441: {  	v39 =	vshll.u32 v62, $0x1;
	v45 =	vshll.u32 v54, $0x1;
	v44 =	vshll.u32 v53, $0x1  }
0x442: {  	v37 =	vshll.u32 v52, $0x1;
	v35 =	vand.u32 $0x7E, v40;
	v19 =	vor.u32 v24, v19  }
0x443: {  	v27 =	vld.idx.msk [tilespmem:v27+s5+$0x0], $0xffff;
	v36 =	vshll.u32 v51, $0x1;
	v47 =	vor.u32 v26, v19;
	v26 =	vor.u32 $0x50, v0  }
0x444: {  	v40 =	vshll.u32 v21, $0x1;
	v49 =	vor.u32 v26, v56;
	v56 =	vshll.u32 v63, $0x1  }
0x445: {  	v32 =	vand.u32 $0x7E, v38;
	v34 =	vand.u32 $0x7E, v42;
	v38 =	vand.u32 $0x7E, v43  }
0x446: {  	v30 =	vand.u32 $0x7E, v41;
	v33 =	vand.u32 $0x7E, v45;
	v41 =	vand.u32 $0x7E, v48  }
0x447: {  	v17 =	vand.u32 $0x7E, v37;
	v37 =	vand.u32 $0x7E, v56;
	v56 =	vor.u32 v32, v19  }
0x448: {  	v29 =	vand.u32 $0x7E, v44;
	v31 =	vand.u32 $0x7E, v46;
	[tilespmem:v1+s14+$0x0] =	vst.idx.msk $0xffff, v27;
	v27 =	vor.u32 v35, v19  }
0x449: {  	v48 =	vand.u32 $0x7E, v50;
	v28 =	vand.u32 $0x7E, v39;
	v50 =	vand.u32 $0x7E, v40  }
0x44a: {  	v39 =	vshll.u32 v53, $0x7;
	v34 =	vor.u32 v34, v19;
	v38 =	vor.u32 v38, v19  }
0x44b: {  	v44 =	vor.u32 v30, v19;
	v33 =	vor.u32 v33, v19;
	v1 =	vor.u32 v48, v19;
	v48 =	vld.idx.msk [tilespmem:v47+s5+$0x0], $0xffff  }
0x44c: {  	v45 =	vor.u32 v41, v19;
	v46 =	vor.u32 v29, v19;
	v31 =	vor.u32 v31, v19;
	v43 =	vld.idx.msk [tilespmem:v56+s5+$0x0], $0xffff  }
0x44d: {  	v32 =	vor.u32 v17, v19;
	v30 =	vor.u32 v28, v19;
	v35 =	vand.u32 $0x7E, v36;
	v47 =	vld.idx.msk [tilespmem:v27+s5+$0x0], $0xffff  }
0x44e: {  	v29 =	vor.u32 v37, v19;
	v28 =	vor.u32 v35, v19;
	v27 =	vor.u32 v50, v19;
	v19 =	vld [tilespmem:$0x1FE20]  }
0x44f: {  	v17 =	vshll.u32 v22, $0x7;
	v22 =	vshll.u32 v55, $0x7;
	v37 =	vshll.u32 v59, $0x7;
	v42 =	vld.idx.msk [tilespmem:v34+s5+$0x0], $0xffff  }
0x450: {  	v59 =	vshll.u32 v52, $0x7;
	v55 =	vshll.u32 v51, $0x7;
	v52 =	vor.u32 v26, v22;
	v40 =	vld.idx.msk [tilespmem:v38+s5+$0x0], $0xffff  }
0x451: {  	v36 =	vshll.u32 v54, $0x7;
	v54 =	vor.u32 v26, v17;
	v34 =	vshll.u32 v58, $0x7;
	v38 =	vld.idx.msk [tilespmem:v44+s5+$0x0], $0xffff  }
0x452: {  	v58 =	vshll.u32 v61, $0x7;
	v61 =	vshll.u32 v63, $0x7;
	v41 =	vld.idx.msk [tilespmem:v33+s5+$0x0], $0xffff;
	v56 =	vshll.u32 v21, $0x7  }
0x453: {  	v44 =	vld.idx.msk [tilespmem:v46+s5+$0x0], $0xffff;
	v46 =	vor.u32 v26, v39;
	v35 =	vor.u32 v26, v58;
	v19 =	vshll.u32 v19, $0x7  }
0x454: {  	v45 =	vld.idx.msk [tilespmem:v45+s5+$0x0], $0xffff;
	v50 =	vshll.u32 v57, $0x7;
	v57 =	vshll.u32 v60, $0x7;
	v53 =	vor.u32 v26, v19  }
0x455: {  	v60 =	vshll.u32 v62, $0x7;
	[tilespmem:v49+s14+$0x0] =	vst.idx.msk $0xffff, v48;
	v51 =	vor.u32 v26, v50;
	v50 =	vor.u32 v26, v34  }
0x456: {  	v49 =	vor.u32 v26, v36;
	v48 =	vor.u32 v26, v37;
	v37 =	vld.idx.msk [tilespmem:v31+s5+$0x0], $0xffff;
	v39 =	vor.u32 v26, v57  }
0x457: {  	v36 =	vld.idx.msk [tilespmem:v1+s5+$0x0], $0xffff;
	v34 =	vor.u32 v26, v59;
	v33 =	vor.u32 v26, v60;
	v31 =	vor.u32 v26, v61  }
.LBB2_32:
0x458: {  	s19 =	sadd.s32 $0x10, s19;
	[tilespmem:v54+s14+$0x0] =	vst.idx.msk $0xffff, v47;
	v1 =	vld.idx.msk [tilespmem:v32+s5+$0x0], $0xffff;
	v17 =	vor.u32 v26, v55;
	v19 =	vor.u32 v26, v56  }
0x459: {  	v21 =	vmov s19;
	v22 =	vor.u32 s19, v0;
	v54 =	vor.u32 s19, v2;
	p1 =	slt.u32 s19, $0x70;
	[tilespmem:v53+s14+$0x0] =	vst.idx.msk $0xffff, v43;
	v30 =	vld.idx.msk [tilespmem:v30+s5+$0x0], $0xffff  }
0x45a: {  	v53 =	vor.u32 s19, v3;
	v32 =	vor.u32 s19, v16;
	v21 =	vshll.u32 v21, $0x4;
	[tilespmem:v52+s14+$0x0] =	vst.idx.msk $0xffff, v42;
	v29 =	vld.idx.msk [tilespmem:v29+s5+$0x0], $0xffff  }
0x45b: {  	v42 =	vor.u32 s19, v4;
	v43 =	vshll.u32 v32, $0x1;
	v21 =	vand.u32 $0x400, v21;
	[tilespmem:v51+s14+$0x0] =	vst.idx.msk $0xffff, v40;
	v28 =	vld.idx.msk [tilespmem:v28+s5+$0x0], $0xffff  }
0x45c: {  	v40 =	vor.u32 s19, v5;
	v43 =	vand.u32 $0x7E, v43;
	v21 =	vor.u32 v24, v21;
	[tilespmem:v50+s14+$0x0] =	vst.idx.msk $0xffff, v38;
	v27 =	vld.idx.msk [tilespmem:v27+s5+$0x0], $0xffff  }
0x45d: {  	v38 =	vor.u32 s19, v6;
	v50 =	vor.u32 s19, v7;
	v43 =	vor.u32 v43, v21;
	[tilespmem:v49+s14+$0x0] =	vst.idx.msk $0xffff, v41  }
0x45e: {  	v51 =	vor.u32 s19, v10;
	v41 =	vor.u32 s19, v8;
	v49 =	vor.u32 s19, v9;
	[tilespmem:v48+s14+$0x0] =	vst.idx.msk $0xffff, v45  }
0x45f: {  	v52 =	vor.u32 s19, v13;
	v45 =	vor.u32 s19, v11;
	v48 =	vor.u32 s19, v12;
	[tilespmem:v46+s14+$0x0] =	vst.idx.msk $0xffff, v44  }
0x460: {  	v56 =	vor.u32 s19, v15;
	v44 =	vshll.u32 v22, $0x1;
	v46 =	vor.u32 s19, v14;
	[tilespmem:v39+s14+$0x0] =	vst.idx.msk $0xffff, v37  }
0x461: {  	v47 =	vshll.u32 v42, $0x1;
	v37 =	vshll.u32 v54, $0x1;
	v39 =	vshll.u32 v53, $0x1;
	[tilespmem:v35+s14+$0x0] =	vst.idx.msk $0xffff, v36  }
0x462: {  	v32 =	vshll.u32 v32, $0x7;
	v35 =	vshll.u32 v40, $0x1;
	v36 =	vld.idx.msk [tilespmem:v43+s5+$0x0], $0xffff;
	[tilespmem:v34+s14+$0x0] =	vst.idx.msk $0xffff, v1  }
0x463: {  	v32 =	vor.u32 v26, v32;
	v1 =	vshll.u32 v38, $0x1;
	v34 =	vshll.u32 v50, $0x1;
	[tilespmem:v33+s14+$0x0] =	vst.idx.msk $0xffff, v30  }
0x464: {  	v43 =	vshll.u32 v51, $0x1;
	v30 =	vshll.u32 v41, $0x1;
	v33 =	vshll.u32 v49, $0x1;
	[tilespmem:v31+s14+$0x0] =	vst.idx.msk $0xffff, v29  }
0x465: {  	v55 =	vshll.u32 v52, $0x1;
	v29 =	vshll.u32 v45, $0x1;
	v31 =	vshll.u32 v48, $0x1;
	[tilespmem:v17+s14+$0x0] =	vst.idx.msk $0xffff, v28  }
0x466: {  	v17 =	vand.u32 $0x7E, v44;
	v28 =	vshll.u32 v46, $0x1;
	v44 =	vshll.u32 v56, $0x1;
	[tilespmem:v19+s14+$0x0] =	vst.idx.msk $0xffff, v27  }
0x467: {  	v19 =	vand.u32 $0x7E, v37;
	v27 =	vand.u32 $0x7E, v39;
	v37 =	vand.u32 $0x7E, v47  }
0x468: {  	v35 =	vand.u32 $0x7E, v35;
	v1 =	vand.u32 $0x7E, v1;
	v34 =	vand.u32 $0x7E, v34;
	[tilespmem:v32+s14+$0x0] =	vst.idx.msk $0xffff, v36  }
0x469: {  	v30 =	vand.u32 $0x7E, v30;
	v32 =	vand.u32 $0x7E, v33;
	v33 =	vand.u32 $0x7E, v43  }
0x46a: {  	v29 =	vand.u32 $0x7E, v29;
	v31 =	vand.u32 $0x7E, v31;
	v36 =	vand.u32 $0x7E, v55  }
0x46b: {  	v17 =	vor.u32 v17, v21;
	v28 =	vand.u32 $0x7E, v28;
	v39 =	vand.u32 $0x7E, v44  }
0x46c: {  	v19 =	vor.u32 v19, v21;
	v44 =	vor.u32 v27, v21;
	v37 =	vor.u32 v37, v21  }
0x46d: {  	v35 =	vor.u32 v35, v21;
	v1 =	vor.u32 v1, v21;
	v34 =	vor.u32 v34, v21  }
0x46e: {  	v57 =	vor.u32 v30, v21;
	v58 =	vor.u32 v32, v21;
	v33 =	vor.u32 v33, v21  }
0x46f: {  	v30 =	vor.u32 v31, v21;
	v32 =	vor.u32 v29, v21;
	v29 =	vor.u32 v36, v21  }
0x470: {  	v28 =	vor.u32 v28, v21;
	v27 =	vor.u32 v39, v21;
	v47 =	vld.idx.msk [tilespmem:v17+s5+$0x0], $0xffff;
	v17 =	vshll.u32 v22, $0x7  }
0x471: {  	v21 =	vshll.u32 v53, $0x7;
	v22 =	vshll.u32 v42, $0x7;
	v43 =	vld.idx.msk [tilespmem:v19+s5+$0x0], $0xffff;
	v19 =	vshll.u32 v54, $0x7  }
0x472: {  	v31 =	vshll.u32 v40, $0x7;
	v39 =	vshll.u32 v50, $0x7;
	v36 =	vshll.u32 v38, $0x7;
	v42 =	vld.idx.msk [tilespmem:v44+s5+$0x0], $0xffff  }
0x473: {  	v60 =	vshll.u32 v51, $0x7;
	v59 =	vshll.u32 v49, $0x7;
	v40 =	vld.idx.msk [tilespmem:v37+s5+$0x0], $0xffff;
	v37 =	vshll.u32 v41, $0x7  }
0x474: {  	v63 =	vshll.u32 v52, $0x7;
	v61 =	vshll.u32 v45, $0x7;
	v62 =	vshll.u32 v48, $0x7;
	v38 =	vld.idx.msk [tilespmem:v35+s5+$0x0], $0xffff  }
.Ltmp19:
0x475: {  	v56 =	vshll.u32 v56, $0x7;
	v55 =	vshll.u32 v46, $0x7;
	v54 =	vor.u32 v26, v17;
	v41 =	vld.idx.msk [tilespmem:v1+s5+$0x0], $0xffff;
	(pc) =	sbr.rel @p1 .LBB2_32-.Ltmp19, $4  }
0x476: {  	v52 =	vor.u32 v26, v21;
	v51 =	vor.u32 v26, v22;
	v53 =	vor.u32 v26, v19;
	v45 =	vld.idx.msk [tilespmem:v34+s5+$0x0], $0xffff  }
0x477: {  	v50 =	vor.u32 v26, v31;
	v48 =	vor.u32 v26, v39;
	v49 =	vor.u32 v26, v36;
	v44 =	vld.idx.msk [tilespmem:v57+s5+$0x0], $0xffff  }
0x478: {  	v39 =	vor.u32 v26, v59;
	v46 =	vor.u32 v26, v37;
	v35 =	vor.u32 v26, v60;
	v37 =	vld.idx.msk [tilespmem:v58+s5+$0x0], $0xffff  }
0x479: {  	v31 =	vor.u32 v26, v63;
	v34 =	vor.u32 v26, v61;
	v36 =	vld.idx.msk [tilespmem:v33+s5+$0x0], $0xffff;
	v33 =	vor.u32 v26, v62  }
0x47a: {  	_ = 	snop  }
0x47b: {  	v1 =	vor.u32 v26, v56;
	s19 =	simm.s32 $0x0  }
0x47c: {  	[tilespmem:$0x1FDF0] =	vst v1;
	v1 =	vor.u32 s19, v2  }
0x47d: {  	[tilespmem:$0x1FE00] =	vst v1  }
0x47e: {  	v24 =	vld [tilespmem:$0x1FFF0];
	[tilespmem:v54+s14+$0x0] =	vst.idx.msk $0xffff, v47  }
0x47f: {  	[tilespmem:v53+s14+$0x0] =	vst.idx.msk $0xffff, v43  }
0x480: {  	[tilespmem:v52+s14+$0x0] =	vst.idx.msk $0xffff, v42  }
0x481: {  	[tilespmem:v51+s14+$0x0] =	vst.idx.msk $0xffff, v40  }
0x482: {  	[tilespmem:v50+s14+$0x0] =	vst.idx.msk $0xffff, v38  }
0x483: {  	v17 =	vor.u32 v26, v55;
	v19 =	vmov s19;
	v22 =	vor.u32 s19, v0;
	v32 =	vld.idx.msk [tilespmem:v32+s5+$0x0], $0xffff;
	[tilespmem:v49+s14+$0x0] =	vst.idx.msk $0xffff, v41  }
0x484: {  	v55 =	vor.u32 s19, v3;
	v56 =	vor.u32 s19, v16;
	v57 =	vor.u32 s19, v4;
	v30 =	vld.idx.msk [tilespmem:v30+s5+$0x0], $0xffff;
	[tilespmem:v48+s14+$0x0] =	vst.idx.msk $0xffff, v45  }
0x485: {  	v58 =	vor.u32 s19, v5;
	v59 =	vor.u32 s19, v7;
	v60 =	vor.u32 s19, v9;
	v29 =	vld.idx.msk [tilespmem:v29+s5+$0x0], $0xffff;
	[tilespmem:v46+s14+$0x0] =	vst.idx.msk $0xffff, v44  }
0x486: {  	v61 =	vor.u32 s19, v10;
	v62 =	vor.u32 s19, v12;
	v63 =	vor.u32 s19, v13;
	v28 =	vld.idx.msk [tilespmem:v28+s5+$0x0], $0xffff;
	[tilespmem:v39+s14+$0x0] =	vst.idx.msk $0xffff, v37  }
0x487: {  	v21 =	vor.u32 s19, v15;
	v19 =	vshll.u32 v19, $0x4;
	v26 =	vshll.u32 v56, $0x1;
	[tilespmem:v35+s14+$0x0] =	vst.idx.msk $0xffff, v36  }
0x488: {  	v56 =	vshll.u32 v56, $0x7;
	v19 =	vand.u32 $0x400, v19;
	v26 =	vand.u32 $0x7E, v26;
	[tilespmem:v34+s14+$0x0] =	vst.idx.msk $0xffff, v32  }
0x489: {  	v54 =	vor.u32 s19, v6;
	v53 =	vor.u32 s19, v8;
	v52 =	vor.u32 s19, v11;
	[tilespmem:v33+s14+$0x0] =	vst.idx.msk $0xffff, v30  }
0x48a: {  	v40 =	vshll.u32 v22, $0x1;
	v51 =	vor.u32 s19, v14;
	v38 =	vshll.u32 v1, $0x1;
	[tilespmem:v31+s14+$0x0] =	vst.idx.msk $0xffff, v29  }
0x48b: {  	v42 =	vshll.u32 v55, $0x1;
	v43 =	vshll.u32 v57, $0x1;
	v41 =	vshll.u32 v58, $0x1;
	[tilespmem:v17+s14+$0x0] =	vst.idx.msk $0xffff, v28  }
0x48c: {  	v48 =	vshll.u32 v59, $0x1;
	v46 =	vshll.u32 v60, $0x1;
	v50 =	vshll.u32 v61, $0x1;
	v1 =	vld [tilespmem:$0x1FDF0]  }
0x48d: {  	v39 =	vshll.u32 v62, $0x1;
	v45 =	vshll.u32 v54, $0x1;
	v44 =	vshll.u32 v53, $0x1  }
0x48e: {  	v37 =	vshll.u32 v52, $0x1;
	v35 =	vand.u32 $0x7E, v40;
	v19 =	vor.u32 v24, v19  }
0x48f: {  	v27 =	vld.idx.msk [tilespmem:v27+s5+$0x0], $0xffff;
	v36 =	vshll.u32 v51, $0x1;
	v47 =	vor.u32 v26, v19;
	v26 =	vor.u32 $0x60, v0  }
0x490: {  	v40 =	vshll.u32 v21, $0x1;
	v49 =	vor.u32 v26, v56;
	v56 =	vshll.u32 v63, $0x1  }
0x491: {  	v32 =	vand.u32 $0x7E, v38;
	v34 =	vand.u32 $0x7E, v42;
	v38 =	vand.u32 $0x7E, v43  }
0x492: {  	v30 =	vand.u32 $0x7E, v41;
	v33 =	vand.u32 $0x7E, v45;
	v41 =	vand.u32 $0x7E, v48  }
0x493: {  	v17 =	vand.u32 $0x7E, v37;
	v37 =	vand.u32 $0x7E, v56;
	v56 =	vor.u32 v32, v19  }
0x494: {  	v29 =	vand.u32 $0x7E, v44;
	v31 =	vand.u32 $0x7E, v46;
	[tilespmem:v1+s14+$0x0] =	vst.idx.msk $0xffff, v27;
	v27 =	vor.u32 v35, v19  }
0x495: {  	v48 =	vand.u32 $0x7E, v50;
	v28 =	vand.u32 $0x7E, v39;
	v50 =	vand.u32 $0x7E, v40  }
0x496: {  	v39 =	vshll.u32 v53, $0x7;
	v34 =	vor.u32 v34, v19;
	v38 =	vor.u32 v38, v19  }
0x497: {  	v44 =	vor.u32 v30, v19;
	v33 =	vor.u32 v33, v19;
	v1 =	vor.u32 v48, v19;
	v48 =	vld.idx.msk [tilespmem:v47+s5+$0x0], $0xffff  }
0x498: {  	v45 =	vor.u32 v41, v19;
	v46 =	vor.u32 v29, v19;
	v31 =	vor.u32 v31, v19;
	v43 =	vld.idx.msk [tilespmem:v56+s5+$0x0], $0xffff  }
0x499: {  	v32 =	vor.u32 v17, v19;
	v30 =	vor.u32 v28, v19;
	v35 =	vand.u32 $0x7E, v36;
	v47 =	vld.idx.msk [tilespmem:v27+s5+$0x0], $0xffff  }
0x49a: {  	v29 =	vor.u32 v37, v19;
	v28 =	vor.u32 v35, v19;
	v27 =	vor.u32 v50, v19;
	v19 =	vld [tilespmem:$0x1FE00]  }
0x49b: {  	v17 =	vshll.u32 v22, $0x7;
	v22 =	vshll.u32 v55, $0x7;
	v37 =	vshll.u32 v59, $0x7;
	v42 =	vld.idx.msk [tilespmem:v34+s5+$0x0], $0xffff  }
0x49c: {  	v59 =	vshll.u32 v52, $0x7;
	v55 =	vshll.u32 v51, $0x7;
	v52 =	vor.u32 v26, v22;
	v40 =	vld.idx.msk [tilespmem:v38+s5+$0x0], $0xffff  }
0x49d: {  	v36 =	vshll.u32 v54, $0x7;
	v54 =	vor.u32 v26, v17;
	v34 =	vshll.u32 v58, $0x7;
	v38 =	vld.idx.msk [tilespmem:v44+s5+$0x0], $0xffff  }
0x49e: {  	v58 =	vshll.u32 v61, $0x7;
	v61 =	vshll.u32 v63, $0x7;
	v41 =	vld.idx.msk [tilespmem:v33+s5+$0x0], $0xffff;
	v56 =	vshll.u32 v21, $0x7  }
0x49f: {  	v44 =	vld.idx.msk [tilespmem:v46+s5+$0x0], $0xffff;
	v46 =	vor.u32 v26, v39;
	v35 =	vor.u32 v26, v58;
	v19 =	vshll.u32 v19, $0x7  }
0x4a0: {  	v45 =	vld.idx.msk [tilespmem:v45+s5+$0x0], $0xffff;
	v50 =	vshll.u32 v57, $0x7;
	v57 =	vshll.u32 v60, $0x7;
	v53 =	vor.u32 v26, v19  }
0x4a1: {  	v60 =	vshll.u32 v62, $0x7;
	[tilespmem:v49+s14+$0x0] =	vst.idx.msk $0xffff, v48;
	v51 =	vor.u32 v26, v50;
	v50 =	vor.u32 v26, v34  }
0x4a2: {  	v49 =	vor.u32 v26, v36;
	v48 =	vor.u32 v26, v37;
	v37 =	vld.idx.msk [tilespmem:v31+s5+$0x0], $0xffff;
	v39 =	vor.u32 v26, v57  }
0x4a3: {  	v36 =	vld.idx.msk [tilespmem:v1+s5+$0x0], $0xffff;
	v34 =	vor.u32 v26, v59;
	v33 =	vor.u32 v26, v60;
	v31 =	vor.u32 v26, v61  }
.LBB2_34:
0x4a4: {  	s19 =	sadd.s32 $0x10, s19;
	[tilespmem:v54+s14+$0x0] =	vst.idx.msk $0xffff, v47;
	v1 =	vld.idx.msk [tilespmem:v32+s5+$0x0], $0xffff;
	v17 =	vor.u32 v26, v55;
	v19 =	vor.u32 v26, v56  }
0x4a5: {  	v21 =	vmov s19;
	v22 =	vor.u32 s19, v0;
	v54 =	vor.u32 s19, v2;
	p1 =	slt.u32 s19, $0x70;
	[tilespmem:v53+s14+$0x0] =	vst.idx.msk $0xffff, v43;
	v30 =	vld.idx.msk [tilespmem:v30+s5+$0x0], $0xffff  }
0x4a6: {  	v53 =	vor.u32 s19, v3;
	v32 =	vor.u32 s19, v16;
	v21 =	vshll.u32 v21, $0x4;
	[tilespmem:v52+s14+$0x0] =	vst.idx.msk $0xffff, v42;
	v29 =	vld.idx.msk [tilespmem:v29+s5+$0x0], $0xffff  }
0x4a7: {  	v42 =	vor.u32 s19, v4;
	v43 =	vshll.u32 v32, $0x1;
	v21 =	vand.u32 $0x400, v21;
	[tilespmem:v51+s14+$0x0] =	vst.idx.msk $0xffff, v40;
	v28 =	vld.idx.msk [tilespmem:v28+s5+$0x0], $0xffff  }
0x4a8: {  	v40 =	vor.u32 s19, v5;
	v43 =	vand.u32 $0x7E, v43;
	v21 =	vor.u32 v24, v21;
	[tilespmem:v50+s14+$0x0] =	vst.idx.msk $0xffff, v38;
	v27 =	vld.idx.msk [tilespmem:v27+s5+$0x0], $0xffff  }
0x4a9: {  	v38 =	vor.u32 s19, v6;
	v50 =	vor.u32 s19, v7;
	v43 =	vor.u32 v43, v21;
	[tilespmem:v49+s14+$0x0] =	vst.idx.msk $0xffff, v41  }
0x4aa: {  	v51 =	vor.u32 s19, v10;
	v41 =	vor.u32 s19, v8;
	v49 =	vor.u32 s19, v9;
	[tilespmem:v48+s14+$0x0] =	vst.idx.msk $0xffff, v45  }
0x4ab: {  	v52 =	vor.u32 s19, v13;
	v45 =	vor.u32 s19, v11;
	v48 =	vor.u32 s19, v12;
	[tilespmem:v46+s14+$0x0] =	vst.idx.msk $0xffff, v44  }
0x4ac: {  	v56 =	vor.u32 s19, v15;
	v44 =	vshll.u32 v22, $0x1;
	v46 =	vor.u32 s19, v14;
	[tilespmem:v39+s14+$0x0] =	vst.idx.msk $0xffff, v37  }
0x4ad: {  	v47 =	vshll.u32 v42, $0x1;
	v37 =	vshll.u32 v54, $0x1;
	v39 =	vshll.u32 v53, $0x1;
	[tilespmem:v35+s14+$0x0] =	vst.idx.msk $0xffff, v36  }
0x4ae: {  	v32 =	vshll.u32 v32, $0x7;
	v35 =	vshll.u32 v40, $0x1;
	v36 =	vld.idx.msk [tilespmem:v43+s5+$0x0], $0xffff;
	[tilespmem:v34+s14+$0x0] =	vst.idx.msk $0xffff, v1  }
0x4af: {  	v32 =	vor.u32 v26, v32;
	v1 =	vshll.u32 v38, $0x1;
	v34 =	vshll.u32 v50, $0x1;
	[tilespmem:v33+s14+$0x0] =	vst.idx.msk $0xffff, v30  }
0x4b0: {  	v43 =	vshll.u32 v51, $0x1;
	v30 =	vshll.u32 v41, $0x1;
	v33 =	vshll.u32 v49, $0x1;
	[tilespmem:v31+s14+$0x0] =	vst.idx.msk $0xffff, v29  }
0x4b1: {  	v55 =	vshll.u32 v52, $0x1;
	v29 =	vshll.u32 v45, $0x1;
	v31 =	vshll.u32 v48, $0x1;
	[tilespmem:v17+s14+$0x0] =	vst.idx.msk $0xffff, v28  }
0x4b2: {  	v17 =	vand.u32 $0x7E, v44;
	v28 =	vshll.u32 v46, $0x1;
	v44 =	vshll.u32 v56, $0x1;
	[tilespmem:v19+s14+$0x0] =	vst.idx.msk $0xffff, v27  }
0x4b3: {  	v19 =	vand.u32 $0x7E, v37;
	v27 =	vand.u32 $0x7E, v39;
	v37 =	vand.u32 $0x7E, v47  }
0x4b4: {  	v35 =	vand.u32 $0x7E, v35;
	v1 =	vand.u32 $0x7E, v1;
	v34 =	vand.u32 $0x7E, v34;
	[tilespmem:v32+s14+$0x0] =	vst.idx.msk $0xffff, v36  }
0x4b5: {  	v30 =	vand.u32 $0x7E, v30;
	v32 =	vand.u32 $0x7E, v33;
	v33 =	vand.u32 $0x7E, v43  }
0x4b6: {  	v29 =	vand.u32 $0x7E, v29;
	v31 =	vand.u32 $0x7E, v31;
	v36 =	vand.u32 $0x7E, v55  }
0x4b7: {  	v17 =	vor.u32 v17, v21;
	v28 =	vand.u32 $0x7E, v28;
	v39 =	vand.u32 $0x7E, v44  }
0x4b8: {  	v19 =	vor.u32 v19, v21;
	v44 =	vor.u32 v27, v21;
	v37 =	vor.u32 v37, v21  }
0x4b9: {  	v35 =	vor.u32 v35, v21;
	v1 =	vor.u32 v1, v21;
	v34 =	vor.u32 v34, v21  }
0x4ba: {  	v57 =	vor.u32 v30, v21;
	v58 =	vor.u32 v32, v21;
	v33 =	vor.u32 v33, v21  }
0x4bb: {  	v30 =	vor.u32 v31, v21;
	v32 =	vor.u32 v29, v21;
	v29 =	vor.u32 v36, v21  }
0x4bc: {  	v28 =	vor.u32 v28, v21;
	v27 =	vor.u32 v39, v21;
	v47 =	vld.idx.msk [tilespmem:v17+s5+$0x0], $0xffff;
	v17 =	vshll.u32 v22, $0x7  }
0x4bd: {  	v21 =	vshll.u32 v53, $0x7;
	v22 =	vshll.u32 v42, $0x7;
	v43 =	vld.idx.msk [tilespmem:v19+s5+$0x0], $0xffff;
	v19 =	vshll.u32 v54, $0x7  }
0x4be: {  	v31 =	vshll.u32 v40, $0x7;
	v39 =	vshll.u32 v50, $0x7;
	v36 =	vshll.u32 v38, $0x7;
	v42 =	vld.idx.msk [tilespmem:v44+s5+$0x0], $0xffff  }
0x4bf: {  	v60 =	vshll.u32 v51, $0x7;
	v59 =	vshll.u32 v49, $0x7;
	v40 =	vld.idx.msk [tilespmem:v37+s5+$0x0], $0xffff;
	v37 =	vshll.u32 v41, $0x7  }
0x4c0: {  	v63 =	vshll.u32 v52, $0x7;
	v61 =	vshll.u32 v45, $0x7;
	v62 =	vshll.u32 v48, $0x7;
	v38 =	vld.idx.msk [tilespmem:v35+s5+$0x0], $0xffff  }
.Ltmp20:
0x4c1: {  	v56 =	vshll.u32 v56, $0x7;
	v55 =	vshll.u32 v46, $0x7;
	v54 =	vor.u32 v26, v17;
	v41 =	vld.idx.msk [tilespmem:v1+s5+$0x0], $0xffff;
	(pc) =	sbr.rel @p1 .LBB2_34-.Ltmp20, $4  }
0x4c2: {  	v52 =	vor.u32 v26, v21;
	v51 =	vor.u32 v26, v22;
	v53 =	vor.u32 v26, v19;
	v45 =	vld.idx.msk [tilespmem:v34+s5+$0x0], $0xffff  }
0x4c3: {  	v50 =	vor.u32 v26, v31;
	v48 =	vor.u32 v26, v39;
	v49 =	vor.u32 v26, v36;
	v44 =	vld.idx.msk [tilespmem:v57+s5+$0x0], $0xffff  }
0x4c4: {  	v39 =	vor.u32 v26, v59;
	v46 =	vor.u32 v26, v37;
	v35 =	vor.u32 v26, v60;
	v37 =	vld.idx.msk [tilespmem:v58+s5+$0x0], $0xffff  }
0x4c5: {  	v31 =	vor.u32 v26, v63;
	v34 =	vor.u32 v26, v61;
	v36 =	vld.idx.msk [tilespmem:v33+s5+$0x0], $0xffff;
	v33 =	vor.u32 v26, v62  }
0x4c6: {  	_ =	sdelay $0x1  }
0x4c7: {  	v1 =	vor.u32 v26, v56  }
0x4c8: {  	s19 =	simm.s32 $0x0;
	[tilespmem:$0x1FDE0] =	vst v1  }
0x4c9: {  	v17 =	vor.u32 v26, v55;
	v19 =	vmov s19;
	[tilespmem:v54+s14+$0x0] =	vst.idx.msk $0xffff, v47  }
0x4ca: {  	v21 =	vor.u32 s19, v0;
	v22 =	vor.u32 s19, v2;
	v55 =	vor.u32 s19, v3;
	[tilespmem:v53+s14+$0x0] =	vst.idx.msk $0xffff, v43  }
0x4cb: {  	v56 =	vor.u32 s19, v16;
	v57 =	vor.u32 s19, v4;
	v58 =	vor.u32 s19, v5;
	[tilespmem:v52+s14+$0x0] =	vst.idx.msk $0xffff, v42  }
0x4cc: {  	v60 =	vor.u32 s19, v10;
	v61 =	vor.u32 s19, v13;
	v62 =	vor.u32 s19, v15;
	[tilespmem:v51+s14+$0x0] =	vst.idx.msk $0xffff, v40  }
0x4cd: {  	v19 =	vshll.u32 v19, $0x4;
	v26 =	vshll.u32 v56, $0x1;
	v47 =	vor.u32 s19, v6;
	[tilespmem:v50+s14+$0x0] =	vst.idx.msk $0xffff, v38  }
0x4ce: {  	v54 =	vor.u32 s19, v7;
	v43 =	vor.u32 s19, v8;
	v53 =	vor.u32 s19, v9;
	v32 =	vld.idx.msk [tilespmem:v32+s5+$0x0], $0xffff;
	[tilespmem:v49+s14+$0x0] =	vst.idx.msk $0xffff, v41  }
0x4cf: {  	v42 =	vor.u32 s19, v11;
	v52 =	vor.u32 s19, v12;
	v40 =	vshll.u32 v21, $0x1;
	v30 =	vld.idx.msk [tilespmem:v30+s5+$0x0], $0xffff;
	[tilespmem:v48+s14+$0x0] =	vst.idx.msk $0xffff, v45  }
0x4d0: {  	v51 =	vor.u32 s19, v14;
	v38 =	vshll.u32 v22, $0x1;
	v50 =	vshll.u32 v55, $0x1;
	v29 =	vld.idx.msk [tilespmem:v29+s5+$0x0], $0xffff;
	[tilespmem:v46+s14+$0x0] =	vst.idx.msk $0xffff, v44  }
0x4d1: {  	v63 =	vshll.u32 v57, $0x1;
	v41 =	vshll.u32 v58, $0x1;
	v56 =	vshll.u32 v56, $0x7;
	v28 =	vld.idx.msk [tilespmem:v28+s5+$0x0], $0xffff;
	[tilespmem:v39+s14+$0x0] =	vst.idx.msk $0xffff, v37  }
0x4d2: {  	v1 =	vshll.u32 v61, $0x1;
	v19 =	vand.u32 $0x400, v19;
	v26 =	vand.u32 $0x7E, v26;
	[tilespmem:v35+s14+$0x0] =	vst.idx.msk $0xffff, v36  }
0x4d3: {  	v45 =	vshll.u32 v47, $0x1;
	v48 =	vshll.u32 v54, $0x1;
	v44 =	vshll.u32 v43, $0x1;
	[tilespmem:v34+s14+$0x0] =	vst.idx.msk $0xffff, v32  }
0x4d4: {  	v46 =	vshll.u32 v53, $0x1;
	v37 =	vshll.u32 v42, $0x1;
	v39 =	vshll.u32 v52, $0x1;
	[tilespmem:v33+s14+$0x0] =	vst.idx.msk $0xffff, v30  }
0x4d5: {  	v1 =	vand.u32 $0x7E, v1;
	v43 =	vshll.u32 v43, $0x7;
	v19 =	vor.u32 v25, v19;
	[tilespmem:v31+s14+$0x0] =	vst.idx.msk $0xffff, v29  }
0x4d6: {  	v35 =	vand.u32 $0x7E, v40;
	v36 =	vshll.u32 v51, $0x1;
	v40 =	vshll.u32 v62, $0x1;
	[tilespmem:v17+s14+$0x0] =	vst.idx.msk $0xffff, v28  }
0x4d7: {  	v59 =	vor.u32 v26, v19;
	v26 =	vor.u32 $0x70, v0;
	v34 =	vand.u32 $0x7E, v50;
	v50 =	vld [tilespmem:$0x1FDE0]  }
0x4d8: {  	v49 =	vor.u32 v26, v56;
	v56 =	vshll.u32 v60, $0x1;
	v32 =	vand.u32 $0x7E, v38  }
0x4d9: {  	v38 =	vand.u32 $0x7E, v63;
	v30 =	vand.u32 $0x7E, v41;
	v33 =	vand.u32 $0x7E, v45  }
0x4da: {  	v27 =	vld.idx.msk [tilespmem:v27+s5+$0x0], $0xffff;
	v41 =	vand.u32 $0x7E, v48;
	v29 =	vand.u32 $0x7E, v44;
	v31 =	vand.u32 $0x7E, v46  }
0x4db: {  	v63 =	vand.u32 $0x7E, v56;
	v17 =	vand.u32 $0x7E, v37;
	v28 =	vand.u32 $0x7E, v39  }
0x4dc: {  	v46 =	vshll.u32 v54, $0x7;
	v32 =	vor.u32 v32, v19;
	v34 =	vor.u32 v34, v19  }
0x4dd: {  	v56 =	vor.u32 v38, v19;
	v38 =	vor.u32 v30, v19;
	v48 =	vor.u32 v33, v19  }
0x4de: {  	v45 =	vor.u32 v31, v19;
	v63 =	vor.u32 v63, v19;
	v31 =	vor.u32 v17, v19  }
0x4df: {  	v30 =	vor.u32 v28, v19;
	v17 =	vshll.u32 v22, $0x7;
	v22 =	vshll.u32 v58, $0x7;
	[tilespmem:v50+s14+$0x0] =	vst.idx.msk $0xffff, v27  }
0x4e0: {  	v58 =	vshll.u32 v60, $0x7;
	v60 =	vshll.u32 v61, $0x7;
	v27 =	vor.u32 v35, v19;
	v50 =	vld.idx.msk [tilespmem:v59+s5+$0x0], $0xffff  }
0x4e1: {  	v35 =	vand.u32 $0x7E, v36;
	v36 =	vand.u32 $0x7E, v40;
	v40 =	vor.u32 v41, v19;
	v32 =	vld.idx.msk [tilespmem:v32+s5+$0x0], $0xffff  }
0x4e2: {  	v41 =	vor.u32 v29, v19;
	v29 =	vor.u32 v1, v19;
	v1 =	vshll.u32 v21, $0x7;
	v34 =	vld.idx.msk [tilespmem:v34+s5+$0x0], $0xffff  }
0x4e3: {  	v21 =	vshll.u32 v57, $0x7;
	v57 =	vshll.u32 v53, $0x7;
	v53 =	vshll.u32 v51, $0x7;
	v37 =	vld.idx.msk [tilespmem:v38+s5+$0x0], $0xffff  }
0x4e4: {  	v51 =	vshll.u32 v62, $0x7;
	v28 =	vor.u32 v35, v19;
	v35 =	vshll.u32 v47, $0x7;
	v39 =	vld.idx.msk [tilespmem:v48+s5+$0x0], $0xffff  }
0x4e5: {  	v38 =	vshll.u32 v42, $0x7;
	v59 =	vshll.u32 v52, $0x7;
	v52 =	vor.u32 v26, v21;
	v33 =	vld.idx.msk [tilespmem:v27+s5+$0x0], $0xffff  }
0x4e6: {  	v48 =	vor.u32 v26, v46;
	v27 =	vor.u32 v36, v19;
	v36 =	vld.idx.msk [tilespmem:v56+s5+$0x0], $0xffff;
	v56 =	vor.u32 v26, v1  }
0x4e7: {  	v47 =	vor.u32 v26, v43;
	v43 =	vld.idx.msk [tilespmem:v45+s5+$0x0], $0xffff;
	v19 =	vshll.u32 v55, $0x7;
	v55 =	vor.u32 v26, v17  }
0x4e8: {  	v45 =	vor.u32 v26, v57;
	v46 =	vld.idx.msk [tilespmem:v41+s5+$0x0], $0xffff;
	v41 =	vor.u32 v26, v58;
	v54 =	vor.u32 v26, v19  }
0x4e9: {  	v44 =	vld.idx.msk [tilespmem:v40+s5+$0x0], $0xffff;
	v40 =	vor.u32 v26, v38;
	v38 =	vor.u32 v26, v59;
	[tilespmem:v49+s14+$0x0] =	vst.idx.msk $0xffff, v50  }
0x4ea: {  	v42 =	vld.idx.msk [tilespmem:v63+s5+$0x0], $0xffff;
	v50 =	vor.u32 v26, v22;
	v49 =	vor.u32 v26, v35;
	v35 =	vor.u32 v26, v60  }
.LBB2_36:
0x4eb: {  	s19 =	sadd.s32 $0x10, s19;
	[tilespmem:v56+s14+$0x0] =	vst.idx.msk $0xffff, v33;
	v1 =	vld.idx.msk [tilespmem:v31+s5+$0x0], $0xffff;
	v17 =	vor.u32 v26, v53;
	v19 =	vor.u32 v26, v51  }
0x4ec: {  	v21 =	vmov s19;
	v22 =	vor.u32 s19, v0;
	v51 =	vor.u32 s19, v2;
	p1 =	slt.u32 s19, $0x70;
	[tilespmem:v55+s14+$0x0] =	vst.idx.msk $0xffff, v32;
	v30 =	vld.idx.msk [tilespmem:v30+s5+$0x0], $0xffff  }
0x4ed: {  	v53 =	vor.u32 s19, v3;
	v31 =	vor.u32 s19, v16;
	v21 =	vshll.u32 v21, $0x4;
	[tilespmem:v54+s14+$0x0] =	vst.idx.msk $0xffff, v34;
	v29 =	vld.idx.msk [tilespmem:v29+s5+$0x0], $0xffff  }
0x4ee: {  	v34 =	vor.u32 s19, v4;
	v32 =	vshll.u32 v31, $0x1;
	v21 =	vand.u32 $0x400, v21;
	[tilespmem:v52+s14+$0x0] =	vst.idx.msk $0xffff, v36;
	v28 =	vld.idx.msk [tilespmem:v28+s5+$0x0], $0xffff  }
0x4ef: {  	v36 =	vor.u32 s19, v5;
	v32 =	vand.u32 $0x7E, v32;
	v21 =	vor.u32 v25, v21;
	[tilespmem:v50+s14+$0x0] =	vst.idx.msk $0xffff, v37;
	v27 =	vld.idx.msk [tilespmem:v27+s5+$0x0], $0xffff  }
0x4f0: {  	v37 =	vor.u32 s19, v6;
	v50 =	vor.u32 s19, v7;
	v32 =	vor.u32 v32, v21;
	[tilespmem:v49+s14+$0x0] =	vst.idx.msk $0xffff, v39  }
0x4f1: {  	v52 =	vor.u32 s19, v10;
	v39 =	vor.u32 s19, v8;
	v49 =	vor.u32 s19, v9;
	[tilespmem:v48+s14+$0x0] =	vst.idx.msk $0xffff, v44  }
0x4f2: {  	v54 =	vor.u32 s19, v13;
	v44 =	vor.u32 s19, v11;
	v48 =	vor.u32 s19, v12;
	[tilespmem:v47+s14+$0x0] =	vst.idx.msk $0xffff, v46  }
0x4f3: {  	v33 =	vshll.u32 v22, $0x1;
	v46 =	vor.u32 s19, v14;
	v47 =	vor.u32 s19, v15;
	[tilespmem:v45+s14+$0x0] =	vst.idx.msk $0xffff, v43  }
0x4f4: {  	v55 =	vshll.u32 v34, $0x1;
	v43 =	vshll.u32 v51, $0x1;
	v45 =	vshll.u32 v53, $0x1;
	[tilespmem:v41+s14+$0x0] =	vst.idx.msk $0xffff, v42  }
0x4f5: {  	v31 =	vshll.u32 v31, $0x7;
	v41 =	vshll.u32 v36, $0x1;
	v32 =	vld.idx.msk [tilespmem:v32+s5+$0x0], $0xffff;
	[tilespmem:v40+s14+$0x0] =	vst.idx.msk $0xffff, v1  }
0x4f6: {  	v31 =	vor.u32 v26, v31;
	v1 =	vshll.u32 v37, $0x1;
	v40 =	vshll.u32 v50, $0x1;
	[tilespmem:v38+s14+$0x0] =	vst.idx.msk $0xffff, v30  }
0x4f7: {  	v42 =	vshll.u32 v52, $0x1;
	v30 =	vshll.u32 v39, $0x1;
	v38 =	vshll.u32 v49, $0x1;
	[tilespmem:v35+s14+$0x0] =	vst.idx.msk $0xffff, v29  }
0x4f8: {  	v56 =	vshll.u32 v54, $0x1;
	v29 =	vshll.u32 v44, $0x1;
	v35 =	vshll.u32 v48, $0x1;
	[tilespmem:v17+s14+$0x0] =	vst.idx.msk $0xffff, v28  }
0x4f9: {  	v17 =	vand.u32 $0x7E, v33;
	v28 =	vshll.u32 v46, $0x1;
	v33 =	vshll.u32 v47, $0x1;
	[tilespmem:v19+s14+$0x0] =	vst.idx.msk $0xffff, v27  }
0x4fa: {  	v19 =	vand.u32 $0x7E, v43;
	v27 =	vand.u32 $0x7E, v45;
	v43 =	vand.u32 $0x7E, v55  }
0x4fb: {  	v41 =	vand.u32 $0x7E, v41;
	v1 =	vand.u32 $0x7E, v1;
	v40 =	vand.u32 $0x7E, v40;
	[tilespmem:v31+s14+$0x0] =	vst.idx.msk $0xffff, v32  }
0x4fc: {  	v30 =	vand.u32 $0x7E, v30;
	v31 =	vand.u32 $0x7E, v38;
	v32 =	vand.u32 $0x7E, v42  }
0x4fd: {  	v29 =	vand.u32 $0x7E, v29;
	v35 =	vand.u32 $0x7E, v35;
	v38 =	vand.u32 $0x7E, v56  }
0x4fe: {  	v17 =	vor.u32 v17, v21;
	v28 =	vand.u32 $0x7E, v28;
	v42 =	vand.u32 $0x7E, v33  }
0x4ff: {  	v19 =	vor.u32 v19, v21;
	v45 =	vor.u32 v27, v21;
	v43 =	vor.u32 v43, v21  }
0x500: {  	v41 =	vor.u32 v41, v21;
	v1 =	vor.u32 v1, v21;
	v40 =	vor.u32 v40, v21  }
0x501: {  	v57 =	vor.u32 v30, v21;
	v58 =	vor.u32 v31, v21;
	v59 =	vor.u32 v32, v21  }
0x502: {  	v30 =	vor.u32 v35, v21;
	v31 =	vor.u32 v29, v21;
	v29 =	vor.u32 v38, v21  }
0x503: {  	v28 =	vor.u32 v28, v21;
	v27 =	vor.u32 v42, v21;
	v33 =	vld.idx.msk [tilespmem:v17+s5+$0x0], $0xffff;
	v17 =	vshll.u32 v22, $0x7  }
0x504: {  	v21 =	vshll.u32 v53, $0x7;
	v22 =	vshll.u32 v34, $0x7;
	v32 =	vld.idx.msk [tilespmem:v19+s5+$0x0], $0xffff;
	v19 =	vshll.u32 v51, $0x7  }
0x505: {  	v35 =	vshll.u32 v36, $0x7;
	v38 =	vshll.u32 v37, $0x7;
	v42 =	vshll.u32 v50, $0x7;
	v34 =	vld.idx.msk [tilespmem:v45+s5+$0x0], $0xffff  }
0x506: {  	v60 =	vshll.u32 v52, $0x7;
	v45 =	vshll.u32 v49, $0x7;
	v36 =	vld.idx.msk [tilespmem:v43+s5+$0x0], $0xffff;
	v43 =	vshll.u32 v39, $0x7  }
0x507: {  	v63 =	vshll.u32 v54, $0x7;
	v61 =	vshll.u32 v44, $0x7;
	v62 =	vshll.u32 v48, $0x7;
	v37 =	vld.idx.msk [tilespmem:v41+s5+$0x0], $0xffff  }
.Ltmp21:
0x508: {  	v53 =	vshll.u32 v46, $0x7;
	v56 =	vor.u32 v26, v17;
	v51 =	vshll.u32 v47, $0x7;
	v39 =	vld.idx.msk [tilespmem:v1+s5+$0x0], $0xffff;
	(pc) =	sbr.rel @p1 .LBB2_36-.Ltmp21, $4  }
0x509: {  	v54 =	vor.u32 v26, v21;
	v52 =	vor.u32 v26, v22;
	v55 =	vor.u32 v26, v19;
	v44 =	vld.idx.msk [tilespmem:v40+s5+$0x0], $0xffff  }
0x50a: {  	v50 =	vor.u32 v26, v35;
	v48 =	vor.u32 v26, v42;
	v49 =	vor.u32 v26, v38;
	v46 =	vld.idx.msk [tilespmem:v57+s5+$0x0], $0xffff  }
0x50b: {  	v45 =	vor.u32 v26, v45;
	v47 =	vor.u32 v26, v43;
	v41 =	vor.u32 v26, v60;
	v43 =	vld.idx.msk [tilespmem:v58+s5+$0x0], $0xffff  }
0x50c: {  	v35 =	vor.u32 v26, v63;
	v38 =	vor.u32 v26, v62;
	v40 =	vor.u32 v26, v61;
	v42 =	vld.idx.msk [tilespmem:v59+s5+$0x0], $0xffff  }
0x50d: {  	_ =	sdelay $0x3  }
0x50e: {  	[tilespmem:v56+s14+$0x0] =	vst.idx.msk $0xffff, v33  }
0x50f: {  	[tilespmem:v55+s14+$0x0] =	vst.idx.msk $0xffff, v32  }
0x510: {  	[tilespmem:v54+s14+$0x0] =	vst.idx.msk $0xffff, v34  }
0x511: {  	[tilespmem:v52+s14+$0x0] =	vst.idx.msk $0xffff, v36  }
0x512: {  	[tilespmem:v50+s14+$0x0] =	vst.idx.msk $0xffff, v37  }
0x513: {  	v1 =	vld.idx.msk [tilespmem:v31+s5+$0x0], $0xffff;
	[tilespmem:v49+s14+$0x0] =	vst.idx.msk $0xffff, v39  }
0x514: {  	v17 =	vld.idx.msk [tilespmem:v30+s5+$0x0], $0xffff;
	[tilespmem:v48+s14+$0x0] =	vst.idx.msk $0xffff, v44  }
0x515: {  	v19 =	vld.idx.msk [tilespmem:v29+s5+$0x0], $0xffff;
	[tilespmem:v47+s14+$0x0] =	vst.idx.msk $0xffff, v46  }
0x516: {  	v21 =	vor.u32 v26, v53;
	v22 =	vld.idx.msk [tilespmem:v28+s5+$0x0], $0xffff;
	[tilespmem:v45+s14+$0x0] =	vst.idx.msk $0xffff, v43  }
0x517: {  	v26 =	vor.u32 v26, v51;
	v27 =	vld.idx.msk [tilespmem:v27+s5+$0x0], $0xffff;
	[tilespmem:v41+s14+$0x0] =	vst.idx.msk $0xffff, v42  }
0x518: {  	[tilespmem:v40+s14+$0x0] =	vst.idx.msk $0xffff, v1  }
.Ltmp22:
0x519: {  	[tilespmem:v38+s14+$0x0] =	vst.idx.msk $0xffff, v17;
	(pc) =	sbr.rel .LBB2_38-.Ltmp22, $4  }
0x51a: {  	[tilespmem:v35+s14+$0x0] =	vst.idx.msk $0xffff, v19  }
0x51b: {  	s18 =	sshll.u32 s18, $0xB;
	[tilespmem:v21+s14+$0x0] =	vst.idx.msk $0xffff, v22  }
0x51c: {  	s18 =	sadd.s32 s3, s18;
	[tilespmem:v26+s14+$0x0] =	vst.idx.msk $0xffff, v27  }
0x51d: {  	[hbm4b:s18+s5] =	stream.linear.scatter [tilespmem:s14], [sflag:$0x3], $0x4000, $0x38;
	v22 =	vld [tilespmem:$0x1FFD0]  }
.LBB2_40:
0x51e: {  	_ =	sfence.sel $0x180000  }
0x51f: {  	[bflag:$0x0] =	sbarrier.arrive $0xFFFF  }
0x520: {  	p0 =	sne.s32 s4, $0x0;
	_ =	strace $0x90000047  }
0x521: {  	s0 =	sadd.s32 @!p0 $0x100000, s2;
	[bflag:$0x2] =	sbarrier.arrive $0xFFFF  }
0x522: {  	[sflag:s0] =	ssyncadd.tile.s32 @!p0 $0x1;
	_ =	shalt  }
.Lfunc_end2:
_tile_overlayer_lowered:
.L_overlay_start_2:
0x523: {  	(tag) =	ssettag $0x2  }
0x524: {  	s0 =	rddreg [dreg:$0x0];
	s2 =	stileid.u32  }
0x525: {  	s1 =	rddreg [dreg:$0x1];
	p0 =	sne.s32 s2, $0x0  }
0x526: {  	s3 =	rddreg [dreg:$0x2];
	[bflag:$0x3] =	sbarrier.arrive $0xFFFF;
	s2 =	simm.s32 @!p0 $0x1C04  }
0x527: {  	[timem:s3], [sflag:s2] =	dma.local @!p0 [hbm:s0], s1  }
0x528: {  	s0 =	simm.s32 @!p0 $0x4  }
0x529: {  	_ =	swait.ge @!p0 [sflag:s0], s1  }
0x52a: {  	s1 =	ssub.s32 @!p0 $0x0, s1;
	[sflag:s0] =	ssyncset.done @!p0 $0x0  }
0x52b: {  	[sflag:s0] =	ssyncadd.s32 @!p0 s1  }
0x52c: {  	[bflag:$0x3] =	sbarrier.arrive $0xFFFF  }
0x52d: {  	_ =	shalt  }

</sc_bundles>
